<compile_context>
chip_gen: v7x
topology: tpu7x:2x2x1
jax: 0.10.2.dev20260603
libtpu: 0.0.44.dev20260713+nightly
codegen_flags: <defaults>
</compile_context>

<pallas_src>
import functools

import jax
import jax.numpy as jnp
import numpy as np
from jax import lax
from jax.experimental import pallas as pl
from jax.experimental.pallas import tpu as pltpu
from jax.experimental.pallas import tpu_sc as plsc

N = 10000
NP = 10240
D = 128
E = 320000
G = 64
C = 10
CP = 16
BN_EPS = 1e-5
NC = 2
NS = 16
NW = NC * NS
CH = 128
NCHS = 40
NST = 2
NCH = NCHS * NST
EPW = NCH * CH
EPAD = NW * EPW
RPT = NP // NS
BR = 2048
NBLK = NP // BR

_PAD_TAIL = (N + np.arange(EPAD - E, dtype=np.int32) % (NP - N)).reshape(
    (EPAD - E) // CH, CH)


def _sc_segsum_body(h_hbm, src_hbm, dst_hbm, zeros_hbm, out_hbm,
                    src_v, dst_v, rows_v, acc, s0, s1):
    cid = lax.axis_index("c")
    sid = lax.axis_index("s")
    w = cid * NS + sid
    pltpu.sync_copy(zeros_hbm, rows_v.at[0])
    for j in range(RPT // CH):
        pltpu.sync_copy(rows_v.at[0],
                        acc.at[pl.ds(sid * RPT + j * CH, CH)])
    plsc.subcore_barrier()

    sems = (s0, s1)

    def start(k, b):
        pltpu.async_copy(h_hbm.at[src_v.at[k]], rows_v.at[b], sems[b])

    def wait(k, b):
        pltpu.make_async_copy(h_hbm.at[src_v.at[k]], rows_v.at[b],
                              sems[b]).wait()

    def scat(k, b):
        pltpu.sync_copy(rows_v.at[b], acc.at[dst_v.at[k]], add=True)

    for st in range(NST):
        pltpu.sync_copy(src_hbm.at[pl.ds((w * NST + st) * NCHS, NCHS)],
                        src_v)
        pltpu.sync_copy(dst_hbm.at[pl.ds((w * NST + st) * NCHS, NCHS)],
                        dst_v)
        start(0, 0)

        @pl.loop(0, NCHS, step=2)
        def _(g):
            start(g + 1, 1)
            wait(g, 0)
            scat(g, 0)

            @pl.when(g + 2 < NCHS)
            def _():
                start(g + 2, 0)

            wait(g + 1, 1)
            scat(g + 1, 1)

    plsc.subcore_barrier()
    pltpu.sync_copy(acc.at[pl.ds(sid * RPT, RPT)],
                    out_hbm.at[cid, pl.ds(sid * RPT, RPT)])


@functools.cache
def _get_sc_segsum():
    mesh = plsc.VectorSubcoreMesh(
        core_axis_name="c", subcore_axis_name="s",
        num_cores=NC, num_subcores=NS)
    return pl.kernel(
        _sc_segsum_body,
        out_type=jax.ShapeDtypeStruct((NC, NP, D), jnp.float32),
        mesh=mesh,
        scratch_types=[
            pltpu.VMEM((NCHS, CH), jnp.int32),
            pltpu.VMEM((NCHS, CH), jnp.int32),
            pltpu.VMEM((2, CH, D), jnp.float32),
            pltpu.VMEM_SHARED((NP, D), jnp.float32),
            pltpu.SemaphoreType.DMA,
            pltpu.SemaphoreType.DMA,
        ],
    )


def _mlp_body(h_ref, p_ref, w1_ref, b1_ref, w2_ref, b2_ref,
              gam_ref, bet_ref, hn_ref, hbuf, sacc):
    p = pl.program_id(0)
    i = pl.program_id(1)
    rows = i * BR + lax.broadcasted_iota(jnp.int32, (BR, 1), 0)

    @pl.when(p == 0)
    def _():
        z = h_ref[...] + p_ref[0] + p_ref[1]
        t = lax.dot_general(z, w1_ref[...], (((1,), (1,)), ((), ())),
                            preferred_element_type=jnp.float32) + b1_ref[...]
        t = jnp.maximum(t, 0.0)
        u = lax.dot_general(t, w2_ref[...], (((1,), (1,)), ((), ())),
                            preferred_element_type=jnp.float32) + b2_ref[...]
        hp = jnp.where(rows < N, jnp.maximum(u, 0.0), 0.0)
        hbuf[pl.ds(i * BR, BR), :] = hp

        @pl.when(i == 0)
        def _():
            sacc[...] = jnp.zeros_like(sacc)

        sacc[0:1, :] += jnp.sum(hp, axis=0, keepdims=True)
        sacc[1:2, :] += jnp.sum(hp * hp, axis=0, keepdims=True)

    @pl.when(p == 1)
    def _():
        mu = sacc[0:1, :] * (1.0 / N)
        var = sacc[1:2, :] * (1.0 / N) - mu * mu
        a = gam_ref[...] * lax.rsqrt(var + BN_EPS)
        cc = bet_ref[...] - mu * a
        hp = hbuf[pl.ds(i * BR, BR), :]
        hn_ref[...] = jnp.where(rows < N, a * hp + cc, 0.0)


_mlp_call = pl.pallas_call(
    _mlp_body,
    grid=(2, NBLK),
    in_specs=[
        pl.BlockSpec((BR, D), lambda p, i: (i * (1 - p), 0)),
        pl.BlockSpec((NC, BR, D), lambda p, i: (0, i * (1 - p), 0)),
        pl.BlockSpec((D, D), lambda p, i: (0, 0)),
        pl.BlockSpec((1, D), lambda p, i: (0, 0)),
        pl.BlockSpec((D, D), lambda p, i: (0, 0)),
        pl.BlockSpec((1, D), lambda p, i: (0, 0)),
        pl.BlockSpec((1, D), lambda p, i: (0, 0)),
        pl.BlockSpec((1, D), lambda p, i: (0, 0)),
    ],
    out_specs=pl.BlockSpec((BR, D), lambda p, i: (i * p, 0)),
    out_shape=jax.ShapeDtypeStruct((NP, D), jnp.float32),
    scratch_shapes=[pltpu.VMEM((NP, D), jnp.float32),
                    pltpu.VMEM((2, D), jnp.float32)],
)


def _pool_body(hn_ref, batch_ref, pool_ref, pacc):
    i = pl.program_id(0)
    oh = (lax.broadcasted_iota(jnp.int32, (G, BR), 0)
          == batch_ref[...]).astype(jnp.float32)
    part = lax.dot_general(oh, hn_ref[...], (((1,), (0,)), ((), ())),
                           preferred_element_type=jnp.float32)

    @pl.when(i == 0)
    def _():
        pacc[...] = jnp.zeros_like(pacc)

    pacc[...] += part

    @pl.when(i == NBLK - 1)
    def _():
        pool_ref[...] = pacc[...]


_pool_call = pl.pallas_call(
    _pool_body,
    grid=(NBLK,),
    in_specs=[
        pl.BlockSpec((BR, D), lambda i: (i, 0)),
        pl.BlockSpec((1, BR), lambda i: (0, i)),
    ],
    out_specs=pl.BlockSpec((G, D), lambda i: (0, 0)),
    out_shape=jax.ShapeDtypeStruct((G, D), jnp.float32),
    scratch_shapes=[pltpu.VMEM((G, D), jnp.float32)],
)


def _head_body(hn_ref, batch_ref, p1, p2, wa, wb, wc, lb, wf, bf,
               out_ref, pacc):
    i = pl.program_id(0)
    oh = (lax.broadcasted_iota(jnp.int32, (G, BR), 0)
          == batch_ref[...]).astype(jnp.float32)
    dn = (((1,), (0,)), ((), ()))
    part = lax.dot_general(oh, hn_ref[...], dn,
                           preferred_element_type=jnp.float32)

    @pl.when(i == 0)
    def _():
        pacc[...] = jnp.zeros_like(pacc)

    pacc[...] += part

    @pl.when(i == NBLK - 1)
    def _():
        p3 = pacc[...]
        y = (lax.dot_general(p1[...], wa[...], dn,
                             preferred_element_type=jnp.float32)
             + lax.dot_general(p2[...], wb[...], dn,
                               preferred_element_type=jnp.float32)
             + lax.dot_general(p3, wc[...], dn,
                               preferred_element_type=jnp.float32)
             + lb[...])
        y = jnp.maximum(y, 0.0)
        lg = lax.dot_general(y, wf[...], dn,
                             preferred_element_type=jnp.float32) + bf[...]
        col = lax.broadcasted_iota(jnp.int32, (G, CP), 1)
        lgm = jnp.where(col < C, lg, jnp.float32(-1e30))
        m = jnp.max(lgm, axis=1, keepdims=True)
        ssum = jnp.sum(jnp.exp(lgm - m), axis=1, keepdims=True)
        out_ref[...] = (lgm - m - jnp.log(ssum))[:, :C]


_head_call = pl.pallas_call(
    _head_body,
    grid=(NBLK,),
    in_specs=[
        pl.BlockSpec((BR, D), lambda i: (i, 0)),
        pl.BlockSpec((1, BR), lambda i: (0, i)),
        pl.BlockSpec((G, D), lambda i: (0, 0)),
        pl.BlockSpec((G, D), lambda i: (0, 0)),
        pl.BlockSpec((D, D), lambda i: (0, 0)),
        pl.BlockSpec((D, D), lambda i: (0, 0)),
        pl.BlockSpec((D, D), lambda i: (0, 0)),
        pl.BlockSpec((1, D), lambda i: (0, 0)),
        pl.BlockSpec((D, CP), lambda i: (0, 0)),
        pl.BlockSpec((1, CP), lambda i: (0, 0)),
    ],
    out_specs=pl.BlockSpec((G, C), lambda i: (0, 0)),
    out_shape=jax.ShapeDtypeStruct((G, C), jnp.float32),
    scratch_shapes=[pltpu.VMEM((G, D), jnp.float32)],
)


def kernel(x, edge_index, batch, W1, b1, W2, b2, gamma, beta,
           lin_W, lin_b, linf_W, linf_b):
    i32 = jnp.int32
    src = edge_index[0]
    dst = edge_index[1]
    tail = jnp.asarray(_PAD_TAIL)
    srcp = jnp.concatenate([src.reshape(E // CH, CH), tail])
    dstp = jnp.concatenate([dst.reshape(E // CH, CH), tail])
    zeros_h = jnp.zeros((CH, D), jnp.float32)
    batchp = jnp.concatenate(
        [batch, jnp.full((NP - N,), G, i32)]).reshape(1, NP)
    h = jnp.pad(x, ((0, NP - N), (0, 0)))
    lin_WT = lin_W.T
    wf = jnp.pad(linf_W.T, ((0, 0), (0, CP - C)))
    bf = jnp.pad(linf_b, (0, CP - C)).reshape(1, CP)

    pools = []
    for i in range(3):
        parts = _get_sc_segsum()(h, srcp, dstp, zeros_h)
        h = _mlp_call(h, parts, W1[i], b1[i].reshape(1, D),
                      W2[i], b2[i].reshape(1, D),
                      gamma[i].reshape(1, D), beta[i].reshape(1, D))
        if i < 2:
            pools.append(_pool_call(h, batchp))

    return _head_call(h, batchp, pools[0], pools[1],
                      lin_WT[0:D], lin_WT[D:2 * D], lin_WT[2 * D:3 * D],
                      lin_b.reshape(1, D), wf, bf)

# --- scband reference (transcript-rebuilt; emitter-appended) ---
"""Pipeline reference for scband-gin-74062416053220 (READ-ONLY COPY).

The authoritative reference and input builder live on the scoring server;
editing this copy changes nothing except your own understanding.
"""

import jax, jax.numpy as jnp
import numpy as np

N = 10000
E = 320000
F_IN = 128
DIM = 128
L = 3
G = 64
C = 10
BN_EPS = 1e-5


def setup_inputs(seed: int = 0) -> dict:
    key = jax.random.key(seed)
    ks = jax.random.split(key, 16)
    scale = 0.05
    x = jax.random.normal(ks[0], (N, F_IN), dtype=jnp.float32)
    edge_index = jax.random.randint(ks[1], (2, E), 0, N, dtype=jnp.int32)
    batch = jnp.sort(jax.random.randint(ks[2], (N,), 0, G, dtype=jnp.int32))
    # Per-layer GIN MLP params (num_features == dim so all layers share shapes; stacked over L)
    W1 = jax.random.normal(ks[3], (L, DIM, F_IN), dtype=jnp.float32) * scale
    b1 = jnp.zeros((L, DIM), dtype=jnp.float32)
    W2 = jax.random.normal(ks[4], (L, DIM, DIM), dtype=jnp.float32) * scale
    b2 = jnp.zeros((L, DIM), dtype=jnp.float32)
    gamma = jnp.ones((L, DIM), dtype=jnp.float32)
    beta = jnp.zeros((L, DIM), dtype=jnp.float32)
    lin_W = jax.random.normal(ks[5], (DIM, DIM * L), dtype=jnp.float32) * scale
    lin_b = jnp.zeros((DIM,), dtype=jnp.float32)
    linf_W = jax.random.normal(ks[6], (C, DIM), dtype=jnp.float32) * scale
    linf_b = jnp.zeros((C,), dtype=jnp.float32)
    return {"x": x, "edge_index": edge_index, "batch": batch,
            "W1": W1, "b1": b1, "W2": W2, "b2": b2,
            "gamma": gamma, "beta": beta,
            "lin_W": lin_W, "lin_b": lin_b, "linf_W": linf_W, "linf_b": linf_b}


def reference(x, edge_index, batch, W1, b1, W2, b2, gamma, beta, lin_W, lin_b, linf_W, linf_b):
    src = edge_index[0]
    dst = edge_index[1]
    h = x
    pools = []
    for i in range(L):
        # GINConv: MLP((1 + eps) * x + sum_{j in N(i)} x_j), eps = 0
        agg = jax.ops.segment_sum(h[src], dst, num_segments=N)
        z = h + agg
        z = jax.nn.relu(z @ W1[i].T + b1[i])
        z = z @ W2[i].T + b2[i]
        h = jax.nn.relu(z)
        # BatchNorm1d (training-mode batch statistics, biased variance)
        mu = jnp.mean(h, axis=0)
        var = jnp.mean((h - mu) ** 2, axis=0)
        h = gamma[i] * (h - mu) / jnp.sqrt(var + BN_EPS) + beta[i]
        # global_add_pool
        pools.append(jax.ops.segment_sum(h, batch, num_segments=G))
    xp = jnp.concatenate(pools, axis=1)
    out = jax.nn.relu(xp @ lin_W.T + lin_b)
    out = out @ linf_W.T + linf_b
    return jax.nn.log_softmax(out, axis=-1)

if __name__ == "__main__":
    import jax
    _d = setup_inputs()
    print(jax.jit(kernel)(*tuple(_d.values())))

</pallas_src>

<mosaic_0001>
#map = affine_map<(d0, d1) -> (0, 0)>
#map1 = affine_map<(d0, d1) -> (0, 0, 0)>
module attributes {stable_mosaic.version = 14 : i64} {
  func.func @_sc_segsum_body(%arg0: i32, %arg1: i32, %arg2: memref<10240x128xf32, #tpu.memory_space<hbm>>, %arg3: memref<2560x128xi32, #tpu.memory_space<hbm>>, %arg4: memref<2560x128xi32, #tpu.memory_space<hbm>>, %arg5: memref<128x128xf32, #tpu.memory_space<hbm>>, %arg6: memref<2x10240x128xf32, #tpu.memory_space<hbm>>, %arg7: memref<40x128xi32, #tpu.memory_space<vmem>>, %arg8: memref<40x128xi32, #tpu.memory_space<vmem>>, %arg9: memref<2x128x128xf32, #tpu.memory_space<vmem>>, %arg10: memref<10240x128xf32, #tpu.memory_space<vmem_shared>>, %arg11: memref<!tpu.dma_semaphore, #tpu.memory_space<semaphore_mem>>, %arg12: memref<!tpu.dma_semaphore, #tpu.memory_space<semaphore_mem>>) attributes {dimension_semantics = [#tpu.dimension_semantics<core_parallel>, #tpu.dimension_semantics<subcore_parallel>], iteration_bounds = array<i64: 2, 16>, scalar_prefetch = 0 : i64, scratch_operands = 6 : i64, tpu.core_type = #tpu.core_type<sc_vector_subcore>, window_params = [{transform_indices = #map}, {transform_indices = #map}, {transform_indices = #map}, {transform_indices = #map}, {transform_indices = #map1}]} {
    %mul3A = arith.constant 16 : i32
    %mul3A_0 = arith.muli %arg0, %mul3A : i32
    %add3A = arith.addi %mul3A_0, %arg1 : i32
    %run_scoped3A = arith.constant 0 : i32
    "tpu.region"() ({
      %run_scoped3A_87 = tpu.sem_alloc : memref<!tpu.dma_semaphore, #tpu.memory_space<semaphore_mem>>
      %dma_start3A_88 = arith.constant 0 : i32
      %dma_start3A_89 = arith.constant 0 : i32
      %dma_start3A_90 = tpu.memref_slice %arg9[%run_scoped3A, %dma_start3A_88, %dma_start3A_89] : memref<2x128x128xf32, #tpu.memory_space<vmem>> -> memref<1x128x128xf32, #tpu.memory_space<vmem>>
      %dma_start3A_91 = tpu.memref_squeeze %dma_start3A_90 : memref<1x128x128xf32, #tpu.memory_space<vmem>> -> memref<128x128xf32, #tpu.memory_space<vmem>>
      %dma_start3A_92 = arith.constant 0 : i32
      %dma_start3A_93 = arith.constant 0 : i32
      %dma_start3A_94 = tpu.memref_slice %arg9[%run_scoped3A, %dma_start3A_92, %dma_start3A_93] : memref<2x128x128xf32, #tpu.memory_space<vmem>> -> memref<1x128x128xf32, #tpu.memory_space<vmem>>
      %dma_start3A_95 = tpu.memref_squeeze %dma_start3A_94 : memref<1x128x128xf32, #tpu.memory_space<vmem>> -> memref<128x128xf32, #tpu.memory_space<vmem>>
      tpu.enqueue_dma source(%arg5 : memref<128x128xf32, #tpu.memory_space<hbm>>) target(%dma_start3A_95 : memref<128x128xf32, #tpu.memory_space<vmem>>) target_semaphore(%run_scoped3A_87 : memref<!tpu.dma_semaphore, #tpu.memory_space<semaphore_mem>>)
      %dma_wait3A = arith.constant 0 : i32
      %dma_wait3A_96 = arith.constant 0 : i32
      %dma_wait3A_97 = tpu.memref_slice %arg9[%run_scoped3A, %dma_wait3A, %dma_wait3A_96] : memref<2x128x128xf32, #tpu.memory_space<vmem>> -> memref<1x128x128xf32, #tpu.memory_space<vmem>>
      %dma_wait3A_98 = tpu.memref_squeeze %dma_wait3A_97 : memref<1x128x128xf32, #tpu.memory_space<vmem>> -> memref<128x128xf32, #tpu.memory_space<vmem>>
      %dma_wait3A_99 = arith.constant 0 : i32
      %dma_wait3A_100 = arith.constant 0 : i32
      %dma_wait3A_101 = tpu.memref_slice %arg9[%run_scoped3A, %dma_wait3A_99, %dma_wait3A_100] : memref<2x128x128xf32, #tpu.memory_space<vmem>> -> memref<1x128x128xf32, #tpu.memory_space<vmem>>
      %dma_wait3A_102 = tpu.memref_squeeze %dma_wait3A_101 : memref<1x128x128xf32, #tpu.memory_space<vmem>> -> memref<128x128xf32, #tpu.memory_space<vmem>>
      tpu.wait_dma2 semaphore(%run_scoped3A_87 : memref<!tpu.dma_semaphore, #tpu.memory_space<semaphore_mem>>) src(%arg5 : memref<128x128xf32, #tpu.memory_space<hbm>>) dst(%dma_wait3A_102 : memref<128x128xf32, #tpu.memory_space<vmem>>)
      tpu.yield
    }) : () -> ()
    %mul3A_1 = arith.constant 640 : i32
    %mul3A_2 = arith.muli %arg1, %mul3A_1 : i32
    %add3A_3 = arith.constant 0 : i32
    %add3A_4 = arith.addi %mul3A_2, %add3A_3 : i32
    %run_scoped3A_5 = arith.constant 0 : i32
    "tpu.region"() ({
      %run_scoped3A_87 = tpu.sem_alloc : memref<!tpu.dma_semaphore, #tpu.memory_space<semaphore_mem>>
      %dma_start3A_88 = arith.constant 0 : i32
      %dma_start3A_89 = arith.constant 0 : i32
      %dma_start3A_90 = tpu.memref_slice %arg9[%run_scoped3A_5, %dma_start3A_88, %dma_start3A_89] : memref<2x128x128xf32, #tpu.memory_space<vmem>> -> memref<1x128x128xf32, #tpu.memory_space<vmem>>
      %dma_start3A_91 = tpu.memref_squeeze %dma_start3A_90 : memref<1x128x128xf32, #tpu.memory_space<vmem>> -> memref<128x128xf32, #tpu.memory_space<vmem>>
      %dma_start3A_92 = arith.constant 0 : i32
      %dma_start3A_93 = tpu.memref_slice %arg10[%add3A_4, %dma_start3A_92] : memref<10240x128xf32, #tpu.memory_space<vmem_shared>> -> memref<128x128xf32, #tpu.memory_space<vmem_shared>>
      %dma_start3A_94 = arith.constant 0 : i32
      %dma_start3A_95 = tpu.memref_slice %arg10[%add3A_4, %dma_start3A_94] : memref<10240x128xf32, #tpu.memory_space<vmem_shared>> -> memref<128x128xf32, #tpu.memory_space<vmem_shared>>
      %dma_start3A_96 = arith.constant 0 : i32
      %dma_start3A_97 = arith.constant 0 : i32
      %dma_start3A_98 = tpu.memref_slice %arg9[%run_scoped3A_5, %dma_start3A_96, %dma_start3A_97] : memref<2x128x128xf32, #tpu.memory_space<vmem>> -> memref<1x128x128xf32, #tpu.memory_space<vmem>>
      %dma_start3A_99 = tpu.memref_squeeze %dma_start3A_98 : memref<1x128x128xf32, #tpu.memory_space<vmem>> -> memref<128x128xf32, #tpu.memory_space<vmem>>
      tpu.enqueue_dma source(%dma_start3A_99 : memref<128x128xf32, #tpu.memory_space<vmem>>) target(%dma_start3A_95 : memref<128x128xf32, #tpu.memory_space<vmem_shared>>) target_semaphore(%run_scoped3A_87 : memref<!tpu.dma_semaphore, #tpu.memory_space<semaphore_mem>>)
      %dma_wait3A = arith.constant 0 : i32
      %dma_wait3A_100 = arith.constant 0 : i32
      %dma_wait3A_101 = tpu.memref_slice %arg9[%run_scoped3A_5, %dma_wait3A, %dma_wait3A_100] : memref<2x128x128xf32, #tpu.memory_space<vmem>> -> memref<1x128x128xf32, #tpu.memory_space<vmem>>
      %dma_wait3A_102 = tpu.memref_squeeze %dma_wait3A_101 : memref<1x128x128xf32, #tpu.memory_space<vmem>> -> memref<128x128xf32, #tpu.memory_space<vmem>>
      %dma_wait3A_103 = arith.constant 0 : i32
      %dma_wait3A_104 = tpu.memref_slice %arg10[%add3A_4, %dma_wait3A_103] : memref<10240x128xf32, #tpu.memory_space<vmem_shared>> -> memref<128x128xf32, #tpu.memory_space<vmem_shared>>
      %dma_wait3A_105 = arith.constant 0 : i32
      %dma_wait3A_106 = tpu.memref_slice %arg10[%add3A_4, %dma_wait3A_105] : memref<10240x128xf32, #tpu.memory_space<vmem_shared>> -> memref<128x128xf32, #tpu.memory_space<vmem_shared>>
      %dma_wait3A_107 = arith.constant 0 : i32
      %dma_wait3A_108 = arith.constant 0 : i32
      %dma_wait3A_109 = tpu.memref_slice %arg9[%run_scoped3A_5, %dma_wait3A_107, %dma_wait3A_108] : memref<2x128x128xf32, #tpu.memory_space<vmem>> -> memref<1x128x128xf32, #tpu.memory_space<vmem>>
      %dma_wait3A_110 = tpu.memref_squeeze %dma_wait3A_109 : memref<1x128x128xf32, #tpu.memory_space<vmem>> -> memref<128x128xf32, #tpu.memory_space<vmem>>
      tpu.wait_dma2 semaphore(%run_scoped3A_87 : memref<!tpu.dma_semaphore, #tpu.memory_space<semaphore_mem>>) src(%dma_wait3A_110 : memref<128x128xf32, #tpu.memory_space<vmem>>) dst(%dma_wait3A_106 : memref<128x128xf32, #tpu.memory_space<vmem_shared>>)
      tpu.yield
    }) : () -> ()
    %mul3A_6 = arith.constant 640 : i32
    %mul3A_7 = arith.muli %arg1, %mul3A_6 : i32
    %add3A_8 = arith.constant 128 : i32
    %add3A_9 = arith.addi %mul3A_7, %add3A_8 : i32
    %run_scoped3A_10 = arith.constant 0 : i32
    "tpu.region"() ({
      %run_scoped3A_87 = tpu.sem_alloc : memref<!tpu.dma_semaphore, #tpu.memory_space<semaphore_mem>>
      %dma_start3A_88 = arith.constant 0 : i32
      %dma_start3A_89 = arith.constant 0 : i32
      %dma_start3A_90 = tpu.memref_slice %arg9[%run_scoped3A_10, %dma_start3A_88, %dma_start3A_89] : memref<2x128x128xf32, #tpu.memory_space<vmem>> -> memref<1x128x128xf32, #tpu.memory_space<vmem>>
      %dma_start3A_91 = tpu.memref_squeeze %dma_start3A_90 : memref<1x128x128xf32, #tpu.memory_space<vmem>> -> memref<128x128xf32, #tpu.memory_space<vmem>>
      %dma_start3A_92 = arith.constant 0 : i32
      %dma_start3A_93 = tpu.memref_slice %arg10[%add3A_9, %dma_start3A_92] : memref<10240x128xf32, #tpu.memory_space<vmem_shared>> -> memref<128x128xf32, #tpu.memory_space<vmem_shared>>
      %dma_start3A_94 = arith.constant 0 : i32
      %dma_start3A_95 = tpu.memref_slice %arg10[%add3A_9, %dma_start3A_94] : memref<10240x128xf32, #tpu.memory_space<vmem_shared>> -> memref<128x128xf32, #tpu.memory_space<vmem_shared>>
      %dma_start3A_96 = arith.constant 0 : i32
      %dma_start3A_97 = arith.constant 0 : i32
      %dma_start3A_98 = tpu.memref_slice %arg9[%run_scoped3A_10, %dma_start3A_96, %dma_start3A_97] : memref<2x128x128xf32, #tpu.memory_space<vmem>> -> memref<1x128x128xf32, #tpu.memory_space<vmem>>
      %dma_start3A_99 = tpu.memref_squeeze %dma_start3A_98 : memref<1x128x128xf32, #tpu.memory_space<vmem>> -> memref<128x128xf32, #tpu.memory_space<vmem>>
      tpu.enqueue_dma source(%dma_start3A_99 : memref<128x128xf32, #tpu.memory_space<vmem>>) target(%dma_start3A_95 : memref<128x128xf32, #tpu.memory_space<vmem_shared>>) target_semaphore(%run_scoped3A_87 : memref<!tpu.dma_semaphore, #tpu.memory_space<semaphore_mem>>)
      %dma_wait3A = arith.constant 0 : i32
      %dma_wait3A_100 = arith.constant 0 : i32
      %dma_wait3A_101 = tpu.memref_slice %arg9[%run_scoped3A_10, %dma_wait3A, %dma_wait3A_100] : memref<2x128x128xf32, #tpu.memory_space<vmem>> -> memref<1x128x128xf32, #tpu.memory_space<vmem>>
      %dma_wait3A_102 = tpu.memref_squeeze %dma_wait3A_101 : memref<1x128x128xf32, #tpu.memory_space<vmem>> -> memref<128x128xf32, #tpu.memory_space<vmem>>
      %dma_wait3A_103 = arith.constant 0 : i32
      %dma_wait3A_104 = tpu.memref_slice %arg10[%add3A_9, %dma_wait3A_103] : memref<10240x128xf32, #tpu.memory_space<vmem_shared>> -> memref<128x128xf32, #tpu.memory_space<vmem_shared>>
      %dma_wait3A_105 = arith.constant 0 : i32
      %dma_wait3A_106 = tpu.memref_slice %arg10[%add3A_9, %dma_wait3A_105] : memref<10240x128xf32, #tpu.memory_space<vmem_shared>> -> memref<128x128xf32, #tpu.memory_space<vmem_shared>>
      %dma_wait3A_107 = arith.constant 0 : i32
      %dma_wait3A_108 = arith.constant 0 : i32
      %dma_wait3A_109 = tpu.memref_slice %arg9[%run_scoped3A_10, %dma_wait3A_107, %dma_wait3A_108] : memref<2x128x128xf32, #tpu.memory_space<vmem>> -> memref<1x128x128xf32, #tpu.memory_space<vmem>>
      %dma_wait3A_110 = tpu.memref_squeeze %dma_wait3A_109 : memref<1x128x128xf32, #tpu.memory_space<vmem>> -> memref<128x128xf32, #tpu.memory_space<vmem>>
      tpu.wait_dma2 semaphore(%run_scoped3A_87 : memref<!tpu.dma_semaphore, #tpu.memory_space<semaphore_mem>>) src(%dma_wait3A_110 : memref<128x128xf32, #tpu.memory_space<vmem>>) dst(%dma_wait3A_106 : memref<128x128xf32, #tpu.memory_space<vmem_shared>>)
      tpu.yield
    }) : () -> ()
    %mul3A_11 = arith.constant 640 : i32
    %mul3A_12 = arith.muli %arg1, %mul3A_11 : i32
    %add3A_13 = arith.constant 256 : i32
    %add3A_14 = arith.addi %mul3A_12, %add3A_13 : i32
    %run_scoped3A_15 = arith.constant 0 : i32
    "tpu.region"() ({
      %run_scoped3A_87 = tpu.sem_alloc : memref<!tpu.dma_semaphore, #tpu.memory_space<semaphore_mem>>
      %dma_start3A_88 = arith.constant 0 : i32
      %dma_start3A_89 = arith.constant 0 : i32
      %dma_start3A_90 = tpu.memref_slice %arg9[%run_scoped3A_15, %dma_start3A_88, %dma_start3A_89] : memref<2x128x128xf32, #tpu.memory_space<vmem>> -> memref<1x128x128xf32, #tpu.memory_space<vmem>>
      %dma_start3A_91 = tpu.memref_squeeze %dma_start3A_90 : memref<1x128x128xf32, #tpu.memory_space<vmem>> -> memref<128x128xf32, #tpu.memory_space<vmem>>
      %dma_start3A_92 = arith.constant 0 : i32
      %dma_start3A_93 = tpu.memref_slice %arg10[%add3A_14, %dma_start3A_92] : memref<10240x128xf32, #tpu.memory_space<vmem_shared>> -> memref<128x128xf32, #tpu.memory_space<vmem_shared>>
      %dma_start3A_94 = arith.constant 0 : i32
      %dma_start3A_95 = tpu.memref_slice %arg10[%add3A_14, %dma_start3A_94] : memref<10240x128xf32, #tpu.memory_space<vmem_shared>> -> memref<128x128xf32, #tpu.memory_space<vmem_shared>>
      %dma_start3A_96 = arith.constant 0 : i32
      %dma_start3A_97 = arith.constant 0 : i32
      %dma_start3A_98 = tpu.memref_slice %arg9[%run_scoped3A_15, %dma_start3A_96, %dma_start3A_97] : memref<2x128x128xf32, #tpu.memory_space<vmem>> -> memref<1x128x128xf32, #tpu.memory_space<vmem>>
      %dma_start3A_99 = tpu.memref_squeeze %dma_start3A_98 : memref<1x128x128xf32, #tpu.memory_space<vmem>> -> memref<128x128xf32, #tpu.memory_space<vmem>>
      tpu.enqueue_dma source(%dma_start3A_99 : memref<128x128xf32, #tpu.memory_space<vmem>>) target(%dma_start3A_95 : memref<128x128xf32, #tpu.memory_space<vmem_shared>>) target_semaphore(%run_scoped3A_87 : memref<!tpu.dma_semaphore, #tpu.memory_space<semaphore_mem>>)
      %dma_wait3A = arith.constant 0 : i32
      %dma_wait3A_100 = arith.constant 0 : i32
      %dma_wait3A_101 = tpu.memref_slice %arg9[%run_scoped3A_15, %dma_wait3A, %dma_wait3A_100] : memref<2x128x128xf32, #tpu.memory_space<vmem>> -> memref<1x128x128xf32, #tpu.memory_space<vmem>>
      %dma_wait3A_102 = tpu.memref_squeeze %dma_wait3A_101 : memref<1x128x128xf32, #tpu.memory_space<vmem>> -> memref<128x128xf32, #tpu.memory_space<vmem>>
      %dma_wait3A_103 = arith.constant 0 : i32
      %dma_wait3A_104 = tpu.memref_slice %arg10[%add3A_14, %dma_wait3A_103] : memref<10240x128xf32, #tpu.memory_space<vmem_shared>> -> memref<128x128xf32, #tpu.memory_space<vmem_shared>>
      %dma_wait3A_105 = arith.constant 0 : i32
      %dma_wait3A_106 = tpu.memref_slice %arg10[%add3A_14, %dma_wait3A_105] : memref<10240x128xf32, #tpu.memory_space<vmem_shared>> -> memref<128x128xf32, #tpu.memory_space<vmem_shared>>
      %dma_wait3A_107 = arith.constant 0 : i32
      %dma_wait3A_108 = arith.constant 0 : i32
      %dma_wait3A_109 = tpu.memref_slice %arg9[%run_scoped3A_15, %dma_wait3A_107, %dma_wait3A_108] : memref<2x128x128xf32, #tpu.memory_space<vmem>> -> memref<1x128x128xf32, #tpu.memory_space<vmem>>
      %dma_wait3A_110 = tpu.memref_squeeze %dma_wait3A_109 : memref<1x128x128xf32, #tpu.memory_space<vmem>> -> memref<128x128xf32, #tpu.memory_space<vmem>>
      tpu.wait_dma2 semaphore(%run_scoped3A_87 : memref<!tpu.dma_semaphore, #tpu.memory_space<semaphore_mem>>) src(%dma_wait3A_110 : memref<128x128xf32, #tpu.memory_space<vmem>>) dst(%dma_wait3A_106 : memref<128x128xf32, #tpu.memory_space<vmem_shared>>)
      tpu.yield
    }) : () -> ()
    %mul3A_16 = arith.constant 640 : i32
    %mul3A_17 = arith.muli %arg1, %mul3A_16 : i32
    %add3A_18 = arith.constant 384 : i32
    %add3A_19 = arith.addi %mul3A_17, %add3A_18 : i32
    %run_scoped3A_20 = arith.constant 0 : i32
    "tpu.region"() ({
      %run_scoped3A_87 = tpu.sem_alloc : memref<!tpu.dma_semaphore, #tpu.memory_space<semaphore_mem>>
      %dma_start3A_88 = arith.constant 0 : i32
      %dma_start3A_89 = arith.constant 0 : i32
      %dma_start3A_90 = tpu.memref_slice %arg9[%run_scoped3A_20, %dma_start3A_88, %dma_start3A_89] : memref<2x128x128xf32, #tpu.memory_space<vmem>> -> memref<1x128x128xf32, #tpu.memory_space<vmem>>
      %dma_start3A_91 = tpu.memref_squeeze %dma_start3A_90 : memref<1x128x128xf32, #tpu.memory_space<vmem>> -> memref<128x128xf32, #tpu.memory_space<vmem>>
      %dma_start3A_92 = arith.constant 0 : i32
      %dma_start3A_93 = tpu.memref_slice %arg10[%add3A_19, %dma_start3A_92] : memref<10240x128xf32, #tpu.memory_space<vmem_shared>> -> memref<128x128xf32, #tpu.memory_space<vmem_shared>>
      %dma_start3A_94 = arith.constant 0 : i32
      %dma_start3A_95 = tpu.memref_slice %arg10[%add3A_19, %dma_start3A_94] : memref<10240x128xf32, #tpu.memory_space<vmem_shared>> -> memref<128x128xf32, #tpu.memory_space<vmem_shared>>
      %dma_start3A_96 = arith.constant 0 : i32
      %dma_start3A_97 = arith.constant 0 : i32
      %dma_start3A_98 = tpu.memref_slice %arg9[%run_scoped3A_20, %dma_start3A_96, %dma_start3A_97] : memref<2x128x128xf32, #tpu.memory_space<vmem>> -> memref<1x128x128xf32, #tpu.memory_space<vmem>>
      %dma_start3A_99 = tpu.memref_squeeze %dma_start3A_98 : memref<1x128x128xf32, #tpu.memory_space<vmem>> -> memref<128x128xf32, #tpu.memory_space<vmem>>
      tpu.enqueue_dma source(%dma_start3A_99 : memref<128x128xf32, #tpu.memory_space<vmem>>) target(%dma_start3A_95 : memref<128x128xf32, #tpu.memory_space<vmem_shared>>) target_semaphore(%run_scoped3A_87 : memref<!tpu.dma_semaphore, #tpu.memory_space<semaphore_mem>>)
      %dma_wait3A = arith.constant 0 : i32
      %dma_wait3A_100 = arith.constant 0 : i32
      %dma_wait3A_101 = tpu.memref_slice %arg9[%run_scoped3A_20, %dma_wait3A, %dma_wait3A_100] : memref<2x128x128xf32, #tpu.memory_space<vmem>> -> memref<1x128x128xf32, #tpu.memory_space<vmem>>
      %dma_wait3A_102 = tpu.memref_squeeze %dma_wait3A_101 : memref<1x128x128xf32, #tpu.memory_space<vmem>> -> memref<128x128xf32, #tpu.memory_space<vmem>>
      %dma_wait3A_103 = arith.constant 0 : i32
      %dma_wait3A_104 = tpu.memref_slice %arg10[%add3A_19, %dma_wait3A_103] : memref<10240x128xf32, #tpu.memory_space<vmem_shared>> -> memref<128x128xf32, #tpu.memory_space<vmem_shared>>
      %dma_wait3A_105 = arith.constant 0 : i32
      %dma_wait3A_106 = tpu.memref_slice %arg10[%add3A_19, %dma_wait3A_105] : memref<10240x128xf32, #tpu.memory_space<vmem_shared>> -> memref<128x128xf32, #tpu.memory_space<vmem_shared>>
      %dma_wait3A_107 = arith.constant 0 : i32
      %dma_wait3A_108 = arith.constant 0 : i32
      %dma_wait3A_109 = tpu.memref_slice %arg9[%run_scoped3A_20, %dma_wait3A_107, %dma_wait3A_108] : memref<2x128x128xf32, #tpu.memory_space<vmem>> -> memref<1x128x128xf32, #tpu.memory_space<vmem>>
      %dma_wait3A_110 = tpu.memref_squeeze %dma_wait3A_109 : memref<1x128x128xf32, #tpu.memory_space<vmem>> -> memref<128x128xf32, #tpu.memory_space<vmem>>
      tpu.wait_dma2 semaphore(%run_scoped3A_87 : memref<!tpu.dma_semaphore, #tpu.memory_space<semaphore_mem>>) src(%dma_wait3A_110 : memref<128x128xf32, #tpu.memory_space<vmem>>) dst(%dma_wait3A_106 : memref<128x128xf32, #tpu.memory_space<vmem_shared>>)
      tpu.yield
    }) : () -> ()
    %mul3A_21 = arith.constant 640 : i32
    %mul3A_22 = arith.muli %arg1, %mul3A_21 : i32
    %add3A_23 = arith.constant 512 : i32
    %add3A_24 = arith.addi %mul3A_22, %add3A_23 : i32
    %run_scoped3A_25 = arith.constant 0 : i32
    "tpu.region"() ({
      %run_scoped3A_87 = tpu.sem_alloc : memref<!tpu.dma_semaphore, #tpu.memory_space<semaphore_mem>>
      %dma_start3A_88 = arith.constant 0 : i32
      %dma_start3A_89 = arith.constant 0 : i32
      %dma_start3A_90 = tpu.memref_slice %arg9[%run_scoped3A_25, %dma_start3A_88, %dma_start3A_89] : memref<2x128x128xf32, #tpu.memory_space<vmem>> -> memref<1x128x128xf32, #tpu.memory_space<vmem>>
      %dma_start3A_91 = tpu.memref_squeeze %dma_start3A_90 : memref<1x128x128xf32, #tpu.memory_space<vmem>> -> memref<128x128xf32, #tpu.memory_space<vmem>>
      %dma_start3A_92 = arith.constant 0 : i32
      %dma_start3A_93 = tpu.memref_slice %arg10[%add3A_24, %dma_start3A_92] : memref<10240x128xf32, #tpu.memory_space<vmem_shared>> -> memref<128x128xf32, #tpu.memory_space<vmem_shared>>
      %dma_start3A_94 = arith.constant 0 : i32
      %dma_start3A_95 = tpu.memref_slice %arg10[%add3A_24, %dma_start3A_94] : memref<10240x128xf32, #tpu.memory_space<vmem_shared>> -> memref<128x128xf32, #tpu.memory_space<vmem_shared>>
      %dma_start3A_96 = arith.constant 0 : i32
      %dma_start3A_97 = arith.constant 0 : i32
      %dma_start3A_98 = tpu.memref_slice %arg9[%run_scoped3A_25, %dma_start3A_96, %dma_start3A_97] : memref<2x128x128xf32, #tpu.memory_space<vmem>> -> memref<1x128x128xf32, #tpu.memory_space<vmem>>
      %dma_start3A_99 = tpu.memref_squeeze %dma_start3A_98 : memref<1x128x128xf32, #tpu.memory_space<vmem>> -> memref<128x128xf32, #tpu.memory_space<vmem>>
      tpu.enqueue_dma source(%dma_start3A_99 : memref<128x128xf32, #tpu.memory_space<vmem>>) target(%dma_start3A_95 : memref<128x128xf32, #tpu.memory_space<vmem_shared>>) target_semaphore(%run_scoped3A_87 : memref<!tpu.dma_semaphore, #tpu.memory_space<semaphore_mem>>)
      %dma_wait3A = arith.constant 0 : i32
      %dma_wait3A_100 = arith.constant 0 : i32
      %dma_wait3A_101 = tpu.memref_slice %arg9[%run_scoped3A_25, %dma_wait3A, %dma_wait3A_100] : memref<2x128x128xf32, #tpu.memory_space<vmem>> -> memref<1x128x128xf32, #tpu.memory_space<vmem>>
      %dma_wait3A_102 = tpu.memref_squeeze %dma_wait3A_101 : memref<1x128x128xf32, #tpu.memory_space<vmem>> -> memref<128x128xf32, #tpu.memory_space<vmem>>
      %dma_wait3A_103 = arith.constant 0 : i32
      %dma_wait3A_104 = tpu.memref_slice %arg10[%add3A_24, %dma_wait3A_103] : memref<10240x128xf32, #tpu.memory_space<vmem_shared>> -> memref<128x128xf32, #tpu.memory_space<vmem_shared>>
      %dma_wait3A_105 = arith.constant 0 : i32
      %dma_wait3A_106 = tpu.memref_slice %arg10[%add3A_24, %dma_wait3A_105] : memref<10240x128xf32, #tpu.memory_space<vmem_shared>> -> memref<128x128xf32, #tpu.memory_space<vmem_shared>>
      %dma_wait3A_107 = arith.constant 0 : i32
      %dma_wait3A_108 = arith.constant 0 : i32
      %dma_wait3A_109 = tpu.memref_slice %arg9[%run_scoped3A_25, %dma_wait3A_107, %dma_wait3A_108] : memref<2x128x128xf32, #tpu.memory_space<vmem>> -> memref<1x128x128xf32, #tpu.memory_space<vmem>>
      %dma_wait3A_110 = tpu.memref_squeeze %dma_wait3A_109 : memref<1x128x128xf32, #tpu.memory_space<vmem>> -> memref<128x128xf32, #tpu.memory_space<vmem>>
      tpu.wait_dma2 semaphore(%run_scoped3A_87 : memref<!tpu.dma_semaphore, #tpu.memory_space<semaphore_mem>>) src(%dma_wait3A_110 : memref<128x128xf32, #tpu.memory_space<vmem>>) dst(%dma_wait3A_106 : memref<128x128xf32, #tpu.memory_space<vmem_shared>>)
      tpu.yield
    }) : () -> ()
    %barrier3A = arith.constant 0 : index
    tpu.barrier barrier_id(%barrier3A)
    %mul3A_26 = arith.constant 2 : i32
    %mul3A_27 = arith.muli %add3A, %mul3A_26 : i32
    %add3A_28 = arith.constant 0 : i32
    %add3A_29 = arith.addi %mul3A_27, %add3A_28 : i32
    %mul3A_30 = arith.constant 40 : i32
    %mul3A_31 = arith.muli %add3A_29, %mul3A_30 : i32
    "tpu.region"() ({
      %run_scoped3A_87 = tpu.sem_alloc : memref<!tpu.dma_semaphore, #tpu.memory_space<semaphore_mem>>
      %dma_start3A_88 = arith.constant 0 : i32
      %dma_start3A_89 = tpu.memref_slice %arg3[%mul3A_31, %dma_start3A_88] : memref<2560x128xi32, #tpu.memory_space<hbm>> -> memref<40x128xi32, #tpu.memory_space<hbm>>
      %dma_start3A_90 = arith.constant 0 : i32
      %dma_start3A_91 = tpu.memref_slice %arg3[%mul3A_31, %dma_start3A_90] : memref<2560x128xi32, #tpu.memory_space<hbm>> -> memref<40x128xi32, #tpu.memory_space<hbm>>
      tpu.enqueue_dma source(%dma_start3A_91 : memref<40x128xi32, #tpu.memory_space<hbm>>) target(%arg7 : memref<40x128xi32, #tpu.memory_space<vmem>>) target_semaphore(%run_scoped3A_87 : memref<!tpu.dma_semaphore, #tpu.memory_space<semaphore_mem>>)
      %dma_wait3A = arith.constant 0 : i32
      %dma_wait3A_92 = tpu.memref_slice %arg3[%mul3A_31, %dma_wait3A] : memref<2560x128xi32, #tpu.memory_space<hbm>> -> memref<40x128xi32, #tpu.memory_space<hbm>>
      %dma_wait3A_93 = arith.constant 0 : i32
      %dma_wait3A_94 = tpu.memref_slice %arg3[%mul3A_31, %dma_wait3A_93] : memref<2560x128xi32, #tpu.memory_space<hbm>> -> memref<40x128xi32, #tpu.memory_space<hbm>>
      tpu.wait_dma2 semaphore(%run_scoped3A_87 : memref<!tpu.dma_semaphore, #tpu.memory_space<semaphore_mem>>) src(%dma_wait3A_94 : memref<40x128xi32, #tpu.memory_space<hbm>>) dst(%arg7 : memref<40x128xi32, #tpu.memory_space<vmem>>)
      tpu.yield
    }) : () -> ()
    %mul3A_32 = arith.constant 2 : i32
    %mul3A_33 = arith.muli %add3A, %mul3A_32 : i32
    %add3A_34 = arith.constant 0 : i32
    %add3A_35 = arith.addi %mul3A_33, %add3A_34 : i32
    %mul3A_36 = arith.constant 40 : i32
    %mul3A_37 = arith.muli %add3A_35, %mul3A_36 : i32
    "tpu.region"() ({
      %run_scoped3A_87 = tpu.sem_alloc : memref<!tpu.dma_semaphore, #tpu.memory_space<semaphore_mem>>
      %dma_start3A_88 = arith.constant 0 : i32
      %dma_start3A_89 = tpu.memref_slice %arg4[%mul3A_37, %dma_start3A_88] : memref<2560x128xi32, #tpu.memory_space<hbm>> -> memref<40x128xi32, #tpu.memory_space<hbm>>
      %dma_start3A_90 = arith.constant 0 : i32
      %dma_start3A_91 = tpu.memref_slice %arg4[%mul3A_37, %dma_start3A_90] : memref<2560x128xi32, #tpu.memory_space<hbm>> -> memref<40x128xi32, #tpu.memory_space<hbm>>
      tpu.enqueue_dma source(%dma_start3A_91 : memref<40x128xi32, #tpu.memory_space<hbm>>) target(%arg8 : memref<40x128xi32, #tpu.memory_space<vmem>>) target_semaphore(%run_scoped3A_87 : memref<!tpu.dma_semaphore, #tpu.memory_space<semaphore_mem>>)
      %dma_wait3A = arith.constant 0 : i32
      %dma_wait3A_92 = tpu.memref_slice %arg4[%mul3A_37, %dma_wait3A] : memref<2560x128xi32, #tpu.memory_space<hbm>> -> memref<40x128xi32, #tpu.memory_space<hbm>>
      %dma_wait3A_93 = arith.constant 0 : i32
      %dma_wait3A_94 = tpu.memref_slice %arg4[%mul3A_37, %dma_wait3A_93] : memref<2560x128xi32, #tpu.memory_space<hbm>> -> memref<40x128xi32, #tpu.memory_space<hbm>>
      tpu.wait_dma2 semaphore(%run_scoped3A_87 : memref<!tpu.dma_semaphore, #tpu.memory_space<semaphore_mem>>) src(%dma_wait3A_94 : memref<40x128xi32, #tpu.memory_space<hbm>>) dst(%arg8 : memref<40x128xi32, #tpu.memory_space<vmem>>)
      tpu.yield
    }) : () -> ()
    %dma_start3A = arith.constant 0 : i32
    %dma_start3A_38 = arith.constant 0 : i32
    %dma_start3A_39 = arith.constant 0 : i32
    %dma_start3A_40 = arith.constant 0 : i32
    %dma_start3A_41 = tpu.memref_slice %arg9[%dma_start3A_38, %dma_start3A_39, %dma_start3A_40] : memref<2x128x128xf32, #tpu.memory_space<vmem>> -> memref<1x128x128xf32, #tpu.memory_space<vmem>>
    %dma_start3A_42 = tpu.memref_squeeze %dma_start3A_41 : memref<1x128x128xf32, #tpu.memory_space<vmem>> -> memref<128x128xf32, #tpu.memory_space<vmem>>
    %dma_start3A_43 = arith.constant 0 : i32
    %dma_start3A_44 = tpu.memref_slice %arg7[%dma_start3A, %dma_start3A_43] : memref<40x128xi32, #tpu.memory_space<vmem>> -> memref<1x128xi32, #tpu.memory_space<vmem>>
    %dma_start3A_45 = tpu.memref_squeeze %dma_start3A_44 : memref<1x128xi32, #tpu.memory_space<vmem>> -> memref<128xi32, #tpu.memory_space<vmem>>
    %dma_start3A_46 = arith.constant 0 : i32
    %dma_start3A_47 = arith.constant 0 : i32
    %dma_start3A_48 = tpu.memref_slice %arg2[%dma_start3A_46, %dma_start3A_47] : memref<10240x128xf32, #tpu.memory_space<hbm>> -> memref<10240x128xf32, #tpu.memory_space<hbm>>
    tpu.enqueue_indirect_dma source(%dma_start3A_48 : memref<10240x128xf32, #tpu.memory_space<hbm>>) target(%dma_start3A_42 : memref<128x128xf32, #tpu.memory_space<vmem>>) offsets(%dma_start3A_45 : memref<128xi32, #tpu.memory_space<vmem>>) semaphore(%arg11 : memref<!tpu.dma_semaphore, #tpu.memory_space<semaphore_mem>>)
    %scan3A = arith.constant 0 : i32
    %scan3A_49 = arith.constant 20 : i32
    %scan3A_50 = arith.addi %scan3A, %scan3A_49 : i32
    %scan3A_51 = arith.constant 1 : i32
    scf.for %scan3A_87 = %scan3A to %scan3A_50 step %scan3A_51  : i32 {
      %mul3A_88 = arith.constant 2 : i32
      %mul3A_89 = arith.muli %scan3A_87, %mul3A_88 : i32
      %add3A_90 = arith.constant 0 : i32
      %add3A_91 = arith.addi %add3A_90, %mul3A_89 : i32
      %add3A_92 = arith.constant 1 : i32
      %add3A_93 = arith.addi %add3A_91, %add3A_92 : i32
      %dma_start3A_94 = arith.constant 1 : i32
      %dma_start3A_95 = arith.constant 0 : i32
      %dma_start3A_96 = arith.constant 0 : i32
      %dma_start3A_97 = tpu.memref_slice %arg9[%dma_start3A_94, %dma_start3A_95, %dma_start3A_96] : memref<2x128x128xf32, #tpu.memory_space<vmem>> -> memref<1x128x128xf32, #tpu.memory_space<vmem>>
      %dma_start3A_98 = tpu.memref_squeeze %dma_start3A_97 : memref<1x128x128xf32, #tpu.memory_space<vmem>> -> memref<128x128xf32, #tpu.memory_space<vmem>>
      %dma_start3A_99 = arith.constant 0 : i32
      %dma_start3A_100 = tpu.memref_slice %arg7[%add3A_93, %dma_start3A_99] : memref<40x128xi32, #tpu.memory_space<vmem>> -> memref<1x128xi32, #tpu.memory_space<vmem>>
      %dma_start3A_101 = tpu.memref_squeeze %dma_start3A_100 : memref<1x128xi32, #tpu.memory_space<vmem>> -> memref<128xi32, #tpu.memory_space<vmem>>
      %dma_start3A_102 = arith.constant 0 : i32
      %dma_start3A_103 = arith.constant 0 : i32
      %dma_start3A_104 = tpu.memref_slice %arg2[%dma_start3A_102, %dma_start3A_103] : memref<10240x128xf32, #tpu.memory_space<hbm>> -> memref<10240x128xf32, #tpu.memory_space<hbm>>
      tpu.enqueue_indirect_dma source(%dma_start3A_104 : memref<10240x128xf32, #tpu.memory_space<hbm>>) target(%dma_start3A_98 : memref<128x128xf32, #tpu.memory_space<vmem>>) offsets(%dma_start3A_101 : memref<128xi32, #tpu.memory_space<vmem>>) semaphore(%arg12 : memref<!tpu.dma_semaphore, #tpu.memory_space<semaphore_mem>>)
      %dma_wait3A = arith.constant 0 : i32
      %dma_wait3A_105 = arith.constant 0 : i32
      %dma_wait3A_106 = arith.constant 0 : i32
      %dma_wait3A_107 = tpu.memref_slice %arg9[%dma_wait3A, %dma_wait3A_105, %dma_wait3A_106] : memref<2x128x128xf32, #tpu.memory_space<vmem>> -> memref<1x128x128xf32, #tpu.memory_space<vmem>>
      %dma_wait3A_108 = tpu.memref_squeeze %dma_wait3A_107 : memref<1x128x128xf32, #tpu.memory_space<vmem>> -> memref<128x128xf32, #tpu.memory_space<vmem>>
      %dma_wait3A_109 = arith.constant 0 : i32
      %dma_wait3A_110 = tpu.memref_slice %arg7[%add3A_91, %dma_wait3A_109] : memref<40x128xi32, #tpu.memory_space<vmem>> -> memref<1x128xi32, #tpu.memory_space<vmem>>
      %dma_wait3A_111 = tpu.memref_squeeze %dma_wait3A_110 : memref<1x128xi32, #tpu.memory_space<vmem>> -> memref<128xi32, #tpu.memory_space<vmem>>
      %dma_wait3A_112 = arith.constant 0 : i32
      %dma_wait3A_113 = arith.constant 0 : i32
      %dma_wait3A_114 = tpu.memref_slice %arg2[%dma_wait3A_112, %dma_wait3A_113] : memref<10240x128xf32, #tpu.memory_space<hbm>> -> memref<10240x128xf32, #tpu.memory_space<hbm>>
      tpu.wait_indirect_dma semaphore(%arg11 : memref<!tpu.dma_semaphore, #tpu.memory_space<semaphore_mem>>) src(%dma_wait3A_114 : memref<10240x128xf32, #tpu.memory_space<hbm>>) dst(%dma_wait3A_108 : memref<128x128xf32, #tpu.memory_space<vmem>>)
      %run_scoped3A_115 = arith.constant 0 : i32
      "tpu.region"() ({
        %run_scoped3A_136 = tpu.sem_alloc : memref<!tpu.dma_semaphore, #tpu.memory_space<semaphore_mem>>
        %dma_start3A_137 = arith.constant 0 : i32
        %dma_start3A_138 = arith.constant 0 : i32
        %dma_start3A_139 = tpu.memref_slice %arg9[%run_scoped3A_115, %dma_start3A_137, %dma_start3A_138] : memref<2x128x128xf32, #tpu.memory_space<vmem>> -> memref<1x128x128xf32, #tpu.memory_space<vmem>>
        %dma_start3A_140 = tpu.memref_squeeze %dma_start3A_139 : memref<1x128x128xf32, #tpu.memory_space<vmem>> -> memref<128x128xf32, #tpu.memory_space<vmem>>
        %dma_start3A_141 = arith.constant 0 : i32
        %dma_start3A_142 = tpu.memref_slice %arg8[%add3A_91, %dma_start3A_141] : memref<40x128xi32, #tpu.memory_space<vmem>> -> memref<1x128xi32, #tpu.memory_space<vmem>>
        %dma_start3A_143 = tpu.memref_squeeze %dma_start3A_142 : memref<1x128xi32, #tpu.memory_space<vmem>> -> memref<128xi32, #tpu.memory_space<vmem>>
        %dma_start3A_144 = arith.constant 0 : i32
        %dma_start3A_145 = arith.constant 0 : i32
        %dma_start3A_146 = tpu.memref_slice %arg10[%dma_start3A_144, %dma_start3A_145] : memref<10240x128xf32, #tpu.memory_space<vmem_shared>> -> memref<10240x128xf32, #tpu.memory_space<vmem_shared>>
        tpu.enqueue_indirect_dma source(%dma_start3A_140 : memref<128x128xf32, #tpu.memory_space<vmem>>) target(%dma_start3A_146 : memref<10240x128xf32, #tpu.memory_space<vmem_shared>>) offsets(%dma_start3A_143 : memref<128xi32, #tpu.memory_space<vmem>>) semaphore(%run_scoped3A_136 : memref<!tpu.dma_semaphore, #tpu.memory_space<semaphore_mem>>) {add = true}
        %dma_wait3A_147 = arith.constant 0 : i32
        %dma_wait3A_148 = arith.constant 0 : i32
        %dma_wait3A_149 = tpu.memref_slice %arg9[%run_scoped3A_115, %dma_wait3A_147, %dma_wait3A_148] : memref<2x128x128xf32, #tpu.memory_space<vmem>> -> memref<1x128x128xf32, #tpu.memory_space<vmem>>
        %dma_wait3A_150 = tpu.memref_squeeze %dma_wait3A_149 : memref<1x128x128xf32, #tpu.memory_space<vmem>> -> memref<128x128xf32, #tpu.memory_space<vmem>>
        %dma_wait3A_151 = arith.constant 0 : i32
        %dma_wait3A_152 = tpu.memref_slice %arg8[%add3A_91, %dma_wait3A_151] : memref<40x128xi32, #tpu.memory_space<vmem>> -> memref<1x128xi32, #tpu.memory_space<vmem>>
        %dma_wait3A_153 = tpu.memref_squeeze %dma_wait3A_152 : memref<1x128xi32, #tpu.memory_space<vmem>> -> memref<128xi32, #tpu.memory_space<vmem>>
        %dma_wait3A_154 = arith.constant 0 : i32
        %dma_wait3A_155 = arith.constant 0 : i32
        %dma_wait3A_156 = tpu.memref_slice %arg10[%dma_wait3A_154, %dma_wait3A_155] : memref<10240x128xf32, #tpu.memory_space<vmem_shared>> -> memref<10240x128xf32, #tpu.memory_space<vmem_shared>>
        tpu.wait_indirect_dma semaphore(%run_scoped3A_136 : memref<!tpu.dma_semaphore, #tpu.memory_space<semaphore_mem>>) src(%dma_wait3A_150 : memref<128x128xf32, #tpu.memory_space<vmem>>) dst(%dma_wait3A_156 : memref<10240x128xf32, #tpu.memory_space<vmem_shared>>)
        tpu.yield
      }) : () -> ()
      %add3A_116 = arith.constant 2 : i32
      %add3A_117 = arith.addi %add3A_91, %add3A_116 : i32
      %lt3A = arith.constant 40 : i32
      %lt3A_118 = arith.cmpi slt, %add3A_117, %lt3A : i32
      %convert_element_type3A = arith.extui %lt3A_118 : i1 to i32
      %cond3A = arith.constant 0 : i32
      %cond3A_119 = arith.cmpi ne, %convert_element_type3A, %cond3A : i32
      scf.if %cond3A_119 {
        %add3A_136 = arith.constant 2 : i32
        %add3A_137 = arith.addi %add3A_91, %add3A_136 : i32
        %dma_start3A_138 = arith.constant 0 : i32
        %dma_start3A_139 = arith.constant 0 : i32
        %dma_start3A_140 = arith.constant 0 : i32
        %dma_start3A_141 = tpu.memref_slice %arg9[%dma_start3A_138, %dma_start3A_139, %dma_start3A_140] : memref<2x128x128xf32, #tpu.memory_space<vmem>> -> memref<1x128x128xf32, #tpu.memory_space<vmem>>
        %dma_start3A_142 = tpu.memref_squeeze %dma_start3A_141 : memref<1x128x128xf32, #tpu.memory_space<vmem>> -> memref<128x128xf32, #tpu.memory_space<vmem>>
        %dma_start3A_143 = arith.constant 0 : i32
        %dma_start3A_144 = tpu.memref_slice %arg7[%add3A_137, %dma_start3A_143] : memref<40x128xi32, #tpu.memory_space<vmem>> -> memref<1x128xi32, #tpu.memory_space<vmem>>
        %dma_start3A_145 = tpu.memref_squeeze %dma_start3A_144 : memref<1x128xi32, #tpu.memory_space<vmem>> -> memref<128xi32, #tpu.memory_space<vmem>>
        %dma_start3A_146 = arith.constant 0 : i32
        %dma_start3A_147 = arith.constant 0 : i32
        %dma_start3A_148 = tpu.memref_slice %arg2[%dma_start3A_146, %dma_start3A_147] : memref<10240x128xf32, #tpu.memory_space<hbm>> -> memref<10240x128xf32, #tpu.memory_space<hbm>>
        tpu.enqueue_indirect_dma source(%dma_start3A_148 : memref<10240x128xf32, #tpu.memory_space<hbm>>) target(%dma_start3A_142 : memref<128x128xf32, #tpu.memory_space<vmem>>) offsets(%dma_start3A_145 : memref<128xi32, #tpu.memory_space<vmem>>) semaphore(%arg11 : memref<!tpu.dma_semaphore, #tpu.memory_space<semaphore_mem>>)
      } else {
      }
      %add3A_120 = arith.constant 1 : i32
      %add3A_121 = arith.addi %add3A_91, %add3A_120 : i32
      %dma_wait3A_122 = arith.constant 1 : i32
      %dma_wait3A_123 = arith.constant 0 : i32
      %dma_wait3A_124 = arith.constant 0 : i32
      %dma_wait3A_125 = tpu.memref_slice %arg9[%dma_wait3A_122, %dma_wait3A_123, %dma_wait3A_124] : memref<2x128x128xf32, #tpu.memory_space<vmem>> -> memref<1x128x128xf32, #tpu.memory_space<vmem>>
      %dma_wait3A_126 = tpu.memref_squeeze %dma_wait3A_125 : memref<1x128x128xf32, #tpu.memory_space<vmem>> -> memref<128x128xf32, #tpu.memory_space<vmem>>
      %dma_wait3A_127 = arith.constant 0 : i32
      %dma_wait3A_128 = tpu.memref_slice %arg7[%add3A_121, %dma_wait3A_127] : memref<40x128xi32, #tpu.memory_space<vmem>> -> memref<1x128xi32, #tpu.memory_space<vmem>>
      %dma_wait3A_129 = tpu.memref_squeeze %dma_wait3A_128 : memref<1x128xi32, #tpu.memory_space<vmem>> -> memref<128xi32, #tpu.memory_space<vmem>>
      %dma_wait3A_130 = arith.constant 0 : i32
      %dma_wait3A_131 = arith.constant 0 : i32
      %dma_wait3A_132 = tpu.memref_slice %arg2[%dma_wait3A_130, %dma_wait3A_131] : memref<10240x128xf32, #tpu.memory_space<hbm>> -> memref<10240x128xf32, #tpu.memory_space<hbm>>
      tpu.wait_indirect_dma semaphore(%arg12 : memref<!tpu.dma_semaphore, #tpu.memory_space<semaphore_mem>>) src(%dma_wait3A_132 : memref<10240x128xf32, #tpu.memory_space<hbm>>) dst(%dma_wait3A_126 : memref<128x128xf32, #tpu.memory_space<vmem>>)
      %add3A_133 = arith.constant 1 : i32
      %add3A_134 = arith.addi %add3A_91, %add3A_133 : i32
      %run_scoped3A_135 = arith.constant 1 : i32
      "tpu.region"() ({
        %run_scoped3A_136 = tpu.sem_alloc : memref<!tpu.dma_semaphore, #tpu.memory_space<semaphore_mem>>
        %dma_start3A_137 = arith.constant 0 : i32
        %dma_start3A_138 = arith.constant 0 : i32
        %dma_start3A_139 = tpu.memref_slice %arg9[%run_scoped3A_135, %dma_start3A_137, %dma_start3A_138] : memref<2x128x128xf32, #tpu.memory_space<vmem>> -> memref<1x128x128xf32, #tpu.memory_space<vmem>>
        %dma_start3A_140 = tpu.memref_squeeze %dma_start3A_139 : memref<1x128x128xf32, #tpu.memory_space<vmem>> -> memref<128x128xf32, #tpu.memory_space<vmem>>
        %dma_start3A_141 = arith.constant 0 : i32
        %dma_start3A_142 = tpu.memref_slice %arg8[%add3A_134, %dma_start3A_141] : memref<40x128xi32, #tpu.memory_space<vmem>> -> memref<1x128xi32, #tpu.memory_space<vmem>>
        %dma_start3A_143 = tpu.memref_squeeze %dma_start3A_142 : memref<1x128xi32, #tpu.memory_space<vmem>> -> memref<128xi32, #tpu.memory_space<vmem>>
        %dma_start3A_144 = arith.constant 0 : i32
        %dma_start3A_145 = arith.constant 0 : i32
        %dma_start3A_146 = tpu.memref_slice %arg10[%dma_start3A_144, %dma_start3A_145] : memref<10240x128xf32, #tpu.memory_space<vmem_shared>> -> memref<10240x128xf32, #tpu.memory_space<vmem_shared>>
        tpu.enqueue_indirect_dma source(%dma_start3A_140 : memref<128x128xf32, #tpu.memory_space<vmem>>) target(%dma_start3A_146 : memref<10240x128xf32, #tpu.memory_space<vmem_shared>>) offsets(%dma_start3A_143 : memref<128xi32, #tpu.memory_space<vmem>>) semaphore(%run_scoped3A_136 : memref<!tpu.dma_semaphore, #tpu.memory_space<semaphore_mem>>) {add = true}
        %dma_wait3A_147 = arith.constant 0 : i32
        %dma_wait3A_148 = arith.constant 0 : i32
        %dma_wait3A_149 = tpu.memref_slice %arg9[%run_scoped3A_135, %dma_wait3A_147, %dma_wait3A_148] : memref<2x128x128xf32, #tpu.memory_space<vmem>> -> memref<1x128x128xf32, #tpu.memory_space<vmem>>
        %dma_wait3A_150 = tpu.memref_squeeze %dma_wait3A_149 : memref<1x128x128xf32, #tpu.memory_space<vmem>> -> memref<128x128xf32, #tpu.memory_space<vmem>>
        %dma_wait3A_151 = arith.constant 0 : i32
        %dma_wait3A_152 = tpu.memref_slice %arg8[%add3A_134, %dma_wait3A_151] : memref<40x128xi32, #tpu.memory_space<vmem>> -> memref<1x128xi32, #tpu.memory_space<vmem>>
        %dma_wait3A_153 = tpu.memref_squeeze %dma_wait3A_152 : memref<1x128xi32, #tpu.memory_space<vmem>> -> memref<128xi32, #tpu.memory_space<vmem>>
        %dma_wait3A_154 = arith.constant 0 : i32
        %dma_wait3A_155 = arith.constant 0 : i32
        %dma_wait3A_156 = tpu.memref_slice %arg10[%dma_wait3A_154, %dma_wait3A_155] : memref<10240x128xf32, #tpu.memory_space<vmem_shared>> -> memref<10240x128xf32, #tpu.memory_space<vmem_shared>>
        tpu.wait_indirect_dma semaphore(%run_scoped3A_136 : memref<!tpu.dma_semaphore, #tpu.memory_space<semaphore_mem>>) src(%dma_wait3A_150 : memref<128x128xf32, #tpu.memory_space<vmem>>) dst(%dma_wait3A_156 : memref<10240x128xf32, #tpu.memory_space<vmem_shared>>)
        tpu.yield
      }) : () -> ()
    }
    %scan3A_52 = arith.constant 20 : i32
    %mul3A_53 = arith.constant 2 : i32
    %mul3A_54 = arith.muli %add3A, %mul3A_53 : i32
    %add3A_55 = arith.constant 1 : i32
    %add3A_56 = arith.addi %mul3A_54, %add3A_55 : i32
    %mul3A_57 = arith.constant 40 : i32
    %mul3A_58 = arith.muli %add3A_56, %mul3A_57 : i32
    "tpu.region"() ({
      %run_scoped3A_87 = tpu.sem_alloc : memref<!tpu.dma_semaphore, #tpu.memory_space<semaphore_mem>>
      %dma_start3A_88 = arith.constant 0 : i32
      %dma_start3A_89 = tpu.memref_slice %arg3[%mul3A_58, %dma_start3A_88] : memref<2560x128xi32, #tpu.memory_space<hbm>> -> memref<40x128xi32, #tpu.memory_space<hbm>>
      %dma_start3A_90 = arith.constant 0 : i32
      %dma_start3A_91 = tpu.memref_slice %arg3[%mul3A_58, %dma_start3A_90] : memref<2560x128xi32, #tpu.memory_space<hbm>> -> memref<40x128xi32, #tpu.memory_space<hbm>>
      tpu.enqueue_dma source(%dma_start3A_91 : memref<40x128xi32, #tpu.memory_space<hbm>>) target(%arg7 : memref<40x128xi32, #tpu.memory_space<vmem>>) target_semaphore(%run_scoped3A_87 : memref<!tpu.dma_semaphore, #tpu.memory_space<semaphore_mem>>)
      %dma_wait3A = arith.constant 0 : i32
      %dma_wait3A_92 = tpu.memref_slice %arg3[%mul3A_58, %dma_wait3A] : memref<2560x128xi32, #tpu.memory_space<hbm>> -> memref<40x128xi32, #tpu.memory_space<hbm>>
      %dma_wait3A_93 = arith.constant 0 : i32
      %dma_wait3A_94 = tpu.memref_slice %arg3[%mul3A_58, %dma_wait3A_93] : memref<2560x128xi32, #tpu.memory_space<hbm>> -> memref<40x128xi32, #tpu.memory_space<hbm>>
      tpu.wait_dma2 semaphore(%run_scoped3A_87 : memref<!tpu.dma_semaphore, #tpu.memory_space<semaphore_mem>>) src(%dma_wait3A_94 : memref<40x128xi32, #tpu.memory_space<hbm>>) dst(%arg7 : memref<40x128xi32, #tpu.memory_space<vmem>>)
      tpu.yield
    }) : () -> ()
    %mul3A_59 = arith.constant 2 : i32
    %mul3A_60 = arith.muli %add3A, %mul3A_59 : i32
    %add3A_61 = arith.constant 1 : i32
    %add3A_62 = arith.addi %mul3A_60, %add3A_61 : i32
    %mul3A_63 = arith.constant 40 : i32
    %mul3A_64 = arith.muli %add3A_62, %mul3A_63 : i32
    "tpu.region"() ({
      %run_scoped3A_87 = tpu.sem_alloc : memref<!tpu.dma_semaphore, #tpu.memory_space<semaphore_mem>>
      %dma_start3A_88 = arith.constant 0 : i32
      %dma_start3A_89 = tpu.memref_slice %arg4[%mul3A_64, %dma_start3A_88] : memref<2560x128xi32, #tpu.memory_space<hbm>> -> memref<40x128xi32, #tpu.memory_space<hbm>>
      %dma_start3A_90 = arith.constant 0 : i32
      %dma_start3A_91 = tpu.memref_slice %arg4[%mul3A_64, %dma_start3A_90] : memref<2560x128xi32, #tpu.memory_space<hbm>> -> memref<40x128xi32, #tpu.memory_space<hbm>>
      tpu.enqueue_dma source(%dma_start3A_91 : memref<40x128xi32, #tpu.memory_space<hbm>>) target(%arg8 : memref<40x128xi32, #tpu.memory_space<vmem>>) target_semaphore(%run_scoped3A_87 : memref<!tpu.dma_semaphore, #tpu.memory_space<semaphore_mem>>)
      %dma_wait3A = arith.constant 0 : i32
      %dma_wait3A_92 = tpu.memref_slice %arg4[%mul3A_64, %dma_wait3A] : memref<2560x128xi32, #tpu.memory_space<hbm>> -> memref<40x128xi32, #tpu.memory_space<hbm>>
      %dma_wait3A_93 = arith.constant 0 : i32
      %dma_wait3A_94 = tpu.memref_slice %arg4[%mul3A_64, %dma_wait3A_93] : memref<2560x128xi32, #tpu.memory_space<hbm>> -> memref<40x128xi32, #tpu.memory_space<hbm>>
      tpu.wait_dma2 semaphore(%run_scoped3A_87 : memref<!tpu.dma_semaphore, #tpu.memory_space<semaphore_mem>>) src(%dma_wait3A_94 : memref<40x128xi32, #tpu.memory_space<hbm>>) dst(%arg8 : memref<40x128xi32, #tpu.memory_space<vmem>>)
      tpu.yield
    }) : () -> ()
    %dma_start3A_65 = arith.constant 0 : i32
    %dma_start3A_66 = arith.constant 0 : i32
    %dma_start3A_67 = arith.constant 0 : i32
    %dma_start3A_68 = arith.constant 0 : i32
    %dma_start3A_69 = tpu.memref_slice %arg9[%dma_start3A_66, %dma_start3A_67, %dma_start3A_68] : memref<2x128x128xf32, #tpu.memory_space<vmem>> -> memref<1x128x128xf32, #tpu.memory_space<vmem>>
    %dma_start3A_70 = tpu.memref_squeeze %dma_start3A_69 : memref<1x128x128xf32, #tpu.memory_space<vmem>> -> memref<128x128xf32, #tpu.memory_space<vmem>>
    %dma_start3A_71 = arith.constant 0 : i32
    %dma_start3A_72 = tpu.memref_slice %arg7[%dma_start3A_65, %dma_start3A_71] : memref<40x128xi32, #tpu.memory_space<vmem>> -> memref<1x128xi32, #tpu.memory_space<vmem>>
    %dma_start3A_73 = tpu.memref_squeeze %dma_start3A_72 : memref<1x128xi32, #tpu.memory_space<vmem>> -> memref<128xi32, #tpu.memory_space<vmem>>
    %dma_start3A_74 = arith.constant 0 : i32
    %dma_start3A_75 = arith.constant 0 : i32
    %dma_start3A_76 = tpu.memref_slice %arg2[%dma_start3A_74, %dma_start3A_75] : memref<10240x128xf32, #tpu.memory_space<hbm>> -> memref<10240x128xf32, #tpu.memory_space<hbm>>
    tpu.enqueue_indirect_dma source(%dma_start3A_76 : memref<10240x128xf32, #tpu.memory_space<hbm>>) target(%dma_start3A_70 : memref<128x128xf32, #tpu.memory_space<vmem>>) offsets(%dma_start3A_73 : memref<128xi32, #tpu.memory_space<vmem>>) semaphore(%arg11 : memref<!tpu.dma_semaphore, #tpu.memory_space<semaphore_mem>>)
    %scan3A_77 = arith.constant 0 : i32
    %scan3A_78 = arith.constant 20 : i32
    %scan3A_79 = arith.addi %scan3A_77, %scan3A_78 : i32
    %scan3A_80 = arith.constant 1 : i32
    scf.for %scan3A_87 = %scan3A_77 to %scan3A_79 step %scan3A_80  : i32 {
      %mul3A_88 = arith.constant 2 : i32
      %mul3A_89 = arith.muli %scan3A_87, %mul3A_88 : i32
      %add3A_90 = arith.constant 0 : i32
      %add3A_91 = arith.addi %add3A_90, %mul3A_89 : i32
      %add3A_92 = arith.constant 1 : i32
      %add3A_93 = arith.addi %add3A_91, %add3A_92 : i32
      %dma_start3A_94 = arith.constant 1 : i32
      %dma_start3A_95 = arith.constant 0 : i32
      %dma_start3A_96 = arith.constant 0 : i32
      %dma_start3A_97 = tpu.memref_slice %arg9[%dma_start3A_94, %dma_start3A_95, %dma_start3A_96] : memref<2x128x128xf32, #tpu.memory_space<vmem>> -> memref<1x128x128xf32, #tpu.memory_space<vmem>>
      %dma_start3A_98 = tpu.memref_squeeze %dma_start3A_97 : memref<1x128x128xf32, #tpu.memory_space<vmem>> -> memref<128x128xf32, #tpu.memory_space<vmem>>
      %dma_start3A_99 = arith.constant 0 : i32
      %dma_start3A_100 = tpu.memref_slice %arg7[%add3A_93, %dma_start3A_99] : memref<40x128xi32, #tpu.memory_space<vmem>> -> memref<1x128xi32, #tpu.memory_space<vmem>>
      %dma_start3A_101 = tpu.memref_squeeze %dma_start3A_100 : memref<1x128xi32, #tpu.memory_space<vmem>> -> memref<128xi32, #tpu.memory_space<vmem>>
      %dma_start3A_102 = arith.constant 0 : i32
      %dma_start3A_103 = arith.constant 0 : i32
      %dma_start3A_104 = tpu.memref_slice %arg2[%dma_start3A_102, %dma_start3A_103] : memref<10240x128xf32, #tpu.memory_space<hbm>> -> memref<10240x128xf32, #tpu.memory_space<hbm>>
      tpu.enqueue_indirect_dma source(%dma_start3A_104 : memref<10240x128xf32, #tpu.memory_space<hbm>>) target(%dma_start3A_98 : memref<128x128xf32, #tpu.memory_space<vmem>>) offsets(%dma_start3A_101 : memref<128xi32, #tpu.memory_space<vmem>>) semaphore(%arg12 : memref<!tpu.dma_semaphore, #tpu.memory_space<semaphore_mem>>)
      %dma_wait3A = arith.constant 0 : i32
      %dma_wait3A_105 = arith.constant 0 : i32
      %dma_wait3A_106 = arith.constant 0 : i32
      %dma_wait3A_107 = tpu.memref_slice %arg9[%dma_wait3A, %dma_wait3A_105, %dma_wait3A_106] : memref<2x128x128xf32, #tpu.memory_space<vmem>> -> memref<1x128x128xf32, #tpu.memory_space<vmem>>
      %dma_wait3A_108 = tpu.memref_squeeze %dma_wait3A_107 : memref<1x128x128xf32, #tpu.memory_space<vmem>> -> memref<128x128xf32, #tpu.memory_space<vmem>>
      %dma_wait3A_109 = arith.constant 0 : i32
      %dma_wait3A_110 = tpu.memref_slice %arg7[%add3A_91, %dma_wait3A_109] : memref<40x128xi32, #tpu.memory_space<vmem>> -> memref<1x128xi32, #tpu.memory_space<vmem>>
      %dma_wait3A_111 = tpu.memref_squeeze %dma_wait3A_110 : memref<1x128xi32, #tpu.memory_space<vmem>> -> memref<128xi32, #tpu.memory_space<vmem>>
      %dma_wait3A_112 = arith.constant 0 : i32
      %dma_wait3A_113 = arith.constant 0 : i32
      %dma_wait3A_114 = tpu.memref_slice %arg2[%dma_wait3A_112, %dma_wait3A_113] : memref<10240x128xf32, #tpu.memory_space<hbm>> -> memref<10240x128xf32, #tpu.memory_space<hbm>>
      tpu.wait_indirect_dma semaphore(%arg11 : memref<!tpu.dma_semaphore, #tpu.memory_space<semaphore_mem>>) src(%dma_wait3A_114 : memref<10240x128xf32, #tpu.memory_space<hbm>>) dst(%dma_wait3A_108 : memref<128x128xf32, #tpu.memory_space<vmem>>)
      %run_scoped3A_115 = arith.constant 0 : i32
      "tpu.region"() ({
        %run_scoped3A_136 = tpu.sem_alloc : memref<!tpu.dma_semaphore, #tpu.memory_space<semaphore_mem>>
        %dma_start3A_137 = arith.constant 0 : i32
        %dma_start3A_138 = arith.constant 0 : i32
        %dma_start3A_139 = tpu.memref_slice %arg9[%run_scoped3A_115, %dma_start3A_137, %dma_start3A_138] : memref<2x128x128xf32, #tpu.memory_space<vmem>> -> memref<1x128x128xf32, #tpu.memory_space<vmem>>
        %dma_start3A_140 = tpu.memref_squeeze %dma_start3A_139 : memref<1x128x128xf32, #tpu.memory_space<vmem>> -> memref<128x128xf32, #tpu.memory_space<vmem>>
        %dma_start3A_141 = arith.constant 0 : i32
        %dma_start3A_142 = tpu.memref_slice %arg8[%add3A_91, %dma_start3A_141] : memref<40x128xi32, #tpu.memory_space<vmem>> -> memref<1x128xi32, #tpu.memory_space<vmem>>
        %dma_start3A_143 = tpu.memref_squeeze %dma_start3A_142 : memref<1x128xi32, #tpu.memory_space<vmem>> -> memref<128xi32, #tpu.memory_space<vmem>>
        %dma_start3A_144 = arith.constant 0 : i32
        %dma_start3A_145 = arith.constant 0 : i32
        %dma_start3A_146 = tpu.memref_slice %arg10[%dma_start3A_144, %dma_start3A_145] : memref<10240x128xf32, #tpu.memory_space<vmem_shared>> -> memref<10240x128xf32, #tpu.memory_space<vmem_shared>>
        tpu.enqueue_indirect_dma source(%dma_start3A_140 : memref<128x128xf32, #tpu.memory_space<vmem>>) target(%dma_start3A_146 : memref<10240x128xf32, #tpu.memory_space<vmem_shared>>) offsets(%dma_start3A_143 : memref<128xi32, #tpu.memory_space<vmem>>) semaphore(%run_scoped3A_136 : memref<!tpu.dma_semaphore, #tpu.memory_space<semaphore_mem>>) {add = true}
        %dma_wait3A_147 = arith.constant 0 : i32
        %dma_wait3A_148 = arith.constant 0 : i32
        %dma_wait3A_149 = tpu.memref_slice %arg9[%run_scoped3A_115, %dma_wait3A_147, %dma_wait3A_148] : memref<2x128x128xf32, #tpu.memory_space<vmem>> -> memref<1x128x128xf32, #tpu.memory_space<vmem>>
        %dma_wait3A_150 = tpu.memref_squeeze %dma_wait3A_149 : memref<1x128x128xf32, #tpu.memory_space<vmem>> -> memref<128x128xf32, #tpu.memory_space<vmem>>
        %dma_wait3A_151 = arith.constant 0 : i32
        %dma_wait3A_152 = tpu.memref_slice %arg8[%add3A_91, %dma_wait3A_151] : memref<40x128xi32, #tpu.memory_space<vmem>> -> memref<1x128xi32, #tpu.memory_space<vmem>>
        %dma_wait3A_153 = tpu.memref_squeeze %dma_wait3A_152 : memref<1x128xi32, #tpu.memory_space<vmem>> -> memref<128xi32, #tpu.memory_space<vmem>>
        %dma_wait3A_154 = arith.constant 0 : i32
        %dma_wait3A_155 = arith.constant 0 : i32
        %dma_wait3A_156 = tpu.memref_slice %arg10[%dma_wait3A_154, %dma_wait3A_155] : memref<10240x128xf32, #tpu.memory_space<vmem_shared>> -> memref<10240x128xf32, #tpu.memory_space<vmem_shared>>
        tpu.wait_indirect_dma semaphore(%run_scoped3A_136 : memref<!tpu.dma_semaphore, #tpu.memory_space<semaphore_mem>>) src(%dma_wait3A_150 : memref<128x128xf32, #tpu.memory_space<vmem>>) dst(%dma_wait3A_156 : memref<10240x128xf32, #tpu.memory_space<vmem_shared>>)
        tpu.yield
      }) : () -> ()
      %add3A_116 = arith.constant 2 : i32
      %add3A_117 = arith.addi %add3A_91, %add3A_116 : i32
      %lt3A = arith.constant 40 : i32
      %lt3A_118 = arith.cmpi slt, %add3A_117, %lt3A : i32
      %convert_element_type3A = arith.extui %lt3A_118 : i1 to i32
      %cond3A = arith.constant 0 : i32
      %cond3A_119 = arith.cmpi ne, %convert_element_type3A, %cond3A : i32
      scf.if %cond3A_119 {
        %add3A_136 = arith.constant 2 : i32
        %add3A_137 = arith.addi %add3A_91, %add3A_136 : i32
        %dma_start3A_138 = arith.constant 0 : i32
        %dma_start3A_139 = arith.constant 0 : i32
        %dma_start3A_140 = arith.constant 0 : i32
        %dma_start3A_141 = tpu.memref_slice %arg9[%dma_start3A_138, %dma_start3A_139, %dma_start3A_140] : memref<2x128x128xf32, #tpu.memory_space<vmem>> -> memref<1x128x128xf32, #tpu.memory_space<vmem>>
        %dma_start3A_142 = tpu.memref_squeeze %dma_start3A_141 : memref<1x128x128xf32, #tpu.memory_space<vmem>> -> memref<128x128xf32, #tpu.memory_space<vmem>>
        %dma_start3A_143 = arith.constant 0 : i32
        %dma_start3A_144 = tpu.memref_slice %arg7[%add3A_137, %dma_start3A_143] : memref<40x128xi32, #tpu.memory_space<vmem>> -> memref<1x128xi32, #tpu.memory_space<vmem>>
        %dma_start3A_145 = tpu.memref_squeeze %dma_start3A_144 : memref<1x128xi32, #tpu.memory_space<vmem>> -> memref<128xi32, #tpu.memory_space<vmem>>
        %dma_start3A_146 = arith.constant 0 : i32
        %dma_start3A_147 = arith.constant 0 : i32
        %dma_start3A_148 = tpu.memref_slice %arg2[%dma_start3A_146, %dma_start3A_147] : memref<10240x128xf32, #tpu.memory_space<hbm>> -> memref<10240x128xf32, #tpu.memory_space<hbm>>
        tpu.enqueue_indirect_dma source(%dma_start3A_148 : memref<10240x128xf32, #tpu.memory_space<hbm>>) target(%dma_start3A_142 : memref<128x128xf32, #tpu.memory_space<vmem>>) offsets(%dma_start3A_145 : memref<128xi32, #tpu.memory_space<vmem>>) semaphore(%arg11 : memref<!tpu.dma_semaphore, #tpu.memory_space<semaphore_mem>>)
      } else {
      }
      %add3A_120 = arith.constant 1 : i32
      %add3A_121 = arith.addi %add3A_91, %add3A_120 : i32
      %dma_wait3A_122 = arith.constant 1 : i32
      %dma_wait3A_123 = arith.constant 0 : i32
      %dma_wait3A_124 = arith.constant 0 : i32
      %dma_wait3A_125 = tpu.memref_slice %arg9[%dma_wait3A_122, %dma_wait3A_123, %dma_wait3A_124] : memref<2x128x128xf32, #tpu.memory_space<vmem>> -> memref<1x128x128xf32, #tpu.memory_space<vmem>>
      %dma_wait3A_126 = tpu.memref_squeeze %dma_wait3A_125 : memref<1x128x128xf32, #tpu.memory_space<vmem>> -> memref<128x128xf32, #tpu.memory_space<vmem>>
      %dma_wait3A_127 = arith.constant 0 : i32
      %dma_wait3A_128 = tpu.memref_slice %arg7[%add3A_121, %dma_wait3A_127] : memref<40x128xi32, #tpu.memory_space<vmem>> -> memref<1x128xi32, #tpu.memory_space<vmem>>
      %dma_wait3A_129 = tpu.memref_squeeze %dma_wait3A_128 : memref<1x128xi32, #tpu.memory_space<vmem>> -> memref<128xi32, #tpu.memory_space<vmem>>
      %dma_wait3A_130 = arith.constant 0 : i32
      %dma_wait3A_131 = arith.constant 0 : i32
      %dma_wait3A_132 = tpu.memref_slice %arg2[%dma_wait3A_130, %dma_wait3A_131] : memref<10240x128xf32, #tpu.memory_space<hbm>> -> memref<10240x128xf32, #tpu.memory_space<hbm>>
      tpu.wait_indirect_dma semaphore(%arg12 : memref<!tpu.dma_semaphore, #tpu.memory_space<semaphore_mem>>) src(%dma_wait3A_132 : memref<10240x128xf32, #tpu.memory_space<hbm>>) dst(%dma_wait3A_126 : memref<128x128xf32, #tpu.memory_space<vmem>>)
      %add3A_133 = arith.constant 1 : i32
      %add3A_134 = arith.addi %add3A_91, %add3A_133 : i32
      %run_scoped3A_135 = arith.constant 1 : i32
      "tpu.region"() ({
        %run_scoped3A_136 = tpu.sem_alloc : memref<!tpu.dma_semaphore, #tpu.memory_space<semaphore_mem>>
        %dma_start3A_137 = arith.constant 0 : i32
        %dma_start3A_138 = arith.constant 0 : i32
        %dma_start3A_139 = tpu.memref_slice %arg9[%run_scoped3A_135, %dma_start3A_137, %dma_start3A_138] : memref<2x128x128xf32, #tpu.memory_space<vmem>> -> memref<1x128x128xf32, #tpu.memory_space<vmem>>
        %dma_start3A_140 = tpu.memref_squeeze %dma_start3A_139 : memref<1x128x128xf32, #tpu.memory_space<vmem>> -> memref<128x128xf32, #tpu.memory_space<vmem>>
        %dma_start3A_141 = arith.constant 0 : i32
        %dma_start3A_142 = tpu.memref_slice %arg8[%add3A_134, %dma_start3A_141] : memref<40x128xi32, #tpu.memory_space<vmem>> -> memref<1x128xi32, #tpu.memory_space<vmem>>
        %dma_start3A_143 = tpu.memref_squeeze %dma_start3A_142 : memref<1x128xi32, #tpu.memory_space<vmem>> -> memref<128xi32, #tpu.memory_space<vmem>>
        %dma_start3A_144 = arith.constant 0 : i32
        %dma_start3A_145 = arith.constant 0 : i32
        %dma_start3A_146 = tpu.memref_slice %arg10[%dma_start3A_144, %dma_start3A_145] : memref<10240x128xf32, #tpu.memory_space<vmem_shared>> -> memref<10240x128xf32, #tpu.memory_space<vmem_shared>>
        tpu.enqueue_indirect_dma source(%dma_start3A_140 : memref<128x128xf32, #tpu.memory_space<vmem>>) target(%dma_start3A_146 : memref<10240x128xf32, #tpu.memory_space<vmem_shared>>) offsets(%dma_start3A_143 : memref<128xi32, #tpu.memory_space<vmem>>) semaphore(%run_scoped3A_136 : memref<!tpu.dma_semaphore, #tpu.memory_space<semaphore_mem>>) {add = true}
        %dma_wait3A_147 = arith.constant 0 : i32
        %dma_wait3A_148 = arith.constant 0 : i32
        %dma_wait3A_149 = tpu.memref_slice %arg9[%run_scoped3A_135, %dma_wait3A_147, %dma_wait3A_148] : memref<2x128x128xf32, #tpu.memory_space<vmem>> -> memref<1x128x128xf32, #tpu.memory_space<vmem>>
        %dma_wait3A_150 = tpu.memref_squeeze %dma_wait3A_149 : memref<1x128x128xf32, #tpu.memory_space<vmem>> -> memref<128x128xf32, #tpu.memory_space<vmem>>
        %dma_wait3A_151 = arith.constant 0 : i32
        %dma_wait3A_152 = tpu.memref_slice %arg8[%add3A_134, %dma_wait3A_151] : memref<40x128xi32, #tpu.memory_space<vmem>> -> memref<1x128xi32, #tpu.memory_space<vmem>>
        %dma_wait3A_153 = tpu.memref_squeeze %dma_wait3A_152 : memref<1x128xi32, #tpu.memory_space<vmem>> -> memref<128xi32, #tpu.memory_space<vmem>>
        %dma_wait3A_154 = arith.constant 0 : i32
        %dma_wait3A_155 = arith.constant 0 : i32
        %dma_wait3A_156 = tpu.memref_slice %arg10[%dma_wait3A_154, %dma_wait3A_155] : memref<10240x128xf32, #tpu.memory_space<vmem_shared>> -> memref<10240x128xf32, #tpu.memory_space<vmem_shared>>
        tpu.wait_indirect_dma semaphore(%run_scoped3A_136 : memref<!tpu.dma_semaphore, #tpu.memory_space<semaphore_mem>>) src(%dma_wait3A_150 : memref<128x128xf32, #tpu.memory_space<vmem>>) dst(%dma_wait3A_156 : memref<10240x128xf32, #tpu.memory_space<vmem_shared>>)
        tpu.yield
      }) : () -> ()
    }
    %scan3A_81 = arith.constant 20 : i32
    %barrier3A_82 = arith.constant 0 : index
    tpu.barrier barrier_id(%barrier3A_82)
    %mul3A_83 = arith.constant 640 : i32
    %mul3A_84 = arith.muli %arg1, %mul3A_83 : i32
    %mul3A_85 = arith.constant 640 : i32
    %mul3A_86 = arith.muli %arg1, %mul3A_85 : i32
    "tpu.region"() ({
      %run_scoped3A_87 = tpu.sem_alloc : memref<!tpu.dma_semaphore, #tpu.memory_space<semaphore_mem>>
      %dma_start3A_88 = arith.constant 0 : i32
      %dma_start3A_89 = tpu.memref_slice %arg6[%arg0, %mul3A_86, %dma_start3A_88] : memref<2x10240x128xf32, #tpu.memory_space<hbm>> -> memref<1x640x128xf32, #tpu.memory_space<hbm>>
      %dma_start3A_90 = tpu.memref_squeeze %dma_start3A_89 : memref<1x640x128xf32, #tpu.memory_space<hbm>> -> memref<640x128xf32, #tpu.memory_space<hbm>>
      %dma_start3A_91 = arith.constant 0 : i32
      %dma_start3A_92 = tpu.memref_slice %arg10[%mul3A_84, %dma_start3A_91] : memref<10240x128xf32, #tpu.memory_space<vmem_shared>> -> memref<640x128xf32, #tpu.memory_space<vmem_shared>>
      tpu.enqueue_dma source(%dma_start3A_92 : memref<640x128xf32, #tpu.memory_space<vmem_shared>>) target(%dma_start3A_90 : memref<640x128xf32, #tpu.memory_space<hbm>>) target_semaphore(%run_scoped3A_87 : memref<!tpu.dma_semaphore, #tpu.memory_space<semaphore_mem>>)
      %dma_wait3A = arith.constant 0 : i32
      %dma_wait3A_93 = tpu.memref_slice %arg6[%arg0, %mul3A_86, %dma_wait3A] : memref<2x10240x128xf32, #tpu.memory_space<hbm>> -> memref<1x640x128xf32, #tpu.memory_space<hbm>>
      %dma_wait3A_94 = tpu.memref_squeeze %dma_wait3A_93 : memref<1x640x128xf32, #tpu.memory_space<hbm>> -> memref<640x128xf32, #tpu.memory_space<hbm>>
      %dma_wait3A_95 = arith.constant 0 : i32
      %dma_wait3A_96 = tpu.memref_slice %arg10[%mul3A_84, %dma_wait3A_95] : memref<10240x128xf32, #tpu.memory_space<vmem_shared>> -> memref<640x128xf32, #tpu.memory_space<vmem_shared>>
      tpu.wait_dma2 semaphore(%run_scoped3A_87 : memref<!tpu.dma_semaphore, #tpu.memory_space<semaphore_mem>>) src(%dma_wait3A_96 : memref<640x128xf32, #tpu.memory_space<vmem_shared>>) dst(%dma_wait3A_94 : memref<640x128xf32, #tpu.memory_space<hbm>>)
      tpu.yield
    }) : () -> ()
    return
  }
}

#map = affine_map<(d0, d1) -> (0, 0)>
#map1 = affine_map<(d0, d1) -> (0, 0, 0)>
module attributes {stable_mosaic.version = 14 : i64} {
  func.func @_sc_segsum_body(%arg0: i32, %arg1: i32, %arg2: memref<10240x128xf32, #tpu.memory_space<hbm>>, %arg3: memref<2560x128xi32, #tpu.memory_space<hbm>>, %arg4: memref<2560x128xi32, #tpu.memory_space<hbm>>, %arg5: memref<128x128xf32, #tpu.memory_space<hbm>>, %arg6: memref<2x10240x128xf32, #tpu.memory_space<hbm>>, %arg7: memref<40x128xi32, #tpu.memory_space<vmem>>, %arg8: memref<40x128xi32, #tpu.memory_space<vmem>>, %arg9: memref<2x128x128xf32, #tpu.memory_space<vmem>>, %arg10: memref<10240x128xf32, #tpu.memory_space<vmem_shared>>, %arg11: memref<!tpu.dma_semaphore, #tpu.memory_space<semaphore_mem>>, %arg12: memref<!tpu.dma_semaphore, #tpu.memory_space<semaphore_mem>>) attributes {dimension_semantics = [#tpu.dimension_semantics<core_parallel>, #tpu.dimension_semantics<subcore_parallel>], iteration_bounds = array<i64: 2, 16>, scalar_prefetch = 0 : i64, scratch_operands = 6 : i64, tpu.core_type = #tpu.core_type<sc_vector_subcore>, window_params = [{transform_indices = #map}, {transform_indices = #map}, {transform_indices = #map}, {transform_indices = #map}, {transform_indices = #map1}]} {
    %mul3A = arith.constant 16 : i32
    %mul3A_0 = arith.muli %arg0, %mul3A : i32
    %add3A = arith.addi %mul3A_0, %arg1 : i32
    %run_scoped3A = arith.constant 0 : i32
    "tpu.region"() ({
      %run_scoped3A_87 = tpu.sem_alloc : memref<!tpu.dma_semaphore, #tpu.memory_space<semaphore_mem>>
      %dma_start3A_88 = arith.constant 0 : i32
      %dma_start3A_89 = arith.constant 0 : i32
      %dma_start3A_90 = tpu.memref_slice %arg9[%run_scoped3A, %dma_start3A_88, %dma_start3A_89] : memref<2x128x128xf32, #tpu.memory_space<vmem>> -> memref<1x128x128xf32, #tpu.memory_space<vmem>>
      %dma_start3A_91 = tpu.memref_squeeze %dma_start3A_90 : memref<1x128x128xf32, #tpu.memory_space<vmem>> -> memref<128x128xf32, #tpu.memory_space<vmem>>
      %dma_start3A_92 = arith.constant 0 : i32
      %dma_start3A_93 = arith.constant 0 : i32
      %dma_start3A_94 = tpu.memref_slice %arg9[%run_scoped3A, %dma_start3A_92, %dma_start3A_93] : memref<2x128x128xf32, #tpu.memory_space<vmem>> -> memref<1x128x128xf32, #tpu.memory_space<vmem>>
      %dma_start3A_95 = tpu.memref_squeeze %dma_start3A_94 : memref<1x128x128xf32, #tpu.memory_space<vmem>> -> memref<128x128xf32, #tpu.memory_space<vmem>>
      tpu.enqueue_dma source(%arg5 : memref<128x128xf32, #tpu.memory_space<hbm>>) target(%dma_start3A_95 : memref<128x128xf32, #tpu.memory_space<vmem>>) target_semaphore(%run_scoped3A_87 : memref<!tpu.dma_semaphore, #tpu.memory_space<semaphore_mem>>)
      %dma_wait3A = arith.constant 0 : i32
      %dma_wait3A_96 = arith.constant 0 : i32
      %dma_wait3A_97 = tpu.memref_slice %arg9[%run_scoped3A, %dma_wait3A, %dma_wait3A_96] : memref<2x128x128xf32, #tpu.memory_space<vmem>> -> memref<1x128x128xf32, #tpu.memory_space<vmem>>
      %dma_wait3A_98 = tpu.memref_squeeze %dma_wait3A_97 : memref<1x128x128xf32, #tpu.memory_space<vmem>> -> memref<128x128xf32, #tpu.memory_space<vmem>>
      %dma_wait3A_99 = arith.constant 0 : i32
      %dma_wait3A_100 = arith.constant 0 : i32
      %dma_wait3A_101 = tpu.memref_slice %arg9[%run_scoped3A, %dma_wait3A_99, %dma_wait3A_100] : memref<2x128x128xf32, #tpu.memory_space<vmem>> -> memref<1x128x128xf32, #tpu.memory_space<vmem>>
      %dma_wait3A_102 = tpu.memref_squeeze %dma_wait3A_101 : memref<1x128x128xf32, #tpu.memory_space<vmem>> -> memref<128x128xf32, #tpu.memory_space<vmem>>
      tpu.wait_dma2 semaphore(%run_scoped3A_87 : memref<!tpu.dma_semaphore, #tpu.memory_space<semaphore_mem>>) src(%arg5 : memref<128x128xf32, #tpu.memory_space<hbm>>) dst(%dma_wait3A_102 : memref<128x128xf32, #tpu.memory_space<vmem>>)
      tpu.yield
    }) : () -> ()
    %mul3A_1 = arith.constant 640 : i32
    %mul3A_2 = arith.muli %arg1, %mul3A_1 : i32
    %add3A_3 = arith.constant 0 : i32
    %add3A_4 = arith.addi %mul3A_2, %add3A_3 : i32
    %run_scoped3A_5 = arith.constant 0 : i32
    "tpu.region"() ({
      %run_scoped3A_87 = tpu.sem_alloc : memref<!tpu.dma_semaphore, #tpu.memory_space<semaphore_mem>>
      %dma_start3A_88 = arith.constant 0 : i32
      %dma_start3A_89 = arith.constant 0 : i32
      %dma_start3A_90 = tpu.memref_slice %arg9[%run_scoped3A_5, %dma_start3A_88, %dma_start3A_89] : memref<2x128x128xf32, #tpu.memory_space<vmem>> -> memref<1x128x128xf32, #tpu.memory_space<vmem>>
      %dma_start3A_91 = tpu.memref_squeeze %dma_start3A_90 : memref<1x128x128xf32, #tpu.memory_space<vmem>> -> memref<128x128xf32, #tpu.memory_space<vmem>>
      %dma_start3A_92 = arith.constant 0 : i32
      %dma_start3A_93 = tpu.memref_slice %arg10[%add3A_4, %dma_start3A_92] : memref<10240x128xf32, #tpu.memory_space<vmem_shared>> -> memref<128x128xf32, #tpu.memory_space<vmem_shared>>
      %dma_start3A_94 = arith.constant 0 : i32
      %dma_start3A_95 = tpu.memref_slice %arg10[%add3A_4, %dma_start3A_94] : memref<10240x128xf32, #tpu.memory_space<vmem_shared>> -> memref<128x128xf32, #tpu.memory_space<vmem_shared>>
      %dma_start3A_96 = arith.constant 0 : i32
      %dma_start3A_97 = arith.constant 0 : i32
      %dma_start3A_98 = tpu.memref_slice %arg9[%run_scoped3A_5, %dma_start3A_96, %dma_start3A_97] : memref<2x128x128xf32, #tpu.memory_space<vmem>> -> memref<1x128x128xf32, #tpu.memory_space<vmem>>
      %dma_start3A_99 = tpu.memref_squeeze %dma_start3A_98 : memref<1x128x128xf32, #tpu.memory_space<vmem>> -> memref<128x128xf32, #tpu.memory_space<vmem>>
      tpu.enqueue_dma source(%dma_start3A_99 : memref<128x128xf32, #tpu.memory_space<vmem>>) target(%dma_start3A_95 : memref<128x128xf32, #tpu.memory_space<vmem_shared>>) target_semaphore(%run_scoped3A_87 : memref<!tpu.dma_semaphore, #tpu.memory_space<semaphore_mem>>)
      %dma_wait3A = arith.constant 0 : i32
      %dma_wait3A_100 = arith.constant 0 : i32
      %dma_wait3A_101 = tpu.memref_slice %arg9[%run_scoped3A_5, %dma_wait3A, %dma_wait3A_100] : memref<2x128x128xf32, #tpu.memory_space<vmem>> -> memref<1x128x128xf32, #tpu.memory_space<vmem>>
      %dma_wait3A_102 = tpu.memref_squeeze %dma_wait3A_101 : memref<1x128x128xf32, #tpu.memory_space<vmem>> -> memref<128x128xf32, #tpu.memory_space<vmem>>
      %dma_wait3A_103 = arith.constant 0 : i32
      %dma_wait3A_104 = tpu.memref_slice %arg10[%add3A_4, %dma_wait3A_103] : memref<10240x128xf32, #tpu.memory_space<vmem_shared>> -> memref<128x128xf32, #tpu.memory_space<vmem_shared>>
      %dma_wait3A_105 = arith.constant 0 : i32
      %dma_wait3A_106 = tpu.memref_slice %arg10[%add3A_4, %dma_wait3A_105] : memref<10240x128xf32, #tpu.memory_space<vmem_shared>> -> memref<128x128xf32, #tpu.memory_space<vmem_shared>>
      %dma_wait3A_107 = arith.constant 0 : i32
      %dma_wait3A_108 = arith.constant 0 : i32
      %dma_wait3A_109 = tpu.memref_slice %arg9[%run_scoped3A_5, %dma_wait3A_107, %dma_wait3A_108] : memref<2x128x128xf32, #tpu.memory_space<vmem>> -> memref<1x128x128xf32, #tpu.memory_space<vmem>>
      %dma_wait3A_110 = tpu.memref_squeeze %dma_wait3A_109 : memref<1x128x128xf32, #tpu.memory_space<vmem>> -> memref<128x128xf32, #tpu.memory_space<vmem>>
      tpu.wait_dma2 semaphore(%run_scoped3A_87 : memref<!tpu.dma_semaphore, #tpu.memory_space<semaphore_mem>>) src(%dma_wait3A_110 : memref<128x128xf32, #tpu.memory_space<vmem>>) dst(%dma_wait3A_106 : memref<128x128xf32, #tpu.memory_space<vmem_shared>>)
      tpu.yield
    }) : () -> ()
    %mul3A_6 = arith.constant 640 : i32
    %mul3A_7 = arith.muli %arg1, %mul3A_6 : i32
    %add3A_8 = arith.constant 128 : i32
    %add3A_9 = arith.addi %mul3A_7, %add3A_8 : i32
    %run_scoped3A_10 = arith.constant 0 : i32
    "tpu.region"() ({
      %run_scoped3A_87 = tpu.sem_alloc : memref<!tpu.dma_semaphore, #tpu.memory_space<semaphore_mem>>
      %dma_start3A_88 = arith.constant 0 : i32
      %dma_start3A_89 = arith.constant 0 : i32
      %dma_start3A_90 = tpu.memref_slice %arg9[%run_scoped3A_10, %dma_start3A_88, %dma_start3A_89] : memref<2x128x128xf32, #tpu.memory_space<vmem>> -> memref<1x128x128xf32, #tpu.memory_space<vmem>>
      %dma_start3A_91 = tpu.memref_squeeze %dma_start3A_90 : memref<1x128x128xf32, #tpu.memory_space<vmem>> -> memref<128x128xf32, #tpu.memory_space<vmem>>
      %dma_start3A_92 = arith.constant 0 : i32
      %dma_start3A_93 = tpu.memref_slice %arg10[%add3A_9, %dma_start3A_92] : memref<10240x128xf32, #tpu.memory_space<vmem_shared>> -> memref<128x128xf32, #tpu.memory_space<vmem_shared>>
      %dma_start3A_94 = arith.constant 0 : i32
      %dma_start3A_95 = tpu.memref_slice %arg10[%add3A_9, %dma_start3A_94] : memref<10240x128xf32, #tpu.memory_space<vmem_shared>> -> memref<128x128xf32, #tpu.memory_space<vmem_shared>>
      %dma_start3A_96 = arith.constant 0 : i32
      %dma_start3A_97 = arith.constant 0 : i32
      %dma_start3A_98 = tpu.memref_slice %arg9[%run_scoped3A_10, %dma_start3A_96, %dma_start3A_97] : memref<2x128x128xf32, #tpu.memory_space<vmem>> -> memref<1x128x128xf32, #tpu.memory_space<vmem>>
      %dma_start3A_99 = tpu.memref_squeeze %dma_start3A_98 : memref<1x128x128xf32, #tpu.memory_space<vmem>> -> memref<128x128xf32, #tpu.memory_space<vmem>>
      tpu.enqueue_dma source(%dma_start3A_99 : memref<128x128xf32, #tpu.memory_space<vmem>>) target(%dma_start3A_95 : memref<128x128xf32, #tpu.memory_space<vmem_shared>>) target_semaphore(%run_scoped3A_87 : memref<!tpu.dma_semaphore, #tpu.memory_space<semaphore_mem>>)
      %dma_wait3A = arith.constant 0 : i32
      %dma_wait3A_100 = arith.constant 0 : i32
      %dma_wait3A_101 = tpu.memref_slice %arg9[%run_scoped3A_10, %dma_wait3A, %dma_wait3A_100] : memref<2x128x128xf32, #tpu.memory_space<vmem>> -> memref<1x128x128xf32, #tpu.memory_space<vmem>>
      %dma_wait3A_102 = tpu.memref_squeeze %dma_wait3A_101 : memref<1x128x128xf32, #tpu.memory_space<vmem>> -> memref<128x128xf32, #tpu.memory_space<vmem>>
      %dma_wait3A_103 = arith.constant 0 : i32
      %dma_wait3A_104 = tpu.memref_slice %arg10[%add3A_9, %dma_wait3A_103] : memref<10240x128xf32, #tpu.memory_space<vmem_shared>> -> memref<128x128xf32, #tpu.memory_space<vmem_shared>>
      %dma_wait3A_105 = arith.constant 0 : i32
      %dma_wait3A_106 = tpu.memref_slice %arg10[%add3A_9, %dma_wait3A_105] : memref<10240x128xf32, #tpu.memory_space<vmem_shared>> -> memref<128x128xf32, #tpu.memory_space<vmem_shared>>
      %dma_wait3A_107 = arith.constant 0 : i32
      %dma_wait3A_108 = arith.constant 0 : i32
      %dma_wait3A_109 = tpu.memref_slice %arg9[%run_scoped3A_10, %dma_wait3A_107, %dma_wait3A_108] : memref<2x128x128xf32, #tpu.memory_space<vmem>> -> memref<1x128x128xf32, #tpu.memory_space<vmem>>
      %dma_wait3A_110 = tpu.memref_squeeze %dma_wait3A_109 : memref<1x128x128xf32, #tpu.memory_space<vmem>> -> memref<128x128xf32, #tpu.memory_space<vmem>>
      tpu.wait_dma2 semaphore(%run_scoped3A_87 : memref<!tpu.dma_semaphore, #tpu.memory_space<semaphore_mem>>) src(%dma_wait3A_110 : memref<128x128xf32, #tpu.memory_space<vmem>>) dst(%dma_wait3A_106 : memref<128x128xf32, #tpu.memory_space<vmem_shared>>)
      tpu.yield
    }) : () -> ()
    %mul3A_11 = arith.constant 640 : i32
    %mul3A_12 = arith.muli %arg1, %mul3A_11 : i32
    %add3A_13 = arith.constant 256 : i32
    %add3A_14 = arith.addi %mul3A_12, %add3A_13 : i32
    %run_scoped3A_15 = arith.constant 0 : i32
    "tpu.region"() ({
      %run_scoped3A_87 = tpu.sem_alloc : memref<!tpu.dma_semaphore, #tpu.memory_space<semaphore_mem>>
      %dma_start3A_88 = arith.constant 0 : i32
      %dma_start3A_89 = arith.constant 0 : i32
      %dma_start3A_90 = tpu.memref_slice %arg9[%run_scoped3A_15, %dma_start3A_88, %dma_start3A_89] : memref<2x128x128xf32, #tpu.memory_space<vmem>> -> memref<1x128x128xf32, #tpu.memory_space<vmem>>
      %dma_start3A_91 = tpu.memref_squeeze %dma_start3A_90 : memref<1x128x128xf32, #tpu.memory_space<vmem>> -> memref<128x128xf32, #tpu.memory_space<vmem>>
      %dma_start3A_92 = arith.constant 0 : i32
      %dma_start3A_93 = tpu.memref_slice %arg10[%add3A_14, %dma_start3A_92] : memref<10240x128xf32, #tpu.memory_space<vmem_shared>> -> memref<128x128xf32, #tpu.memory_space<vmem_shared>>
      %dma_start3A_94 = arith.constant 0 : i32
      %dma_start3A_95 = tpu.memref_slice %arg10[%add3A_14, %dma_start3A_94] : memref<10240x128xf32, #tpu.memory_space<vmem_shared>> -> memref<128x128xf32, #tpu.memory_space<vmem_shared>>
      %dma_start3A_96 = arith.constant 0 : i32
      %dma_start3A_97 = arith.constant 0 : i32
      %dma_start3A_98 = tpu.memref_slice %arg9[%run_scoped3A_15, %dma_start3A_96, %dma_start3A_97] : memref<2x128x128xf32, #tpu.memory_space<vmem>> -> memref<1x128x128xf32, #tpu.memory_space<vmem>>
      %dma_start3A_99 = tpu.memref_squeeze %dma_start3A_98 : memref<1x128x128xf32, #tpu.memory_space<vmem>> -> memref<128x128xf32, #tpu.memory_space<vmem>>
      tpu.enqueue_dma source(%dma_start3A_99 : memref<128x128xf32, #tpu.memory_space<vmem>>) target(%dma_start3A_95 : memref<128x128xf32, #tpu.memory_space<vmem_shared>>) target_semaphore(%run_scoped3A_87 : memref<!tpu.dma_semaphore, #tpu.memory_space<semaphore_mem>>)
      %dma_wait3A = arith.constant 0 : i32
      %dma_wait3A_100 = arith.constant 0 : i32
      %dma_wait3A_101 = tpu.memref_slice %arg9[%run_scoped3A_15, %dma_wait3A, %dma_wait3A_100] : memref<2x128x128xf32, #tpu.memory_space<vmem>> -> memref<1x128x128xf32, #tpu.memory_space<vmem>>
      %dma_wait3A_102 = tpu.memref_squeeze %dma_wait3A_101 : memref<1x128x128xf32, #tpu.memory_space<vmem>> -> memref<128x128xf32, #tpu.memory_space<vmem>>
      %dma_wait3A_103 = arith.constant 0 : i32
      %dma_wait3A_104 = tpu.memref_slice %arg10[%add3A_14, %dma_wait3A_103] : memref<10240x128xf32, #tpu.memory_space<vmem_shared>> -> memref<128x128xf32, #tpu.memory_space<vmem_shared>>
      %dma_wait3A_105 = arith.constant 0 : i32
      %dma_wait3A_106 = tpu.memref_slice %arg10[%add3A_14, %dma_wait3A_105] : memref<10240x128xf32, #tpu.memory_space<vmem_shared>> -> memref<128x128xf32, #tpu.memory_space<vmem_shared>>
      %dma_wait3A_107 = arith.constant 0 : i32
      %dma_wait3A_108 = arith.constant 0 : i32
      %dma_wait3A_109 = tpu.memref_slice %arg9[%run_scoped3A_15, %dma_wait3A_107, %dma_wait3A_108] : memref<2x128x128xf32, #tpu.memory_space<vmem>> -> memref<1x128x128xf32, #tpu.memory_space<vmem>>
      %dma_wait3A_110 = tpu.memref_squeeze %dma_wait3A_109 : memref<1x128x128xf32, #tpu.memory_space<vmem>> -> memref<128x128xf32, #tpu.memory_space<vmem>>
      tpu.wait_dma2 semaphore(%run_scoped3A_87 : memref<!tpu.dma_semaphore, #tpu.memory_space<semaphore_mem>>) src(%dma_wait3A_110 : memref<128x128xf32, #tpu.memory_space<vmem>>) dst(%dma_wait3A_106 : memref<128x128xf32, #tpu.memory_space<vmem_shared>>)
      tpu.yield
    }) : () -> ()
    %mul3A_16 = arith.constant 640 : i32
    %mul3A_17 = arith.muli %arg1, %mul3A_16 : i32
    %add3A_18 = arith.constant 384 : i32
    %add3A_19 = arith.addi %mul3A_17, %add3A_18 : i32
    %run_scoped3A_20 = arith.constant 0 : i32
    "tpu.region"() ({
      %run_scoped3A_87 = tpu.sem_alloc : memref<!tpu.dma_semaphore, #tpu.memory_space<semaphore_mem>>
      %dma_start3A_88 = arith.constant 0 : i32
      %dma_start3A_89 = arith.constant 0 : i32
      %dma_start3A_90 = tpu.memref_slice %arg9[%run_scoped3A_20, %dma_start3A_88, %dma_start3A_89] : memref<2x128x128xf32, #tpu.memory_space<vmem>> -> memref<1x128x128xf32, #tpu.memory_space<vmem>>
      %dma_start3A_91 = tpu.memref_squeeze %dma_start3A_90 : memref<1x128x128xf32, #tpu.memory_space<vmem>> -> memref<128x128xf32, #tpu.memory_space<vmem>>
      %dma_start3A_92 = arith.constant 0 : i32
      %dma_start3A_93 = tpu.memref_slice %arg10[%add3A_19, %dma_start3A_92] : memref<10240x128xf32, #tpu.memory_space<vmem_shared>> -> memref<128x128xf32, #tpu.memory_space<vmem_shared>>
      %dma_start3A_94 = arith.constant 0 : i32
      %dma_start3A_95 = tpu.memref_slice %arg10[%add3A_19, %dma_start3A_94] : memref<10240x128xf32, #tpu.memory_space<vmem_shared>> -> memref<128x128xf32, #tpu.memory_space<vmem_shared>>
      %dma_start3A_96 = arith.constant 0 : i32
      %dma_start3A_97 = arith.constant 0 : i32
      %dma_start3A_98 = tpu.memref_slice %arg9[%run_scoped3A_20, %dma_start3A_96, %dma_start3A_97] : memref<2x128x128xf32, #tpu.memory_space<vmem>> -> memref<1x128x128xf32, #tpu.memory_space<vmem>>
      %dma_start3A_99 = tpu.memref_squeeze %dma_start3A_98 : memref<1x128x128xf32, #tpu.memory_space<vmem>> -> memref<128x128xf32, #tpu.memory_space<vmem>>
      tpu.enqueue_dma source(%dma_start3A_99 : memref<128x128xf32, #tpu.memory_space<vmem>>) target(%dma_start3A_95 : memref<128x128xf32, #tpu.memory_space<vmem_shared>>) target_semaphore(%run_scoped3A_87 : memref<!tpu.dma_semaphore, #tpu.memory_space<semaphore_mem>>)
      %dma_wait3A = arith.constant 0 : i32
      %dma_wait3A_100 = arith.constant 0 : i32
      %dma_wait3A_101 = tpu.memref_slice %arg9[%run_scoped3A_20, %dma_wait3A, %dma_wait3A_100] : memref<2x128x128xf32, #tpu.memory_space<vmem>> -> memref<1x128x128xf32, #tpu.memory_space<vmem>>
      %dma_wait3A_102 = tpu.memref_squeeze %dma_wait3A_101 : memref<1x128x128xf32, #tpu.memory_space<vmem>> -> memref<128x128xf32, #tpu.memory_space<vmem>>
      %dma_wait3A_103 = arith.constant 0 : i32
      %dma_wait3A_104 = tpu.memref_slice %arg10[%add3A_19, %dma_wait3A_103] : memref<10240x128xf32, #tpu.memory_space<vmem_shared>> -> memref<128x128xf32, #tpu.memory_space<vmem_shared>>
      %dma_wait3A_105 = arith.constant 0 : i32
      %dma_wait3A_106 = tpu.memref_slice %arg10[%add3A_19, %dma_wait3A_105] : memref<10240x128xf32, #tpu.memory_space<vmem_shared>> -> memref<128x128xf32, #tpu.memory_space<vmem_shared>>
      %dma_wait3A_107 = arith.constant 0 : i32
      %dma_wait3A_108 = arith.constant 0 : i32
      %dma_wait3A_109 = tpu.memref_slice %arg9[%run_scoped3A_20, %dma_wait3A_107, %dma_wait3A_108] : memref<2x128x128xf32, #tpu.memory_space<vmem>> -> memref<1x128x128xf32, #tpu.memory_space<vmem>>
      %dma_wait3A_110 = tpu.memref_squeeze %dma_wait3A_109 : memref<1x128x128xf32, #tpu.memory_space<vmem>> -> memref<128x128xf32, #tpu.memory_space<vmem>>
      tpu.wait_dma2 semaphore(%run_scoped3A_87 : memref<!tpu.dma_semaphore, #tpu.memory_space<semaphore_mem>>) src(%dma_wait3A_110 : memref<128x128xf32, #tpu.memory_space<vmem>>) dst(%dma_wait3A_106 : memref<128x128xf32, #tpu.memory_space<vmem_shared>>)
      tpu.yield
    }) : () -> ()
    %mul3A_21 = arith.constant 640 : i32
    %mul3A_22 = arith.muli %arg1, %mul3A_21 : i32
    %add3A_23 = arith.constant 512 : i32
    %add3A_24 = arith.addi %mul3A_22, %add3A_23 : i32
    %run_scoped3A_25 = arith.constant 0 : i32
    "tpu.region"() ({
      %run_scoped3A_87 = tpu.sem_alloc : memref<!tpu.dma_semaphore, #tpu.memory_space<semaphore_mem>>
      %dma_start3A_88 = arith.constant 0 : i32
      %dma_start3A_89 = arith.constant 0 : i32
      %dma_start3A_90 = tpu.memref_slice %arg9[%run_scoped3A_25, %dma_start3A_88, %dma_start3A_89] : memref<2x128x128xf32, #tpu.memory_space<vmem>> -> memref<1x128x128xf32, #tpu.memory_space<vmem>>
      %dma_start3A_91 = tpu.memref_squeeze %dma_start3A_90 : memref<1x128x128xf32, #tpu.memory_space<vmem>> -> memref<128x128xf32, #tpu.memory_space<vmem>>
      %dma_start3A_92 = arith.constant 0 : i32
      %dma_start3A_93 = tpu.memref_slice %arg10[%add3A_24, %dma_start3A_92] : memref<10240x128xf32, #tpu.memory_space<vmem_shared>> -> memref<128x128xf32, #tpu.memory_space<vmem_shared>>
      %dma_start3A_94 = arith.constant 0 : i32
      %dma_start3A_95 = tpu.memref_slice %arg10[%add3A_24, %dma_start3A_94] : memref<10240x128xf32, #tpu.memory_space<vmem_shared>> -> memref<128x128xf32, #tpu.memory_space<vmem_shared>>
      %dma_start3A_96 = arith.constant 0 : i32
      %dma_start3A_97 = arith.constant 0 : i32
      %dma_start3A_98 = tpu.memref_slice %arg9[%run_scoped3A_25, %dma_start3A_96, %dma_start3A_97] : memref<2x128x128xf32, #tpu.memory_space<vmem>> -> memref<1x128x128xf32, #tpu.memory_space<vmem>>
      %dma_start3A_99 = tpu.memref_squeeze %dma_start3A_98 : memref<1x128x128xf32, #tpu.memory_space<vmem>> -> memref<128x128xf32, #tpu.memory_space<vmem>>
      tpu.enqueue_dma source(%dma_start3A_99 : memref<128x128xf32, #tpu.memory_space<vmem>>) target(%dma_start3A_95 : memref<128x128xf32, #tpu.memory_space<vmem_shared>>) target_semaphore(%run_scoped3A_87 : memref<!tpu.dma_semaphore, #tpu.memory_space<semaphore_mem>>)
      %dma_wait3A = arith.constant 0 : i32
      %dma_wait3A_100 = arith.constant 0 : i32
      %dma_wait3A_101 = tpu.memref_slice %arg9[%run_scoped3A_25, %dma_wait3A, %dma_wait3A_100] : memref<2x128x128xf32, #tpu.memory_space<vmem>> -> memref<1x128x128xf32, #tpu.memory_space<vmem>>
      %dma_wait3A_102 = tpu.memref_squeeze %dma_wait3A_101 : memref<1x128x128xf32, #tpu.memory_space<vmem>> -> memref<128x128xf32, #tpu.memory_space<vmem>>
      %dma_wait3A_103 = arith.constant 0 : i32
      %dma_wait3A_104 = tpu.memref_slice %arg10[%add3A_24, %dma_wait3A_103] : memref<10240x128xf32, #tpu.memory_space<vmem_shared>> -> memref<128x128xf32, #tpu.memory_space<vmem_shared>>
      %dma_wait3A_105 = arith.constant 0 : i32
      %dma_wait3A_106 = tpu.memref_slice %arg10[%add3A_24, %dma_wait3A_105] : memref<10240x128xf32, #tpu.memory_space<vmem_shared>> -> memref<128x128xf32, #tpu.memory_space<vmem_shared>>
      %dma_wait3A_107 = arith.constant 0 : i32
      %dma_wait3A_108 = arith.constant 0 : i32
      %dma_wait3A_109 = tpu.memref_slice %arg9[%run_scoped3A_25, %dma_wait3A_107, %dma_wait3A_108] : memref<2x128x128xf32, #tpu.memory_space<vmem>> -> memref<1x128x128xf32, #tpu.memory_space<vmem>>
      %dma_wait3A_110 = tpu.memref_squeeze %dma_wait3A_109 : memref<1x128x128xf32, #tpu.memory_space<vmem>> -> memref<128x128xf32, #tpu.memory_space<vmem>>
      tpu.wait_dma2 semaphore(%run_scoped3A_87 : memref<!tpu.dma_semaphore, #tpu.memory_space<semaphore_mem>>) src(%dma_wait3A_110 : memref<128x128xf32, #tpu.memory_space<vmem>>) dst(%dma_wait3A_106 : memref<128x128xf32, #tpu.memory_space<vmem_shared>>)
      tpu.yield
    }) : () -> ()
    %barrier3A = arith.constant 0 : index
    tpu.barrier barrier_id(%barrier3A)
    %mul3A_26 = arith.constant 2 : i32
    %mul3A_27 = arith.muli %add3A, %mul3A_26 : i32
    %add3A_28 = arith.constant 0 : i32
    %add3A_29 = arith.addi %mul3A_27, %add3A_28 : i32
    %mul3A_30 = arith.constant 40 : i32
    %mul3A_31 = arith.muli %add3A_29, %mul3A_30 : i32
    "tpu.region"() ({
      %run_scoped3A_87 = tpu.sem_alloc : memref<!tpu.dma_semaphore, #tpu.memory_space<semaphore_mem>>
      %dma_start3A_88 = arith.constant 0 : i32
      %dma_start3A_89 = tpu.memref_slice %arg3[%mul3A_31, %dma_start3A_88] : memref<2560x128xi32, #tpu.memory_space<hbm>> -> memref<40x128xi32, #tpu.memory_space<hbm>>
      %dma_start3A_90 = arith.constant 0 : i32
      %dma_start3A_91 = tpu.memref_slice %arg3[%mul3A_31, %dma_start3A_90] : memref<2560x128xi32, #tpu.memory_space<hbm>> -> memref<40x128xi32, #tpu.memory_space<hbm>>
      tpu.enqueue_dma source(%dma_start3A_91 : memref<40x128xi32, #tpu.memory_space<hbm>>) target(%arg7 : memref<40x128xi32, #tpu.memory_space<vmem>>) target_semaphore(%run_scoped3A_87 : memref<!tpu.dma_semaphore, #tpu.memory_space<semaphore_mem>>)
      %dma_wait3A = arith.constant 0 : i32
      %dma_wait3A_92 = tpu.memref_slice %arg3[%mul3A_31, %dma_wait3A] : memref<2560x128xi32, #tpu.memory_space<hbm>> -> memref<40x128xi32, #tpu.memory_space<hbm>>
      %dma_wait3A_93 = arith.constant 0 : i32
      %dma_wait3A_94 = tpu.memref_slice %arg3[%mul3A_31, %dma_wait3A_93] : memref<2560x128xi32, #tpu.memory_space<hbm>> -> memref<40x128xi32, #tpu.memory_space<hbm>>
      tpu.wait_dma2 semaphore(%run_scoped3A_87 : memref<!tpu.dma_semaphore, #tpu.memory_space<semaphore_mem>>) src(%dma_wait3A_94 : memref<40x128xi32, #tpu.memory_space<hbm>>) dst(%arg7 : memref<40x128xi32, #tpu.memory_space<vmem>>)
      tpu.yield
    }) : () -> ()
    %mul3A_32 = arith.constant 2 : i32
    %mul3A_33 = arith.muli %add3A, %mul3A_32 : i32
    %add3A_34 = arith.constant 0 : i32
    %add3A_35 = arith.addi %mul3A_33, %add3A_34 : i32
    %mul3A_36 = arith.constant 40 : i32
    %mul3A_37 = arith.muli %add3A_35, %mul3A_36 : i32
    "tpu.region"() ({
      %run_scoped3A_87 = tpu.sem_alloc : memref<!tpu.dma_semaphore, #tpu.memory_space<semaphore_mem>>
      %dma_start3A_88 = arith.constant 0 : i32
      %dma_start3A_89 = tpu.memref_slice %arg4[%mul3A_37, %dma_start3A_88] : memref<2560x128xi32, #tpu.memory_space<hbm>> -> memref<40x128xi32, #tpu.memory_space<hbm>>
      %dma_start3A_90 = arith.constant 0 : i32
      %dma_start3A_91 = tpu.memref_slice %arg4[%mul3A_37, %dma_start3A_90] : memref<2560x128xi32, #tpu.memory_space<hbm>> -> memref<40x128xi32, #tpu.memory_space<hbm>>
      tpu.enqueue_dma source(%dma_start3A_91 : memref<40x128xi32, #tpu.memory_space<hbm>>) target(%arg8 : memref<40x128xi32, #tpu.memory_space<vmem>>) target_semaphore(%run_scoped3A_87 : memref<!tpu.dma_semaphore, #tpu.memory_space<semaphore_mem>>)
      %dma_wait3A = arith.constant 0 : i32
      %dma_wait3A_92 = tpu.memref_slice %arg4[%mul3A_37, %dma_wait3A] : memref<2560x128xi32, #tpu.memory_space<hbm>> -> memref<40x128xi32, #tpu.memory_space<hbm>>
      %dma_wait3A_93 = arith.constant 0 : i32
      %dma_wait3A_94 = tpu.memref_slice %arg4[%mul3A_37, %dma_wait3A_93] : memref<2560x128xi32, #tpu.memory_space<hbm>> -> memref<40x128xi32, #tpu.memory_space<hbm>>
      tpu.wait_dma2 semaphore(%run_scoped3A_87 : memref<!tpu.dma_semaphore, #tpu.memory_space<semaphore_mem>>) src(%dma_wait3A_94 : memref<40x128xi32, #tpu.memory_space<hbm>>) dst(%arg8 : memref<40x128xi32, #tpu.memory_space<vmem>>)
      tpu.yield
    }) : () -> ()
    %dma_start3A = arith.constant 0 : i32
    %dma_start3A_38 = arith.constant 0 : i32
    %dma_start3A_39 = arith.constant 0 : i32
    %dma_start3A_40 = arith.constant 0 : i32
    %dma_start3A_41 = tpu.memref_slice %arg9[%dma_start3A_38, %dma_start3A_39, %dma_start3A_40] : memref<2x128x128xf32, #tpu.memory_space<vmem>> -> memref<1x128x128xf32, #tpu.memory_space<vmem>>
    %dma_start3A_42 = tpu.memref_squeeze %dma_start3A_41 : memref<1x128x128xf32, #tpu.memory_space<vmem>> -> memref<128x128xf32, #tpu.memory_space<vmem>>
    %dma_start3A_43 = arith.constant 0 : i32
    %dma_start3A_44 = tpu.memref_slice %arg7[%dma_start3A, %dma_start3A_43] : memref<40x128xi32, #tpu.memory_space<vmem>> -> memref<1x128xi32, #tpu.memory_space<vmem>>
    %dma_start3A_45 = tpu.memref_squeeze %dma_start3A_44 : memref<1x128xi32, #tpu.memory_space<vmem>> -> memref<128xi32, #tpu.memory_space<vmem>>
    %dma_start3A_46 = arith.constant 0 : i32
    %dma_start3A_47 = arith.constant 0 : i32
    %dma_start3A_48 = tpu.memref_slice %arg2[%dma_start3A_46, %dma_start3A_47] : memref<10240x128xf32, #tpu.memory_space<hbm>> -> memref<10240x128xf32, #tpu.memory_space<hbm>>
    tpu.enqueue_indirect_dma source(%dma_start3A_48 : memref<10240x128xf32, #tpu.memory_space<hbm>>) target(%dma_start3A_42 : memref<128x128xf32, #tpu.memory_space<vmem>>) offsets(%dma_start3A_45 : memref<128xi32, #tpu.memory_space<vmem>>) semaphore(%arg11 : memref<!tpu.dma_semaphore, #tpu.memory_space<semaphore_mem>>)
    %scan3A = arith.constant 0 : i32
    %scan3A_49 = arith.constant 20 : i32
    %scan3A_50 = arith.addi %scan3A, %scan3A_49 : i32
    %scan3A_51 = arith.constant 1 : i32
    scf.for %scan3A_87 = %scan3A to %scan3A_50 step %scan3A_51  : i32 {
      %mul3A_88 = arith.constant 2 : i32
      %mul3A_89 = arith.muli %scan3A_87, %mul3A_88 : i32
      %add3A_90 = arith.constant 0 : i32
      %add3A_91 = arith.addi %add3A_90, %mul3A_89 : i32
      %add3A_92 = arith.constant 1 : i32
      %add3A_93 = arith.addi %add3A_91, %add3A_92 : i32
      %dma_start3A_94 = arith.constant 1 : i32
      %dma_start3A_95 = arith.constant 0 : i32
      %dma_start3A_96 = arith.constant 0 : i32
      %dma_start3A_97 = tpu.memref_slice %arg9[%dma_start3A_94, %dma_start3A_95, %dma_start3A_96] : memref<2x128x128xf32, #tpu.memory_space<vmem>> -> memref<1x128x128xf32, #tpu.memory_space<vmem>>
      %dma_start3A_98 = tpu.memref_squeeze %dma_start3A_97 : memref<1x128x128xf32, #tpu.memory_space<vmem>> -> memref<128x128xf32, #tpu.memory_space<vmem>>
      %dma_start3A_99 = arith.constant 0 : i32
      %dma_start3A_100 = tpu.memref_slice %arg7[%add3A_93, %dma_start3A_99] : memref<40x128xi32, #tpu.memory_space<vmem>> -> memref<1x128xi32, #tpu.memory_space<vmem>>
      %dma_start3A_101 = tpu.memref_squeeze %dma_start3A_100 : memref<1x128xi32, #tpu.memory_space<vmem>> -> memref<128xi32, #tpu.memory_space<vmem>>
      %dma_start3A_102 = arith.constant 0 : i32
      %dma_start3A_103 = arith.constant 0 : i32
      %dma_start3A_104 = tpu.memref_slice %arg2[%dma_start3A_102, %dma_start3A_103] : memref<10240x128xf32, #tpu.memory_space<hbm>> -> memref<10240x128xf32, #tpu.memory_space<hbm>>
      tpu.enqueue_indirect_dma source(%dma_start3A_104 : memref<10240x128xf32, #tpu.memory_space<hbm>>) target(%dma_start3A_98 : memref<128x128xf32, #tpu.memory_space<vmem>>) offsets(%dma_start3A_101 : memref<128xi32, #tpu.memory_space<vmem>>) semaphore(%arg12 : memref<!tpu.dma_semaphore, #tpu.memory_space<semaphore_mem>>)
      %dma_wait3A = arith.constant 0 : i32
      %dma_wait3A_105 = arith.constant 0 : i32
      %dma_wait3A_106 = arith.constant 0 : i32
      %dma_wait3A_107 = tpu.memref_slice %arg9[%dma_wait3A, %dma_wait3A_105, %dma_wait3A_106] : memref<2x128x128xf32, #tpu.memory_space<vmem>> -> memref<1x128x128xf32, #tpu.memory_space<vmem>>
      %dma_wait3A_108 = tpu.memref_squeeze %dma_wait3A_107 : memref<1x128x128xf32, #tpu.memory_space<vmem>> -> memref<128x128xf32, #tpu.memory_space<vmem>>
      %dma_wait3A_109 = arith.constant 0 : i32
      %dma_wait3A_110 = tpu.memref_slice %arg7[%add3A_91, %dma_wait3A_109] : memref<40x128xi32, #tpu.memory_space<vmem>> -> memref<1x128xi32, #tpu.memory_space<vmem>>
      %dma_wait3A_111 = tpu.memref_squeeze %dma_wait3A_110 : memref<1x128xi32, #tpu.memory_space<vmem>> -> memref<128xi32, #tpu.memory_space<vmem>>
      %dma_wait3A_112 = arith.constant 0 : i32
      %dma_wait3A_113 = arith.constant 0 : i32
      %dma_wait3A_114 = tpu.memref_slice %arg2[%dma_wait3A_112, %dma_wait3A_113] : memref<10240x128xf32, #tpu.memory_space<hbm>> -> memref<10240x128xf32, #tpu.memory_space<hbm>>
      tpu.wait_indirect_dma semaphore(%arg11 : memref<!tpu.dma_semaphore, #tpu.memory_space<semaphore_mem>>) src(%dma_wait3A_114 : memref<10240x128xf32, #tpu.memory_space<hbm>>) dst(%dma_wait3A_108 : memref<128x128xf32, #tpu.memory_space<vmem>>)
      %run_scoped3A_115 = arith.constant 0 : i32
      "tpu.region"() ({
        %run_scoped3A_136 = tpu.sem_alloc : memref<!tpu.dma_semaphore, #tpu.memory_space<semaphore_mem>>
        %dma_start3A_137 = arith.constant 0 : i32
        %dma_start3A_138 = arith.constant 0 : i32
        %dma_start3A_139 = tpu.memref_slice %arg9[%run_scoped3A_115, %dma_start3A_137, %dma_start3A_138] : memref<2x128x128xf32, #tpu.memory_space<vmem>> -> memref<1x128x128xf32, #tpu.memory_space<vmem>>
        %dma_start3A_140 = tpu.memref_squeeze %dma_start3A_139 : memref<1x128x128xf32, #tpu.memory_space<vmem>> -> memref<128x128xf32, #tpu.memory_space<vmem>>
        %dma_start3A_141 = arith.constant 0 : i32
        %dma_start3A_142 = tpu.memref_slice %arg8[%add3A_91, %dma_start3A_141] : memref<40x128xi32, #tpu.memory_space<vmem>> -> memref<1x128xi32, #tpu.memory_space<vmem>>
        %dma_start3A_143 = tpu.memref_squeeze %dma_start3A_142 : memref<1x128xi32, #tpu.memory_space<vmem>> -> memref<128xi32, #tpu.memory_space<vmem>>
        %dma_start3A_144 = arith.constant 0 : i32
        %dma_start3A_145 = arith.constant 0 : i32
        %dma_start3A_146 = tpu.memref_slice %arg10[%dma_start3A_144, %dma_start3A_145] : memref<10240x128xf32, #tpu.memory_space<vmem_shared>> -> memref<10240x128xf32, #tpu.memory_space<vmem_shared>>
        tpu.enqueue_indirect_dma source(%dma_start3A_140 : memref<128x128xf32, #tpu.memory_space<vmem>>) target(%dma_start3A_146 : memref<10240x128xf32, #tpu.memory_space<vmem_shared>>) offsets(%dma_start3A_143 : memref<128xi32, #tpu.memory_space<vmem>>) semaphore(%run_scoped3A_136 : memref<!tpu.dma_semaphore, #tpu.memory_space<semaphore_mem>>) {add = true}
        %dma_wait3A_147 = arith.constant 0 : i32
        %dma_wait3A_148 = arith.constant 0 : i32
        %dma_wait3A_149 = tpu.memref_slice %arg9[%run_scoped3A_115, %dma_wait3A_147, %dma_wait3A_148] : memref<2x128x128xf32, #tpu.memory_space<vmem>> -> memref<1x128x128xf32, #tpu.memory_space<vmem>>
        %dma_wait3A_150 = tpu.memref_squeeze %dma_wait3A_149 : memref<1x128x128xf32, #tpu.memory_space<vmem>> -> memref<128x128xf32, #tpu.memory_space<vmem>>
        %dma_wait3A_151 = arith.constant 0 : i32
        %dma_wait3A_152 = tpu.memref_slice %arg8[%add3A_91, %dma_wait3A_151] : memref<40x128xi32, #tpu.memory_space<vmem>> -> memref<1x128xi32, #tpu.memory_space<vmem>>
        %dma_wait3A_153 = tpu.memref_squeeze %dma_wait3A_152 : memref<1x128xi32, #tpu.memory_space<vmem>> -> memref<128xi32, #tpu.memory_space<vmem>>
        %dma_wait3A_154 = arith.constant 0 : i32
        %dma_wait3A_155 = arith.constant 0 : i32
        %dma_wait3A_156 = tpu.memref_slice %arg10[%dma_wait3A_154, %dma_wait3A_155] : memref<10240x128xf32, #tpu.memory_space<vmem_shared>> -> memref<10240x128xf32, #tpu.memory_space<vmem_shared>>
        tpu.wait_indirect_dma semaphore(%run_scoped3A_136 : memref<!tpu.dma_semaphore, #tpu.memory_space<semaphore_mem>>) src(%dma_wait3A_150 : memref<128x128xf32, #tpu.memory_space<vmem>>) dst(%dma_wait3A_156 : memref<10240x128xf32, #tpu.memory_space<vmem_shared>>)
        tpu.yield
      }) : () -> ()
      %add3A_116 = arith.constant 2 : i32
      %add3A_117 = arith.addi %add3A_91, %add3A_116 : i32
      %lt3A = arith.constant 40 : i32
      %lt3A_118 = arith.cmpi slt, %add3A_117, %lt3A : i32
      %convert_element_type3A = arith.extui %lt3A_118 : i1 to i32
      %cond3A = arith.constant 0 : i32
      %cond3A_119 = arith.cmpi ne, %convert_element_type3A, %cond3A : i32
      scf.if %cond3A_119 {
        %add3A_136 = arith.constant 2 : i32
        %add3A_137 = arith.addi %add3A_91, %add3A_136 : i32
        %dma_start3A_138 = arith.constant 0 : i32
        %dma_start3A_139 = arith.constant 0 : i32
        %dma_start3A_140 = arith.constant 0 : i32
        %dma_start3A_141 = tpu.memref_slice %arg9[%dma_start3A_138, %dma_start3A_139, %dma_start3A_140] : memref<2x128x128xf32, #tpu.memory_space<vmem>> -> memref<1x128x128xf32, #tpu.memory_space<vmem>>
        %dma_start3A_142 = tpu.memref_squeeze %dma_start3A_141 : memref<1x128x128xf32, #tpu.memory_space<vmem>> -> memref<128x128xf32, #tpu.memory_space<vmem>>
        %dma_start3A_143 = arith.constant 0 : i32
        %dma_start3A_144 = tpu.memref_slice %arg7[%add3A_137, %dma_start3A_143] : memref<40x128xi32, #tpu.memory_space<vmem>> -> memref<1x128xi32, #tpu.memory_space<vmem>>
        %dma_start3A_145 = tpu.memref_squeeze %dma_start3A_144 : memref<1x128xi32, #tpu.memory_space<vmem>> -> memref<128xi32, #tpu.memory_space<vmem>>
        %dma_start3A_146 = arith.constant 0 : i32
        %dma_start3A_147 = arith.constant 0 : i32
        %dma_start3A_148 = tpu.memref_slice %arg2[%dma_start3A_146, %dma_start3A_147] : memref<10240x128xf32, #tpu.memory_space<hbm>> -> memref<10240x128xf32, #tpu.memory_space<hbm>>
        tpu.enqueue_indirect_dma source(%dma_start3A_148 : memref<10240x128xf32, #tpu.memory_space<hbm>>) target(%dma_start3A_142 : memref<128x128xf32, #tpu.memory_space<vmem>>) offsets(%dma_start3A_145 : memref<128xi32, #tpu.memory_space<vmem>>) semaphore(%arg11 : memref<!tpu.dma_semaphore, #tpu.memory_space<semaphore_mem>>)
      } else {
      }
      %add3A_120 = arith.constant 1 : i32
      %add3A_121 = arith.addi %add3A_91, %add3A_120 : i32
      %dma_wait3A_122 = arith.constant 1 : i32
      %dma_wait3A_123 = arith.constant 0 : i32
      %dma_wait3A_124 = arith.constant 0 : i32
      %dma_wait3A_125 = tpu.memref_slice %arg9[%dma_wait3A_122, %dma_wait3A_123, %dma_wait3A_124] : memref<2x128x128xf32, #tpu.memory_space<vmem>> -> memref<1x128x128xf32, #tpu.memory_space<vmem>>
      %dma_wait3A_126 = tpu.memref_squeeze %dma_wait3A_125 : memref<1x128x128xf32, #tpu.memory_space<vmem>> -> memref<128x128xf32, #tpu.memory_space<vmem>>
      %dma_wait3A_127 = arith.constant 0 : i32
      %dma_wait3A_128 = tpu.memref_slice %arg7[%add3A_121, %dma_wait3A_127] : memref<40x128xi32, #tpu.memory_space<vmem>> -> memref<1x128xi32, #tpu.memory_space<vmem>>
      %dma_wait3A_129 = tpu.memref_squeeze %dma_wait3A_128 : memref<1x128xi32, #tpu.memory_space<vmem>> -> memref<128xi32, #tpu.memory_space<vmem>>
      %dma_wait3A_130 = arith.constant 0 : i32
      %dma_wait3A_131 = arith.constant 0 : i32
      %dma_wait3A_132 = tpu.memref_slice %arg2[%dma_wait3A_130, %dma_wait3A_131] : memref<10240x128xf32, #tpu.memory_space<hbm>> -> memref<10240x128xf32, #tpu.memory_space<hbm>>
      tpu.wait_indirect_dma semaphore(%arg12 : memref<!tpu.dma_semaphore, #tpu.memory_space<semaphore_mem>>) src(%dma_wait3A_132 : memref<10240x128xf32, #tpu.memory_space<hbm>>) dst(%dma_wait3A_126 : memref<128x128xf32, #tpu.memory_space<vmem>>)
      %add3A_133 = arith.constant 1 : i32
      %add3A_134 = arith.addi %add3A_91, %add3A_133 : i32
      %run_scoped3A_135 = arith.constant 1 : i32
      "tpu.region"() ({
        %run_scoped3A_136 = tpu.sem_alloc : memref<!tpu.dma_semaphore, #tpu.memory_space<semaphore_mem>>
        %dma_start3A_137 = arith.constant 0 : i32
        %dma_start3A_138 = arith.constant 0 : i32
        %dma_start3A_139 = tpu.memref_slice %arg9[%run_scoped3A_135, %dma_start3A_137, %dma_start3A_138] : memref<2x128x128xf32, #tpu.memory_space<vmem>> -> memref<1x128x128xf32, #tpu.memory_space<vmem>>
        %dma_start3A_140 = tpu.memref_squeeze %dma_start3A_139 : memref<1x128x128xf32, #tpu.memory_space<vmem>> -> memref<128x128xf32, #tpu.memory_space<vmem>>
        %dma_start3A_141 = arith.constant 0 : i32
        %dma_start3A_142 = tpu.memref_slice %arg8[%add3A_134, %dma_start3A_141] : memref<40x128xi32, #tpu.memory_space<vmem>> -> memref<1x128xi32, #tpu.memory_space<vmem>>
        %dma_start3A_143 = tpu.memref_squeeze %dma_start3A_142 : memref<1x128xi32, #tpu.memory_space<vmem>> -> memref<128xi32, #tpu.memory_space<vmem>>
        %dma_start3A_144 = arith.constant 0 : i32
        %dma_start3A_145 = arith.constant 0 : i32
        %dma_start3A_146 = tpu.memref_slice %arg10[%dma_start3A_144, %dma_start3A_145] : memref<10240x128xf32, #tpu.memory_space<vmem_shared>> -> memref<10240x128xf32, #tpu.memory_space<vmem_shared>>
        tpu.enqueue_indirect_dma source(%dma_start3A_140 : memref<128x128xf32, #tpu.memory_space<vmem>>) target(%dma_start3A_146 : memref<10240x128xf32, #tpu.memory_space<vmem_shared>>) offsets(%dma_start3A_143 : memref<128xi32, #tpu.memory_space<vmem>>) semaphore(%run_scoped3A_136 : memref<!tpu.dma_semaphore, #tpu.memory_space<semaphore_mem>>) {add = true}
        %dma_wait3A_147 = arith.constant 0 : i32
        %dma_wait3A_148 = arith.constant 0 : i32
        %dma_wait3A_149 = tpu.memref_slice %arg9[%run_scoped3A_135, %dma_wait3A_147, %dma_wait3A_148] : memref<2x128x128xf32, #tpu.memory_space<vmem>> -> memref<1x128x128xf32, #tpu.memory_space<vmem>>
        %dma_wait3A_150 = tpu.memref_squeeze %dma_wait3A_149 : memref<1x128x128xf32, #tpu.memory_space<vmem>> -> memref<128x128xf32, #tpu.memory_space<vmem>>
        %dma_wait3A_151 = arith.constant 0 : i32
        %dma_wait3A_152 = tpu.memref_slice %arg8[%add3A_134, %dma_wait3A_151] : memref<40x128xi32, #tpu.memory_space<vmem>> -> memref<1x128xi32, #tpu.memory_space<vmem>>
        %dma_wait3A_153 = tpu.memref_squeeze %dma_wait3A_152 : memref<1x128xi32, #tpu.memory_space<vmem>> -> memref<128xi32, #tpu.memory_space<vmem>>
        %dma_wait3A_154 = arith.constant 0 : i32
        %dma_wait3A_155 = arith.constant 0 : i32
        %dma_wait3A_156 = tpu.memref_slice %arg10[%dma_wait3A_154, %dma_wait3A_155] : memref<10240x128xf32, #tpu.memory_space<vmem_shared>> -> memref<10240x128xf32, #tpu.memory_space<vmem_shared>>
        tpu.wait_indirect_dma semaphore(%run_scoped3A_136 : memref<!tpu.dma_semaphore, #tpu.memory_space<semaphore_mem>>) src(%dma_wait3A_150 : memref<128x128xf32, #tpu.memory_space<vmem>>) dst(%dma_wait3A_156 : memref<10240x128xf32, #tpu.memory_space<vmem_shared>>)
        tpu.yield
      }) : () -> ()
    }
    %scan3A_52 = arith.constant 20 : i32
    %mul3A_53 = arith.constant 2 : i32
    %mul3A_54 = arith.muli %add3A, %mul3A_53 : i32
    %add3A_55 = arith.constant 1 : i32
    %add3A_56 = arith.addi %mul3A_54, %add3A_55 : i32
    %mul3A_57 = arith.constant 40 : i32
    %mul3A_58 = arith.muli %add3A_56, %mul3A_57 : i32
    "tpu.region"() ({
      %run_scoped3A_87 = tpu.sem_alloc : memref<!tpu.dma_semaphore, #tpu.memory_space<semaphore_mem>>
      %dma_start3A_88 = arith.constant 0 : i32
      %dma_start3A_89 = tpu.memref_slice %arg3[%mul3A_58, %dma_start3A_88] : memref<2560x128xi32, #tpu.memory_space<hbm>> -> memref<40x128xi32, #tpu.memory_space<hbm>>
      %dma_start3A_90 = arith.constant 0 : i32
      %dma_start3A_91 = tpu.memref_slice %arg3[%mul3A_58, %dma_start3A_90] : memref<2560x128xi32, #tpu.memory_space<hbm>> -> memref<40x128xi32, #tpu.memory_space<hbm>>
      tpu.enqueue_dma source(%dma_start3A_91 : memref<40x128xi32, #tpu.memory_space<hbm>>) target(%arg7 : memref<40x128xi32, #tpu.memory_space<vmem>>) target_semaphore(%run_scoped3A_87 : memref<!tpu.dma_semaphore, #tpu.memory_space<semaphore_mem>>)
      %dma_wait3A = arith.constant 0 : i32
      %dma_wait3A_92 = tpu.memref_slice %arg3[%mul3A_58, %dma_wait3A] : memref<2560x128xi32, #tpu.memory_space<hbm>> -> memref<40x128xi32, #tpu.memory_space<hbm>>
      %dma_wait3A_93 = arith.constant 0 : i32
      %dma_wait3A_94 = tpu.memref_slice %arg3[%mul3A_58, %dma_wait3A_93] : memref<2560x128xi32, #tpu.memory_space<hbm>> -> memref<40x128xi32, #tpu.memory_space<hbm>>
      tpu.wait_dma2 semaphore(%run_scoped3A_87 : memref<!tpu.dma_semaphore, #tpu.memory_space<semaphore_mem>>) src(%dma_wait3A_94 : memref<40x128xi32, #tpu.memory_space<hbm>>) dst(%arg7 : memref<40x128xi32, #tpu.memory_space<vmem>>)
      tpu.yield
    }) : () -> ()
    %mul3A_59 = arith.constant 2 : i32
    %mul3A_60 = arith.muli %add3A, %mul3A_59 : i32
    %add3A_61 = arith.constant 1 : i32
    %add3A_62 = arith.addi %mul3A_60, %add3A_61 : i32
    %mul3A_63 = arith.constant 40 : i32
    %mul3A_64 = arith.muli %add3A_62, %mul3A_63 : i32
    "tpu.region"() ({
      %run_scoped3A_87 = tpu.sem_alloc : memref<!tpu.dma_semaphore, #tpu.memory_space<semaphore_mem>>
      %dma_start3A_88 = arith.constant 0 : i32
      %dma_start3A_89 = tpu.memref_slice %arg4[%mul3A_64, %dma_start3A_88] : memref<2560x128xi32, #tpu.memory_space<hbm>> -> memref<40x128xi32, #tpu.memory_space<hbm>>
      %dma_start3A_90 = arith.constant 0 : i32
      %dma_start3A_91 = tpu.memref_slice %arg4[%mul3A_64, %dma_start3A_90] : memref<2560x128xi32, #tpu.memory_space<hbm>> -> memref<40x128xi32, #tpu.memory_space<hbm>>
      tpu.enqueue_dma source(%dma_start3A_91 : memref<40x128xi32, #tpu.memory_space<hbm>>) target(%arg8 : memref<40x128xi32, #tpu.memory_space<vmem>>) target_semaphore(%run_scoped3A_87 : memref<!tpu.dma_semaphore, #tpu.memory_space<semaphore_mem>>)
      %dma_wait3A = arith.constant 0 : i32
      %dma_wait3A_92 = tpu.memref_slice %arg4[%mul3A_64, %dma_wait3A] : memref<2560x128xi32, #tpu.memory_space<hbm>> -> memref<40x128xi32, #tpu.memory_space<hbm>>
      %dma_wait3A_93 = arith.constant 0 : i32
      %dma_wait3A_94 = tpu.memref_slice %arg4[%mul3A_64, %dma_wait3A_93] : memref<2560x128xi32, #tpu.memory_space<hbm>> -> memref<40x128xi32, #tpu.memory_space<hbm>>
      tpu.wait_dma2 semaphore(%run_scoped3A_87 : memref<!tpu.dma_semaphore, #tpu.memory_space<semaphore_mem>>) src(%dma_wait3A_94 : memref<40x128xi32, #tpu.memory_space<hbm>>) dst(%arg8 : memref<40x128xi32, #tpu.memory_space<vmem>>)
      tpu.yield
    }) : () -> ()
    %dma_start3A_65 = arith.constant 0 : i32
    %dma_start3A_66 = arith.constant 0 : i32
    %dma_start3A_67 = arith.constant 0 : i32
    %dma_start3A_68 = arith.constant 0 : i32
    %dma_start3A_69 = tpu.memref_slice %arg9[%dma_start3A_66, %dma_start3A_67, %dma_start3A_68] : memref<2x128x128xf32, #tpu.memory_space<vmem>> -> memref<1x128x128xf32, #tpu.memory_space<vmem>>
    %dma_start3A_70 = tpu.memref_squeeze %dma_start3A_69 : memref<1x128x128xf32, #tpu.memory_space<vmem>> -> memref<128x128xf32, #tpu.memory_space<vmem>>
    %dma_start3A_71 = arith.constant 0 : i32
    %dma_start3A_72 = tpu.memref_slice %arg7[%dma_start3A_65, %dma_start3A_71] : memref<40x128xi32, #tpu.memory_space<vmem>> -> memref<1x128xi32, #tpu.memory_space<vmem>>
    %dma_start3A_73 = tpu.memref_squeeze %dma_start3A_72 : memref<1x128xi32, #tpu.memory_space<vmem>> -> memref<128xi32, #tpu.memory_space<vmem>>
    %dma_start3A_74 = arith.constant 0 : i32
    %dma_start3A_75 = arith.constant 0 : i32
    %dma_start3A_76 = tpu.memref_slice %arg2[%dma_start3A_74, %dma_start3A_75] : memref<10240x128xf32, #tpu.memory_space<hbm>> -> memref<10240x128xf32, #tpu.memory_space<hbm>>
    tpu.enqueue_indirect_dma source(%dma_start3A_76 : memref<10240x128xf32, #tpu.memory_space<hbm>>) target(%dma_start3A_70 : memref<128x128xf32, #tpu.memory_space<vmem>>) offsets(%dma_start3A_73 : memref<128xi32, #tpu.memory_space<vmem>>) semaphore(%arg11 : memref<!tpu.dma_semaphore, #tpu.memory_space<semaphore_mem>>)
    %scan3A_77 = arith.constant 0 : i32
    %scan3A_78 = arith.constant 20 : i32
    %scan3A_79 = arith.addi %scan3A_77, %scan3A_78 : i32
    %scan3A_80 = arith.constant 1 : i32
    scf.for %scan3A_87 = %scan3A_77 to %scan3A_79 step %scan3A_80  : i32 {
      %mul3A_88 = arith.constant 2 : i32
      %mul3A_89 = arith.muli %scan3A_87, %mul3A_88 : i32
      %add3A_90 = arith.constant 0 : i32
      %add3A_91 = arith.addi %add3A_90, %mul3A_89 : i32
      %add3A_92 = arith.constant 1 : i32
      %add3A_93 = arith.addi %add3A_91, %add3A_92 : i32
      %dma_start3A_94 = arith.constant 1 : i32
      %dma_start3A_95 = arith.constant 0 : i32
      %dma_start3A_96 = arith.constant 0 : i32
      %dma_start3A_97 = tpu.memref_slice %arg9[%dma_start3A_94, %dma_start3A_95, %dma_start3A_96] : memref<2x128x128xf32, #tpu.memory_space<vmem>> -> memref<1x128x128xf32, #tpu.memory_space<vmem>>
      %dma_start3A_98 = tpu.memref_squeeze %dma_start3A_97 : memref<1x128x128xf32, #tpu.memory_space<vmem>> -> memref<128x128xf32, #tpu.memory_space<vmem>>
      %dma_start3A_99 = arith.constant 0 : i32
      %dma_start3A_100 = tpu.memref_slice %arg7[%add3A_93, %dma_start3A_99] : memref<40x128xi32, #tpu.memory_space<vmem>> -> memref<1x128xi32, #tpu.memory_space<vmem>>
      %dma_start3A_101 = tpu.memref_squeeze %dma_start3A_100 : memref<1x128xi32, #tpu.memory_space<vmem>> -> memref<128xi32, #tpu.memory_space<vmem>>
      %dma_start3A_102 = arith.constant 0 : i32
      %dma_start3A_103 = arith.constant 0 : i32
      %dma_start3A_104 = tpu.memref_slice %arg2[%dma_start3A_102, %dma_start3A_103] : memref<10240x128xf32, #tpu.memory_space<hbm>> -> memref<10240x128xf32, #tpu.memory_space<hbm>>
      tpu.enqueue_indirect_dma source(%dma_start3A_104 : memref<10240x128xf32, #tpu.memory_space<hbm>>) target(%dma_start3A_98 : memref<128x128xf32, #tpu.memory_space<vmem>>) offsets(%dma_start3A_101 : memref<128xi32, #tpu.memory_space<vmem>>) semaphore(%arg12 : memref<!tpu.dma_semaphore, #tpu.memory_space<semaphore_mem>>)
      %dma_wait3A = arith.constant 0 : i32
      %dma_wait3A_105 = arith.constant 0 : i32
      %dma_wait3A_106 = arith.constant 0 : i32
      %dma_wait3A_107 = tpu.memref_slice %arg9[%dma_wait3A, %dma_wait3A_105, %dma_wait3A_106] : memref<2x128x128xf32, #tpu.memory_space<vmem>> -> memref<1x128x128xf32, #tpu.memory_space<vmem>>
      %dma_wait3A_108 = tpu.memref_squeeze %dma_wait3A_107 : memref<1x128x128xf32, #tpu.memory_space<vmem>> -> memref<128x128xf32, #tpu.memory_space<vmem>>
      %dma_wait3A_109 = arith.constant 0 : i32
      %dma_wait3A_110 = tpu.memref_slice %arg7[%add3A_91, %dma_wait3A_109] : memref<40x128xi32, #tpu.memory_space<vmem>> -> memref<1x128xi32, #tpu.memory_space<vmem>>
      %dma_wait3A_111 = tpu.memref_squeeze %dma_wait3A_110 : memref<1x128xi32, #tpu.memory_space<vmem>> -> memref<128xi32, #tpu.memory_space<vmem>>
      %dma_wait3A_112 = arith.constant 0 : i32
      %dma_wait3A_113 = arith.constant 0 : i32
      %dma_wait3A_114 = tpu.memref_slice %arg2[%dma_wait3A_112, %dma_wait3A_113] : memref<10240x128xf32, #tpu.memory_space<hbm>> -> memref<10240x128xf32, #tpu.memory_space<hbm>>
      tpu.wait_indirect_dma semaphore(%arg11 : memref<!tpu.dma_semaphore, #tpu.memory_space<semaphore_mem>>) src(%dma_wait3A_114 : memref<10240x128xf32, #tpu.memory_space<hbm>>) dst(%dma_wait3A_108 : memref<128x128xf32, #tpu.memory_space<vmem>>)
      %run_scoped3A_115 = arith.constant 0 : i32
      "tpu.region"() ({
        %run_scoped3A_136 = tpu.sem_alloc : memref<!tpu.dma_semaphore, #tpu.memory_space<semaphore_mem>>
        %dma_start3A_137 = arith.constant 0 : i32
        %dma_start3A_138 = arith.constant 0 : i32
        %dma_start3A_139 = tpu.memref_slice %arg9[%run_scoped3A_115, %dma_start3A_137, %dma_start3A_138] : memref<2x128x128xf32, #tpu.memory_space<vmem>> -> memref<1x128x128xf32, #tpu.memory_space<vmem>>
        %dma_start3A_140 = tpu.memref_squeeze %dma_start3A_139 : memref<1x128x128xf32, #tpu.memory_space<vmem>> -> memref<128x128xf32, #tpu.memory_space<vmem>>
        %dma_start3A_141 = arith.constant 0 : i32
        %dma_start3A_142 = tpu.memref_slice %arg8[%add3A_91, %dma_start3A_141] : memref<40x128xi32, #tpu.memory_space<vmem>> -> memref<1x128xi32, #tpu.memory_space<vmem>>
        %dma_start3A_143 = tpu.memref_squeeze %dma_start3A_142 : memref<1x128xi32, #tpu.memory_space<vmem>> -> memref<128xi32, #tpu.memory_space<vmem>>
        %dma_start3A_144 = arith.constant 0 : i32
        %dma_start3A_145 = arith.constant 0 : i32
        %dma_start3A_146 = tpu.memref_slice %arg10[%dma_start3A_144, %dma_start3A_145] : memref<10240x128xf32, #tpu.memory_space<vmem_shared>> -> memref<10240x128xf32, #tpu.memory_space<vmem_shared>>
        tpu.enqueue_indirect_dma source(%dma_start3A_140 : memref<128x128xf32, #tpu.memory_space<vmem>>) target(%dma_start3A_146 : memref<10240x128xf32, #tpu.memory_space<vmem_shared>>) offsets(%dma_start3A_143 : memref<128xi32, #tpu.memory_space<vmem>>) semaphore(%run_scoped3A_136 : memref<!tpu.dma_semaphore, #tpu.memory_space<semaphore_mem>>) {add = true}
        %dma_wait3A_147 = arith.constant 0 : i32
        %dma_wait3A_148 = arith.constant 0 : i32
        %dma_wait3A_149 = tpu.memref_slice %arg9[%run_scoped3A_115, %dma_wait3A_147, %dma_wait3A_148] : memref<2x128x128xf32, #tpu.memory_space<vmem>> -> memref<1x128x128xf32, #tpu.memory_space<vmem>>
        %dma_wait3A_150 = tpu.memref_squeeze %dma_wait3A_149 : memref<1x128x128xf32, #tpu.memory_space<vmem>> -> memref<128x128xf32, #tpu.memory_space<vmem>>
        %dma_wait3A_151 = arith.constant 0 : i32
        %dma_wait3A_152 = tpu.memref_slice %arg8[%add3A_91, %dma_wait3A_151] : memref<40x128xi32, #tpu.memory_space<vmem>> -> memref<1x128xi32, #tpu.memory_space<vmem>>
        %dma_wait3A_153 = tpu.memref_squeeze %dma_wait3A_152 : memref<1x128xi32, #tpu.memory_space<vmem>> -> memref<128xi32, #tpu.memory_space<vmem>>
        %dma_wait3A_154 = arith.constant 0 : i32
        %dma_wait3A_155 = arith.constant 0 : i32
        %dma_wait3A_156 = tpu.memref_slice %arg10[%dma_wait3A_154, %dma_wait3A_155] : memref<10240x128xf32, #tpu.memory_space<vmem_shared>> -> memref<10240x128xf32, #tpu.memory_space<vmem_shared>>
        tpu.wait_indirect_dma semaphore(%run_scoped3A_136 : memref<!tpu.dma_semaphore, #tpu.memory_space<semaphore_mem>>) src(%dma_wait3A_150 : memref<128x128xf32, #tpu.memory_space<vmem>>) dst(%dma_wait3A_156 : memref<10240x128xf32, #tpu.memory_space<vmem_shared>>)
        tpu.yield
      }) : () -> ()
      %add3A_116 = arith.constant 2 : i32
      %add3A_117 = arith.addi %add3A_91, %add3A_116 : i32
      %lt3A = arith.constant 40 : i32
      %lt3A_118 = arith.cmpi slt, %add3A_117, %lt3A : i32
      %convert_element_type3A = arith.extui %lt3A_118 : i1 to i32
      %cond3A = arith.constant 0 : i32
      %cond3A_119 = arith.cmpi ne, %convert_element_type3A, %cond3A : i32
      scf.if %cond3A_119 {
        %add3A_136 = arith.constant 2 : i32
        %add3A_137 = arith.addi %add3A_91, %add3A_136 : i32
        %dma_start3A_138 = arith.constant 0 : i32
        %dma_start3A_139 = arith.constant 0 : i32
        %dma_start3A_140 = arith.constant 0 : i32
        %dma_start3A_141 = tpu.memref_slice %arg9[%dma_start3A_138, %dma_start3A_139, %dma_start3A_140] : memref<2x128x128xf32, #tpu.memory_space<vmem>> -> memref<1x128x128xf32, #tpu.memory_space<vmem>>
        %dma_start3A_142 = tpu.memref_squeeze %dma_start3A_141 : memref<1x128x128xf32, #tpu.memory_space<vmem>> -> memref<128x128xf32, #tpu.memory_space<vmem>>
        %dma_start3A_143 = arith.constant 0 : i32
        %dma_start3A_144 = tpu.memref_slice %arg7[%add3A_137, %dma_start3A_143] : memref<40x128xi32, #tpu.memory_space<vmem>> -> memref<1x128xi32, #tpu.memory_space<vmem>>
        %dma_start3A_145 = tpu.memref_squeeze %dma_start3A_144 : memref<1x128xi32, #tpu.memory_space<vmem>> -> memref<128xi32, #tpu.memory_space<vmem>>
        %dma_start3A_146 = arith.constant 0 : i32
        %dma_start3A_147 = arith.constant 0 : i32
        %dma_start3A_148 = tpu.memref_slice %arg2[%dma_start3A_146, %dma_start3A_147] : memref<10240x128xf32, #tpu.memory_space<hbm>> -> memref<10240x128xf32, #tpu.memory_space<hbm>>
        tpu.enqueue_indirect_dma source(%dma_start3A_148 : memref<10240x128xf32, #tpu.memory_space<hbm>>) target(%dma_start3A_142 : memref<128x128xf32, #tpu.memory_space<vmem>>) offsets(%dma_start3A_145 : memref<128xi32, #tpu.memory_space<vmem>>) semaphore(%arg11 : memref<!tpu.dma_semaphore, #tpu.memory_space<semaphore_mem>>)
      } else {
      }
      %add3A_120 = arith.constant 1 : i32
      %add3A_121 = arith.addi %add3A_91, %add3A_120 : i32
      %dma_wait3A_122 = arith.constant 1 : i32
      %dma_wait3A_123 = arith.constant 0 : i32
      %dma_wait3A_124 = arith.constant 0 : i32
      %dma_wait3A_125 = tpu.memref_slice %arg9[%dma_wait3A_122, %dma_wait3A_123, %dma_wait3A_124] : memref<2x128x128xf32, #tpu.memory_space<vmem>> -> memref<1x128x128xf32, #tpu.memory_space<vmem>>
      %dma_wait3A_126 = tpu.memref_squeeze %dma_wait3A_125 : memref<1x128x128xf32, #tpu.memory_space<vmem>> -> memref<128x128xf32, #tpu.memory_space<vmem>>
      %dma_wait3A_127 = arith.constant 0 : i32
      %dma_wait3A_128 = tpu.memref_slice %arg7[%add3A_121, %dma_wait3A_127] : memref<40x128xi32, #tpu.memory_space<vmem>> -> memref<1x128xi32, #tpu.memory_space<vmem>>
      %dma_wait3A_129 = tpu.memref_squeeze %dma_wait3A_128 : memref<1x128xi32, #tpu.memory_space<vmem>> -> memref<128xi32, #tpu.memory_space<vmem>>
      %dma_wait3A_130 = arith.constant 0 : i32
      %dma_wait3A_131 = arith.constant 0 : i32
      %dma_wait3A_132 = tpu.memref_slice %arg2[%dma_wait3A_130, %dma_wait3A_131] : memref<10240x128xf32, #tpu.memory_space<hbm>> -> memref<10240x128xf32, #tpu.memory_space<hbm>>
      tpu.wait_indirect_dma semaphore(%arg12 : memref<!tpu.dma_semaphore, #tpu.memory_space<semaphore_mem>>) src(%dma_wait3A_132 : memref<10240x128xf32, #tpu.memory_space<hbm>>) dst(%dma_wait3A_126 : memref<128x128xf32, #tpu.memory_space<vmem>>)
      %add3A_133 = arith.constant 1 : i32
      %add3A_134 = arith.addi %add3A_91, %add3A_133 : i32
      %run_scoped3A_135 = arith.constant 1 : i32
      "tpu.region"() ({
        %run_scoped3A_136 = tpu.sem_alloc : memref<!tpu.dma_semaphore, #tpu.memory_space<semaphore_mem>>
        %dma_start3A_137 = arith.constant 0 : i32
        %dma_start3A_138 = arith.constant 0 : i32
        %dma_start3A_139 = tpu.memref_slice %arg9[%run_scoped3A_135, %dma_start3A_137, %dma_start3A_138] : memref<2x128x128xf32, #tpu.memory_space<vmem>> -> memref<1x128x128xf32, #tpu.memory_space<vmem>>
        %dma_start3A_140 = tpu.memref_squeeze %dma_start3A_139 : memref<1x128x128xf32, #tpu.memory_space<vmem>> -> memref<128x128xf32, #tpu.memory_space<vmem>>
        %dma_start3A_141 = arith.constant 0 : i32
        %dma_start3A_142 = tpu.memref_slice %arg8[%add3A_134, %dma_start3A_141] : memref<40x128xi32, #tpu.memory_space<vmem>> -> memref<1x128xi32, #tpu.memory_space<vmem>>
        %dma_start3A_143 = tpu.memref_squeeze %dma_start3A_142 : memref<1x128xi32, #tpu.memory_space<vmem>> -> memref<128xi32, #tpu.memory_space<vmem>>
        %dma_start3A_144 = arith.constant 0 : i32
        %dma_start3A_145 = arith.constant 0 : i32
        %dma_start3A_146 = tpu.memref_slice %arg10[%dma_start3A_144, %dma_start3A_145] : memref<10240x128xf32, #tpu.memory_space<vmem_shared>> -> memref<10240x128xf32, #tpu.memory_space<vmem_shared>>
        tpu.enqueue_indirect_dma source(%dma_start3A_140 : memref<128x128xf32, #tpu.memory_space<vmem>>) target(%dma_start3A_146 : memref<10240x128xf32, #tpu.memory_space<vmem_shared>>) offsets(%dma_start3A_143 : memref<128xi32, #tpu.memory_space<vmem>>) semaphore(%run_scoped3A_136 : memref<!tpu.dma_semaphore, #tpu.memory_space<semaphore_mem>>) {add = true}
        %dma_wait3A_147 = arith.constant 0 : i32
        %dma_wait3A_148 = arith.constant 0 : i32
        %dma_wait3A_149 = tpu.memref_slice %arg9[%run_scoped3A_135, %dma_wait3A_147, %dma_wait3A_148] : memref<2x128x128xf32, #tpu.memory_space<vmem>> -> memref<1x128x128xf32, #tpu.memory_space<vmem>>
        %dma_wait3A_150 = tpu.memref_squeeze %dma_wait3A_149 : memref<1x128x128xf32, #tpu.memory_space<vmem>> -> memref<128x128xf32, #tpu.memory_space<vmem>>
        %dma_wait3A_151 = arith.constant 0 : i32
        %dma_wait3A_152 = tpu.memref_slice %arg8[%add3A_134, %dma_wait3A_151] : memref<40x128xi32, #tpu.memory_space<vmem>> -> memref<1x128xi32, #tpu.memory_space<vmem>>
        %dma_wait3A_153 = tpu.memref_squeeze %dma_wait3A_152 : memref<1x128xi32, #tpu.memory_space<vmem>> -> memref<128xi32, #tpu.memory_space<vmem>>
        %dma_wait3A_154 = arith.constant 0 : i32
        %dma_wait3A_155 = arith.constant 0 : i32
        %dma_wait3A_156 = tpu.memref_slice %arg10[%dma_wait3A_154, %dma_wait3A_155] : memref<10240x128xf32, #tpu.memory_space<vmem_shared>> -> memref<10240x128xf32, #tpu.memory_space<vmem_shared>>
        tpu.wait_indirect_dma semaphore(%run_scoped3A_136 : memref<!tpu.dma_semaphore, #tpu.memory_space<semaphore_mem>>) src(%dma_wait3A_150 : memref<128x128xf32, #tpu.memory_space<vmem>>) dst(%dma_wait3A_156 : memref<10240x128xf32, #tpu.memory_space<vmem_shared>>)
        tpu.yield
      }) : () -> ()
    }
    %scan3A_81 = arith.constant 20 : i32
    %barrier3A_82 = arith.constant 0 : index
    tpu.barrier barrier_id(%barrier3A_82)
    %mul3A_83 = arith.constant 640 : i32
    %mul3A_84 = arith.muli %arg1, %mul3A_83 : i32
    %mul3A_85 = arith.constant 640 : i32
    %mul3A_86 = arith.muli %arg1, %mul3A_85 : i32
    "tpu.region"() ({
      %run_scoped3A_87 = tpu.sem_alloc : memref<!tpu.dma_semaphore, #tpu.memory_space<semaphore_mem>>
      %dma_start3A_88 = arith.constant 0 : i32
      %dma_start3A_89 = tpu.memref_slice %arg6[%arg0, %mul3A_86, %dma_start3A_88] : memref<2x10240x128xf32, #tpu.memory_space<hbm>> -> memref<1x640x128xf32, #tpu.memory_space<hbm>>
      %dma_start3A_90 = tpu.memref_squeeze %dma_start3A_89 : memref<1x640x128xf32, #tpu.memory_space<hbm>> -> memref<640x128xf32, #tpu.memory_space<hbm>>
      %dma_start3A_91 = arith.constant 0 : i32
      %dma_start3A_92 = tpu.memref_slice %arg10[%mul3A_84, %dma_start3A_91] : memref<10240x128xf32, #tpu.memory_space<vmem_shared>> -> memref<640x128xf32, #tpu.memory_space<vmem_shared>>
      tpu.enqueue_dma source(%dma_start3A_92 : memref<640x128xf32, #tpu.memory_space<vmem_shared>>) target(%dma_start3A_90 : memref<640x128xf32, #tpu.memory_space<hbm>>) target_semaphore(%run_scoped3A_87 : memref<!tpu.dma_semaphore, #tpu.memory_space<semaphore_mem>>)
      %dma_wait3A = arith.constant 0 : i32
      %dma_wait3A_93 = tpu.memref_slice %arg6[%arg0, %mul3A_86, %dma_wait3A] : memref<2x10240x128xf32, #tpu.memory_space<hbm>> -> memref<1x640x128xf32, #tpu.memory_space<hbm>>
      %dma_wait3A_94 = tpu.memref_squeeze %dma_wait3A_93 : memref<1x640x128xf32, #tpu.memory_space<hbm>> -> memref<640x128xf32, #tpu.memory_space<hbm>>
      %dma_wait3A_95 = arith.constant 0 : i32
      %dma_wait3A_96 = tpu.memref_slice %arg10[%mul3A_84, %dma_wait3A_95] : memref<10240x128xf32, #tpu.memory_space<vmem_shared>> -> memref<640x128xf32, #tpu.memory_space<vmem_shared>>
      tpu.wait_dma2 semaphore(%run_scoped3A_87 : memref<!tpu.dma_semaphore, #tpu.memory_space<semaphore_mem>>) src(%dma_wait3A_96 : memref<640x128xf32, #tpu.memory_space<vmem_shared>>) dst(%dma_wait3A_94 : memref<640x128xf32, #tpu.memory_space<hbm>>)
      tpu.yield
    }) : () -> ()
    return
  }
}

#map = affine_map<(d0, d1) -> (0, 0)>
#map1 = affine_map<(d0, d1) -> (0, 0, 0)>
module attributes {stable_mosaic.version = 14 : i64} {
  func.func @_sc_segsum_body(%arg0: i32, %arg1: i32, %arg2: memref<10240x128xf32, #tpu.memory_space<hbm>>, %arg3: memref<2560x128xi32, #tpu.memory_space<hbm>>, %arg4: memref<2560x128xi32, #tpu.memory_space<hbm>>, %arg5: memref<128x128xf32, #tpu.memory_space<hbm>>, %arg6: memref<2x10240x128xf32, #tpu.memory_space<hbm>>, %arg7: memref<40x128xi32, #tpu.memory_space<vmem>>, %arg8: memref<40x128xi32, #tpu.memory_space<vmem>>, %arg9: memref<2x128x128xf32, #tpu.memory_space<vmem>>, %arg10: memref<10240x128xf32, #tpu.memory_space<vmem_shared>>, %arg11: memref<!tpu.dma_semaphore, #tpu.memory_space<semaphore_mem>>, %arg12: memref<!tpu.dma_semaphore, #tpu.memory_space<semaphore_mem>>) attributes {dimension_semantics = [#tpu.dimension_semantics<core_parallel>, #tpu.dimension_semantics<subcore_parallel>], iteration_bounds = array<i64: 2, 16>, scalar_prefetch = 0 : i64, scratch_operands = 6 : i64, tpu.core_type = #tpu.core_type<sc_vector_subcore>, window_params = [{transform_indices = #map}, {transform_indices = #map}, {transform_indices = #map}, {transform_indices = #map}, {transform_indices = #map1}]} {
    %mul3A = arith.constant 16 : i32
    %mul3A_0 = arith.muli %arg0, %mul3A : i32
    %add3A = arith.addi %mul3A_0, %arg1 : i32
    %run_scoped3A = arith.constant 0 : i32
    "tpu.region"() ({
      %run_scoped3A_87 = tpu.sem_alloc : memref<!tpu.dma_semaphore, #tpu.memory_space<semaphore_mem>>
      %dma_start3A_88 = arith.constant 0 : i32
      %dma_start3A_89 = arith.constant 0 : i32
      %dma_start3A_90 = tpu.memref_slice %arg9[%run_scoped3A, %dma_start3A_88, %dma_start3A_89] : memref<2x128x128xf32, #tpu.memory_space<vmem>> -> memref<1x128x128xf32, #tpu.memory_space<vmem>>
      %dma_start3A_91 = tpu.memref_squeeze %dma_start3A_90 : memref<1x128x128xf32, #tpu.memory_space<vmem>> -> memref<128x128xf32, #tpu.memory_space<vmem>>
      %dma_start3A_92 = arith.constant 0 : i32
      %dma_start3A_93 = arith.constant 0 : i32
      %dma_start3A_94 = tpu.memref_slice %arg9[%run_scoped3A, %dma_start3A_92, %dma_start3A_93] : memref<2x128x128xf32, #tpu.memory_space<vmem>> -> memref<1x128x128xf32, #tpu.memory_space<vmem>>
      %dma_start3A_95 = tpu.memref_squeeze %dma_start3A_94 : memref<1x128x128xf32, #tpu.memory_space<vmem>> -> memref<128x128xf32, #tpu.memory_space<vmem>>
      tpu.enqueue_dma source(%arg5 : memref<128x128xf32, #tpu.memory_space<hbm>>) target(%dma_start3A_95 : memref<128x128xf32, #tpu.memory_space<vmem>>) target_semaphore(%run_scoped3A_87 : memref<!tpu.dma_semaphore, #tpu.memory_space<semaphore_mem>>)
      %dma_wait3A = arith.constant 0 : i32
      %dma_wait3A_96 = arith.constant 0 : i32
      %dma_wait3A_97 = tpu.memref_slice %arg9[%run_scoped3A, %dma_wait3A, %dma_wait3A_96] : memref<2x128x128xf32, #tpu.memory_space<vmem>> -> memref<1x128x128xf32, #tpu.memory_space<vmem>>
      %dma_wait3A_98 = tpu.memref_squeeze %dma_wait3A_97 : memref<1x128x128xf32, #tpu.memory_space<vmem>> -> memref<128x128xf32, #tpu.memory_space<vmem>>
      %dma_wait3A_99 = arith.constant 0 : i32
      %dma_wait3A_100 = arith.constant 0 : i32
      %dma_wait3A_101 = tpu.memref_slice %arg9[%run_scoped3A, %dma_wait3A_99, %dma_wait3A_100] : memref<2x128x128xf32, #tpu.memory_space<vmem>> -> memref<1x128x128xf32, #tpu.memory_space<vmem>>
      %dma_wait3A_102 = tpu.memref_squeeze %dma_wait3A_101 : memref<1x128x128xf32, #tpu.memory_space<vmem>> -> memref<128x128xf32, #tpu.memory_space<vmem>>
      tpu.wait_dma2 semaphore(%run_scoped3A_87 : memref<!tpu.dma_semaphore, #tpu.memory_space<semaphore_mem>>) src(%arg5 : memref<128x128xf32, #tpu.memory_space<hbm>>) dst(%dma_wait3A_102 : memref<128x128xf32, #tpu.memory_space<vmem>>)
      tpu.yield
    }) : () -> ()
    %mul3A_1 = arith.constant 640 : i32
    %mul3A_2 = arith.muli %arg1, %mul3A_1 : i32
    %add3A_3 = arith.constant 0 : i32
    %add3A_4 = arith.addi %mul3A_2, %add3A_3 : i32
    %run_scoped3A_5 = arith.constant 0 : i32
    "tpu.region"() ({
      %run_scoped3A_87 = tpu.sem_alloc : memref<!tpu.dma_semaphore, #tpu.memory_space<semaphore_mem>>
      %dma_start3A_88 = arith.constant 0 : i32
      %dma_start3A_89 = arith.constant 0 : i32
      %dma_start3A_90 = tpu.memref_slice %arg9[%run_scoped3A_5, %dma_start3A_88, %dma_start3A_89] : memref<2x128x128xf32, #tpu.memory_space<vmem>> -> memref<1x128x128xf32, #tpu.memory_space<vmem>>
      %dma_start3A_91 = tpu.memref_squeeze %dma_start3A_90 : memref<1x128x128xf32, #tpu.memory_space<vmem>> -> memref<128x128xf32, #tpu.memory_space<vmem>>
      %dma_start3A_92 = arith.constant 0 : i32
      %dma_start3A_93 = tpu.memref_slice %arg10[%add3A_4, %dma_start3A_92] : memref<10240x128xf32, #tpu.memory_space<vmem_shared>> -> memref<128x128xf32, #tpu.memory_space<vmem_shared>>
      %dma_start3A_94 = arith.constant 0 : i32
      %dma_start3A_95 = tpu.memref_slice %arg10[%add3A_4, %dma_start3A_94] : memref<10240x128xf32, #tpu.memory_space<vmem_shared>> -> memref<128x128xf32, #tpu.memory_space<vmem_shared>>
      %dma_start3A_96 = arith.constant 0 : i32
      %dma_start3A_97 = arith.constant 0 : i32
      %dma_start3A_98 = tpu.memref_slice %arg9[%run_scoped3A_5, %dma_start3A_96, %dma_start3A_97] : memref<2x128x128xf32, #tpu.memory_space<vmem>> -> memref<1x128x128xf32, #tpu.memory_space<vmem>>
      %dma_start3A_99 = tpu.memref_squeeze %dma_start3A_98 : memref<1x128x128xf32, #tpu.memory_space<vmem>> -> memref<128x128xf32, #tpu.memory_space<vmem>>
      tpu.enqueue_dma source(%dma_start3A_99 : memref<128x128xf32, #tpu.memory_space<vmem>>) target(%dma_start3A_95 : memref<128x128xf32, #tpu.memory_space<vmem_shared>>) target_semaphore(%run_scoped3A_87 : memref<!tpu.dma_semaphore, #tpu.memory_space<semaphore_mem>>)
      %dma_wait3A = arith.constant 0 : i32
      %dma_wait3A_100 = arith.constant 0 : i32
      %dma_wait3A_101 = tpu.memref_slice %arg9[%run_scoped3A_5, %dma_wait3A, %dma_wait3A_100] : memref<2x128x128xf32, #tpu.memory_space<vmem>> -> memref<1x128x128xf32, #tpu.memory_space<vmem>>
      %dma_wait3A_102 = tpu.memref_squeeze %dma_wait3A_101 : memref<1x128x128xf32, #tpu.memory_space<vmem>> -> memref<128x128xf32, #tpu.memory_space<vmem>>
      %dma_wait3A_103 = arith.constant 0 : i32
      %dma_wait3A_104 = tpu.memref_slice %arg10[%add3A_4, %dma_wait3A_103] : memref<10240x128xf32, #tpu.memory_space<vmem_shared>> -> memref<128x128xf32, #tpu.memory_space<vmem_shared>>
      %dma_wait3A_105 = arith.constant 0 : i32
      %dma_wait3A_106 = tpu.memref_slice %arg10[%add3A_4, %dma_wait3A_105] : memref<10240x128xf32, #tpu.memory_space<vmem_shared>> -> memref<128x128xf32, #tpu.memory_space<vmem_shared>>
      %dma_wait3A_107 = arith.constant 0 : i32
      %dma_wait3A_108 = arith.constant 0 : i32
      %dma_wait3A_109 = tpu.memref_slice %arg9[%run_scoped3A_5, %dma_wait3A_107, %dma_wait3A_108] : memref<2x128x128xf32, #tpu.memory_space<vmem>> -> memref<1x128x128xf32, #tpu.memory_space<vmem>>
      %dma_wait3A_110 = tpu.memref_squeeze %dma_wait3A_109 : memref<1x128x128xf32, #tpu.memory_space<vmem>> -> memref<128x128xf32, #tpu.memory_space<vmem>>
      tpu.wait_dma2 semaphore(%run_scoped3A_87 : memref<!tpu.dma_semaphore, #tpu.memory_space<semaphore_mem>>) src(%dma_wait3A_110 : memref<128x128xf32, #tpu.memory_space<vmem>>) dst(%dma_wait3A_106 : memref<128x128xf32, #tpu.memory_space<vmem_shared>>)
      tpu.yield
    }) : () -> ()
    %mul3A_6 = arith.constant 640 : i32
    %mul3A_7 = arith.muli %arg1, %mul3A_6 : i32
    %add3A_8 = arith.constant 128 : i32
    %add3A_9 = arith.addi %mul3A_7, %add3A_8 : i32
    %run_scoped3A_10 = arith.constant 0 : i32
    "tpu.region"() ({
      %run_scoped3A_87 = tpu.sem_alloc : memref<!tpu.dma_semaphore, #tpu.memory_space<semaphore_mem>>
      %dma_start3A_88 = arith.constant 0 : i32
      %dma_start3A_89 = arith.constant 0 : i32
      %dma_start3A_90 = tpu.memref_slice %arg9[%run_scoped3A_10, %dma_start3A_88, %dma_start3A_89] : memref<2x128x128xf32, #tpu.memory_space<vmem>> -> memref<1x128x128xf32, #tpu.memory_space<vmem>>
      %dma_start3A_91 = tpu.memref_squeeze %dma_start3A_90 : memref<1x128x128xf32, #tpu.memory_space<vmem>> -> memref<128x128xf32, #tpu.memory_space<vmem>>
      %dma_start3A_92 = arith.constant 0 : i32
      %dma_start3A_93 = tpu.memref_slice %arg10[%add3A_9, %dma_start3A_92] : memref<10240x128xf32, #tpu.memory_space<vmem_shared>> -> memref<128x128xf32, #tpu.memory_space<vmem_shared>>
      %dma_start3A_94 = arith.constant 0 : i32
      %dma_start3A_95 = tpu.memref_slice %arg10[%add3A_9, %dma_start3A_94] : memref<10240x128xf32, #tpu.memory_space<vmem_shared>> -> memref<128x128xf32, #tpu.memory_space<vmem_shared>>
      %dma_start3A_96 = arith.constant 0 : i32
      %dma_start3A_97 = arith.constant 0 : i32
      %dma_start3A_98 = tpu.memref_slice %arg9[%run_scoped3A_10, %dma_start3A_96, %dma_start3A_97] : memref<2x128x128xf32, #tpu.memory_space<vmem>> -> memref<1x128x128xf32, #tpu.memory_space<vmem>>
      %dma_start3A_99 = tpu.memref_squeeze %dma_start3A_98 : memref<1x128x128xf32, #tpu.memory_space<vmem>> -> memref<128x128xf32, #tpu.memory_space<vmem>>
      tpu.enqueue_dma source(%dma_start3A_99 : memref<128x128xf32, #tpu.memory_space<vmem>>) target(%dma_start3A_95 : memref<128x128xf32, #tpu.memory_space<vmem_shared>>) target_semaphore(%run_scoped3A_87 : memref<!tpu.dma_semaphore, #tpu.memory_space<semaphore_mem>>)
      %dma_wait3A = arith.constant 0 : i32
      %dma_wait3A_100 = arith.constant 0 : i32
      %dma_wait3A_101 = tpu.memref_slice %arg9[%run_scoped3A_10, %dma_wait3A, %dma_wait3A_100] : memref<2x128x128xf32, #tpu.memory_space<vmem>> -> memref<1x128x128xf32, #tpu.memory_space<vmem>>
      %dma_wait3A_102 = tpu.memref_squeeze %dma_wait3A_101 : memref<1x128x128xf32, #tpu.memory_space<vmem>> -> memref<128x128xf32, #tpu.memory_space<vmem>>
      %dma_wait3A_103 = arith.constant 0 : i32
      %dma_wait3A_104 = tpu.memref_slice %arg10[%add3A_9, %dma_wait3A_103] : memref<10240x128xf32, #tpu.memory_space<vmem_shared>> -> memref<128x128xf32, #tpu.memory_space<vmem_shared>>
      %dma_wait3A_105 = arith.constant 0 : i32
      %dma_wait3A_106 = tpu.memref_slice %arg10[%add3A_9, %dma_wait3A_105] : memref<10240x128xf32, #tpu.memory_space<vmem_shared>> -> memref<128x128xf32, #tpu.memory_space<vmem_shared>>
      %dma_wait3A_107 = arith.constant 0 : i32
      %dma_wait3A_108 = arith.constant 0 : i32
      %dma_wait3A_109 = tpu.memref_slice %arg9[%run_scoped3A_10, %dma_wait3A_107, %dma_wait3A_108] : memref<2x128x128xf32, #tpu.memory_space<vmem>> -> memref<1x128x128xf32, #tpu.memory_space<vmem>>
      %dma_wait3A_110 = tpu.memref_squeeze %dma_wait3A_109 : memref<1x128x128xf32, #tpu.memory_space<vmem>> -> memref<128x128xf32, #tpu.memory_space<vmem>>
      tpu.wait_dma2 semaphore(%run_scoped3A_87 : memref<!tpu.dma_semaphore, #tpu.memory_space<semaphore_mem>>) src(%dma_wait3A_110 : memref<128x128xf32, #tpu.memory_space<vmem>>) dst(%dma_wait3A_106 : memref<128x128xf32, #tpu.memory_space<vmem_shared>>)
      tpu.yield
    }) : () -> ()
    %mul3A_11 = arith.constant 640 : i32
    %mul3A_12 = arith.muli %arg1, %mul3A_11 : i32
    %add3A_13 = arith.constant 256 : i32
    %add3A_14 = arith.addi %mul3A_12, %add3A_13 : i32
    %run_scoped3A_15 = arith.constant 0 : i32
    "tpu.region"() ({
      %run_scoped3A_87 = tpu.sem_alloc : memref<!tpu.dma_semaphore, #tpu.memory_space<semaphore_mem>>
      %dma_start3A_88 = arith.constant 0 : i32
      %dma_start3A_89 = arith.constant 0 : i32
      %dma_start3A_90 = tpu.memref_slice %arg9[%run_scoped3A_15, %dma_start3A_88, %dma_start3A_89] : memref<2x128x128xf32, #tpu.memory_space<vmem>> -> memref<1x128x128xf32, #tpu.memory_space<vmem>>
      %dma_start3A_91 = tpu.memref_squeeze %dma_start3A_90 : memref<1x128x128xf32, #tpu.memory_space<vmem>> -> memref<128x128xf32, #tpu.memory_space<vmem>>
      %dma_start3A_92 = arith.constant 0 : i32
      %dma_start3A_93 = tpu.memref_slice %arg10[%add3A_14, %dma_start3A_92] : memref<10240x128xf32, #tpu.memory_space<vmem_shared>> -> memref<128x128xf32, #tpu.memory_space<vmem_shared>>
      %dma_start3A_94 = arith.constant 0 : i32
      %dma_start3A_95 = tpu.memref_slice %arg10[%add3A_14, %dma_start3A_94] : memref<10240x128xf32, #tpu.memory_space<vmem_shared>> -> memref<128x128xf32, #tpu.memory_space<vmem_shared>>
      %dma_start3A_96 = arith.constant 0 : i32
      %dma_start3A_97 = arith.constant 0 : i32
      %dma_start3A_98 = tpu.memref_slice %arg9[%run_scoped3A_15, %dma_start3A_96, %dma_start3A_97] : memref<2x128x128xf32, #tpu.memory_space<vmem>> -> memref<1x128x128xf32, #tpu.memory_space<vmem>>
      %dma_start3A_99 = tpu.memref_squeeze %dma_start3A_98 : memref<1x128x128xf32, #tpu.memory_space<vmem>> -> memref<128x128xf32, #tpu.memory_space<vmem>>
      tpu.enqueue_dma source(%dma_start3A_99 : memref<128x128xf32, #tpu.memory_space<vmem>>) target(%dma_start3A_95 : memref<128x128xf32, #tpu.memory_space<vmem_shared>>) target_semaphore(%run_scoped3A_87 : memref<!tpu.dma_semaphore, #tpu.memory_space<semaphore_mem>>)
      %dma_wait3A = arith.constant 0 : i32
      %dma_wait3A_100 = arith.constant 0 : i32
      %dma_wait3A_101 = tpu.memref_slice %arg9[%run_scoped3A_15, %dma_wait3A, %dma_wait3A_100] : memref<2x128x128xf32, #tpu.memory_space<vmem>> -> memref<1x128x128xf32, #tpu.memory_space<vmem>>
      %dma_wait3A_102 = tpu.memref_squeeze %dma_wait3A_101 : memref<1x128x128xf32, #tpu.memory_space<vmem>> -> memref<128x128xf32, #tpu.memory_space<vmem>>
      %dma_wait3A_103 = arith.constant 0 : i32
      %dma_wait3A_104 = tpu.memref_slice %arg10[%add3A_14, %dma_wait3A_103] : memref<10240x128xf32, #tpu.memory_space<vmem_shared>> -> memref<128x128xf32, #tpu.memory_space<vmem_shared>>
      %dma_wait3A_105 = arith.constant 0 : i32
      %dma_wait3A_106 = tpu.memref_slice %arg10[%add3A_14, %dma_wait3A_105] : memref<10240x128xf32, #tpu.memory_space<vmem_shared>> -> memref<128x128xf32, #tpu.memory_space<vmem_shared>>
      %dma_wait3A_107 = arith.constant 0 : i32
      %dma_wait3A_108 = arith.constant 0 : i32
      %dma_wait3A_109 = tpu.memref_slice %arg9[%run_scoped3A_15, %dma_wait3A_107, %dma_wait3A_108] : memref<2x128x128xf32, #tpu.memory_space<vmem>> -> memref<1x128x128xf32, #tpu.memory_space<vmem>>
      %dma_wait3A_110 = tpu.memref_squeeze %dma_wait3A_109 : memref<1x128x128xf32, #tpu.memory_space<vmem>> -> memref<128x128xf32, #tpu.memory_space<vmem>>
      tpu.wait_dma2 semaphore(%run_scoped3A_87 : memref<!tpu.dma_semaphore, #tpu.memory_space<semaphore_mem>>) src(%dma_wait3A_110 : memref<128x128xf32, #tpu.memory_space<vmem>>) dst(%dma_wait3A_106 : memref<128x128xf32, #tpu.memory_space<vmem_shared>>)
      tpu.yield
    }) : () -> ()
    %mul3A_16 = arith.constant 640 : i32
    %mul3A_17 = arith.muli %arg1, %mul3A_16 : i32
    %add3A_18 = arith.constant 384 : i32
    %add3A_19 = arith.addi %mul3A_17, %add3A_18 : i32
    %run_scoped3A_20 = arith.constant 0 : i32
    "tpu.region"() ({
      %run_scoped3A_87 = tpu.sem_alloc : memref<!tpu.dma_semaphore, #tpu.memory_space<semaphore_mem>>
      %dma_start3A_88 = arith.constant 0 : i32
      %dma_start3A_89 = arith.constant 0 : i32
      %dma_start3A_90 = tpu.memref_slice %arg9[%run_scoped3A_20, %dma_start3A_88, %dma_start3A_89] : memref<2x128x128xf32, #tpu.memory_space<vmem>> -> memref<1x128x128xf32, #tpu.memory_space<vmem>>
      %dma_start3A_91 = tpu.memref_squeeze %dma_start3A_90 : memref<1x128x128xf32, #tpu.memory_space<vmem>> -> memref<128x128xf32, #tpu.memory_space<vmem>>
      %dma_start3A_92 = arith.constant 0 : i32
      %dma_start3A_93 = tpu.memref_slice %arg10[%add3A_19, %dma_start3A_92] : memref<10240x128xf32, #tpu.memory_space<vmem_shared>> -> memref<128x128xf32, #tpu.memory_space<vmem_shared>>
      %dma_start3A_94 = arith.constant 0 : i32
      %dma_start3A_95 = tpu.memref_slice %arg10[%add3A_19, %dma_start3A_94] : memref<10240x128xf32, #tpu.memory_space<vmem_shared>> -> memref<128x128xf32, #tpu.memory_space<vmem_shared>>
      %dma_start3A_96 = arith.constant 0 : i32
      %dma_start3A_97 = arith.constant 0 : i32
      %dma_start3A_98 = tpu.memref_slice %arg9[%run_scoped3A_20, %dma_start3A_96, %dma_start3A_97] : memref<2x128x128xf32, #tpu.memory_space<vmem>> -> memref<1x128x128xf32, #tpu.memory_space<vmem>>
      %dma_start3A_99 = tpu.memref_squeeze %dma_start3A_98 : memref<1x128x128xf32, #tpu.memory_space<vmem>> -> memref<128x128xf32, #tpu.memory_space<vmem>>
      tpu.enqueue_dma source(%dma_start3A_99 : memref<128x128xf32, #tpu.memory_space<vmem>>) target(%dma_start3A_95 : memref<128x128xf32, #tpu.memory_space<vmem_shared>>) target_semaphore(%run_scoped3A_87 : memref<!tpu.dma_semaphore, #tpu.memory_space<semaphore_mem>>)
      %dma_wait3A = arith.constant 0 : i32
      %dma_wait3A_100 = arith.constant 0 : i32
      %dma_wait3A_101 = tpu.memref_slice %arg9[%run_scoped3A_20, %dma_wait3A, %dma_wait3A_100] : memref<2x128x128xf32, #tpu.memory_space<vmem>> -> memref<1x128x128xf32, #tpu.memory_space<vmem>>
      %dma_wait3A_102 = tpu.memref_squeeze %dma_wait3A_101 : memref<1x128x128xf32, #tpu.memory_space<vmem>> -> memref<128x128xf32, #tpu.memory_space<vmem>>
      %dma_wait3A_103 = arith.constant 0 : i32
      %dma_wait3A_104 = tpu.memref_slice %arg10[%add3A_19, %dma_wait3A_103] : memref<10240x128xf32, #tpu.memory_space<vmem_shared>> -> memref<128x128xf32, #tpu.memory_space<vmem_shared>>
      %dma_wait3A_105 = arith.constant 0 : i32
      %dma_wait3A_106 = tpu.memref_slice %arg10[%add3A_19, %dma_wait3A_105] : memref<10240x128xf32, #tpu.memory_space<vmem_shared>> -> memref<128x128xf32, #tpu.memory_space<vmem_shared>>
      %dma_wait3A_107 = arith.constant 0 : i32
      %dma_wait3A_108 = arith.constant 0 : i32
      %dma_wait3A_109 = tpu.memref_slice %arg9[%run_scoped3A_20, %dma_wait3A_107, %dma_wait3A_108] : memref<2x128x128xf32, #tpu.memory_space<vmem>> -> memref<1x128x128xf32, #tpu.memory_space<vmem>>
      %dma_wait3A_110 = tpu.memref_squeeze %dma_wait3A_109 : memref<1x128x128xf32, #tpu.memory_space<vmem>> -> memref<128x128xf32, #tpu.memory_space<vmem>>
      tpu.wait_dma2 semaphore(%run_scoped3A_87 : memref<!tpu.dma_semaphore, #tpu.memory_space<semaphore_mem>>) src(%dma_wait3A_110 : memref<128x128xf32, #tpu.memory_space<vmem>>) dst(%dma_wait3A_106 : memref<128x128xf32, #tpu.memory_space<vmem_shared>>)
      tpu.yield
    }) : () -> ()
    %mul3A_21 = arith.constant 640 : i32
    %mul3A_22 = arith.muli %arg1, %mul3A_21 : i32
    %add3A_23 = arith.constant 512 : i32
    %add3A_24 = arith.addi %mul3A_22, %add3A_23 : i32
    %run_scoped3A_25 = arith.constant 0 : i32
    "tpu.region"() ({
      %run_scoped3A_87 = tpu.sem_alloc : memref<!tpu.dma_semaphore, #tpu.memory_space<semaphore_mem>>
      %dma_start3A_88 = arith.constant 0 : i32
      %dma_start3A_89 = arith.constant 0 : i32
      %dma_start3A_90 = tpu.memref_slice %arg9[%run_scoped3A_25, %dma_start3A_88, %dma_start3A_89] : memref<2x128x128xf32, #tpu.memory_space<vmem>> -> memref<1x128x128xf32, #tpu.memory_space<vmem>>
      %dma_start3A_91 = tpu.memref_squeeze %dma_start3A_90 : memref<1x128x128xf32, #tpu.memory_space<vmem>> -> memref<128x128xf32, #tpu.memory_space<vmem>>
      %dma_start3A_92 = arith.constant 0 : i32
      %dma_start3A_93 = tpu.memref_slice %arg10[%add3A_24, %dma_start3A_92] : memref<10240x128xf32, #tpu.memory_space<vmem_shared>> -> memref<128x128xf32, #tpu.memory_space<vmem_shared>>
      %dma_start3A_94 = arith.constant 0 : i32
      %dma_start3A_95 = tpu.memref_slice %arg10[%add3A_24, %dma_start3A_94] : memref<10240x128xf32, #tpu.memory_space<vmem_shared>> -> memref<128x128xf32, #tpu.memory_space<vmem_shared>>
      %dma_start3A_96 = arith.constant 0 : i32
      %dma_start3A_97 = arith.constant 0 : i32
      %dma_start3A_98 = tpu.memref_slice %arg9[%run_scoped3A_25, %dma_start3A_96, %dma_start3A_97] : memref<2x128x128xf32, #tpu.memory_space<vmem>> -> memref<1x128x128xf32, #tpu.memory_space<vmem>>
      %dma_start3A_99 = tpu.memref_squeeze %dma_start3A_98 : memref<1x128x128xf32, #tpu.memory_space<vmem>> -> memref<128x128xf32, #tpu.memory_space<vmem>>
      tpu.enqueue_dma source(%dma_start3A_99 : memref<128x128xf32, #tpu.memory_space<vmem>>) target(%dma_start3A_95 : memref<128x128xf32, #tpu.memory_space<vmem_shared>>) target_semaphore(%run_scoped3A_87 : memref<!tpu.dma_semaphore, #tpu.memory_space<semaphore_mem>>)
      %dma_wait3A = arith.constant 0 : i32
      %dma_wait3A_100 = arith.constant 0 : i32
      %dma_wait3A_101 = tpu.memref_slice %arg9[%run_scoped3A_25, %dma_wait3A, %dma_wait3A_100] : memref<2x128x128xf32, #tpu.memory_space<vmem>> -> memref<1x128x128xf32, #tpu.memory_space<vmem>>
      %dma_wait3A_102 = tpu.memref_squeeze %dma_wait3A_101 : memref<1x128x128xf32, #tpu.memory_space<vmem>> -> memref<128x128xf32, #tpu.memory_space<vmem>>
      %dma_wait3A_103 = arith.constant 0 : i32
      %dma_wait3A_104 = tpu.memref_slice %arg10[%add3A_24, %dma_wait3A_103] : memref<10240x128xf32, #tpu.memory_space<vmem_shared>> -> memref<128x128xf32, #tpu.memory_space<vmem_shared>>
      %dma_wait3A_105 = arith.constant 0 : i32
      %dma_wait3A_106 = tpu.memref_slice %arg10[%add3A_24, %dma_wait3A_105] : memref<10240x128xf32, #tpu.memory_space<vmem_shared>> -> memref<128x128xf32, #tpu.memory_space<vmem_shared>>
      %dma_wait3A_107 = arith.constant 0 : i32
      %dma_wait3A_108 = arith.constant 0 : i32
      %dma_wait3A_109 = tpu.memref_slice %arg9[%run_scoped3A_25, %dma_wait3A_107, %dma_wait3A_108] : memref<2x128x128xf32, #tpu.memory_space<vmem>> -> memref<1x128x128xf32, #tpu.memory_space<vmem>>
      %dma_wait3A_110 = tpu.memref_squeeze %dma_wait3A_109 : memref<1x128x128xf32, #tpu.memory_space<vmem>> -> memref<128x128xf32, #tpu.memory_space<vmem>>
      tpu.wait_dma2 semaphore(%run_scoped3A_87 : memref<!tpu.dma_semaphore, #tpu.memory_space<semaphore_mem>>) src(%dma_wait3A_110 : memref<128x128xf32, #tpu.memory_space<vmem>>) dst(%dma_wait3A_106 : memref<128x128xf32, #tpu.memory_space<vmem_shared>>)
      tpu.yield
    }) : () -> ()
    %barrier3A = arith.constant 0 : index
    tpu.barrier barrier_id(%barrier3A)
    %mul3A_26 = arith.constant 2 : i32
    %mul3A_27 = arith.muli %add3A, %mul3A_26 : i32
    %add3A_28 = arith.constant 0 : i32
    %add3A_29 = arith.addi %mul3A_27, %add3A_28 : i32
    %mul3A_30 = arith.constant 40 : i32
    %mul3A_31 = arith.muli %add3A_29, %mul3A_30 : i32
    "tpu.region"() ({
      %run_scoped3A_87 = tpu.sem_alloc : memref<!tpu.dma_semaphore, #tpu.memory_space<semaphore_mem>>
      %dma_start3A_88 = arith.constant 0 : i32
      %dma_start3A_89 = tpu.memref_slice %arg3[%mul3A_31, %dma_start3A_88] : memref<2560x128xi32, #tpu.memory_space<hbm>> -> memref<40x128xi32, #tpu.memory_space<hbm>>
      %dma_start3A_90 = arith.constant 0 : i32
      %dma_start3A_91 = tpu.memref_slice %arg3[%mul3A_31, %dma_start3A_90] : memref<2560x128xi32, #tpu.memory_space<hbm>> -> memref<40x128xi32, #tpu.memory_space<hbm>>
      tpu.enqueue_dma source(%dma_start3A_91 : memref<40x128xi32, #tpu.memory_space<hbm>>) target(%arg7 : memref<40x128xi32, #tpu.memory_space<vmem>>) target_semaphore(%run_scoped3A_87 : memref<!tpu.dma_semaphore, #tpu.memory_space<semaphore_mem>>)
      %dma_wait3A = arith.constant 0 : i32
      %dma_wait3A_92 = tpu.memref_slice %arg3[%mul3A_31, %dma_wait3A] : memref<2560x128xi32, #tpu.memory_space<hbm>> -> memref<40x128xi32, #tpu.memory_space<hbm>>
      %dma_wait3A_93 = arith.constant 0 : i32
      %dma_wait3A_94 = tpu.memref_slice %arg3[%mul3A_31, %dma_wait3A_93] : memref<2560x128xi32, #tpu.memory_space<hbm>> -> memref<40x128xi32, #tpu.memory_space<hbm>>
      tpu.wait_dma2 semaphore(%run_scoped3A_87 : memref<!tpu.dma_semaphore, #tpu.memory_space<semaphore_mem>>) src(%dma_wait3A_94 : memref<40x128xi32, #tpu.memory_space<hbm>>) dst(%arg7 : memref<40x128xi32, #tpu.memory_space<vmem>>)
      tpu.yield
    }) : () -> ()
    %mul3A_32 = arith.constant 2 : i32
    %mul3A_33 = arith.muli %add3A, %mul3A_32 : i32
    %add3A_34 = arith.constant 0 : i32
    %add3A_35 = arith.addi %mul3A_33, %add3A_34 : i32
    %mul3A_36 = arith.constant 40 : i32
    %mul3A_37 = arith.muli %add3A_35, %mul3A_36 : i32
    "tpu.region"() ({
      %run_scoped3A_87 = tpu.sem_alloc : memref<!tpu.dma_semaphore, #tpu.memory_space<semaphore_mem>>
      %dma_start3A_88 = arith.constant 0 : i32
      %dma_start3A_89 = tpu.memref_slice %arg4[%mul3A_37, %dma_start3A_88] : memref<2560x128xi32, #tpu.memory_space<hbm>> -> memref<40x128xi32, #tpu.memory_space<hbm>>
      %dma_start3A_90 = arith.constant 0 : i32
      %dma_start3A_91 = tpu.memref_slice %arg4[%mul3A_37, %dma_start3A_90] : memref<2560x128xi32, #tpu.memory_space<hbm>> -> memref<40x128xi32, #tpu.memory_space<hbm>>
      tpu.enqueue_dma source(%dma_start3A_91 : memref<40x128xi32, #tpu.memory_space<hbm>>) target(%arg8 : memref<40x128xi32, #tpu.memory_space<vmem>>) target_semaphore(%run_scoped3A_87 : memref<!tpu.dma_semaphore, #tpu.memory_space<semaphore_mem>>)
      %dma_wait3A = arith.constant 0 : i32
      %dma_wait3A_92 = tpu.memref_slice %arg4[%mul3A_37, %dma_wait3A] : memref<2560x128xi32, #tpu.memory_space<hbm>> -> memref<40x128xi32, #tpu.memory_space<hbm>>
      %dma_wait3A_93 = arith.constant 0 : i32
      %dma_wait3A_94 = tpu.memref_slice %arg4[%mul3A_37, %dma_wait3A_93] : memref<2560x128xi32, #tpu.memory_space<hbm>> -> memref<40x128xi32, #tpu.memory_space<hbm>>
      tpu.wait_dma2 semaphore(%run_scoped3A_87 : memref<!tpu.dma_semaphore, #tpu.memory_space<semaphore_mem>>) src(%dma_wait3A_94 : memref<40x128xi32, #tpu.memory_space<hbm>>) dst(%arg8 : memref<40x128xi32, #tpu.memory_space<vmem>>)
      tpu.yield
    }) : () -> ()
    %dma_start3A = arith.constant 0 : i32
    %dma_start3A_38 = arith.constant 0 : i32
    %dma_start3A_39 = arith.constant 0 : i32
    %dma_start3A_40 = arith.constant 0 : i32
    %dma_start3A_41 = tpu.memref_slice %arg9[%dma_start3A_38, %dma_start3A_39, %dma_start3A_40] : memref<2x128x128xf32, #tpu.memory_space<vmem>> -> memref<1x128x128xf32, #tpu.memory_space<vmem>>
    %dma_start3A_42 = tpu.memref_squeeze %dma_start3A_41 : memref<1x128x128xf32, #tpu.memory_space<vmem>> -> memref<128x128xf32, #tpu.memory_space<vmem>>
    %dma_start3A_43 = arith.constant 0 : i32
    %dma_start3A_44 = tpu.memref_slice %arg7[%dma_start3A, %dma_start3A_43] : memref<40x128xi32, #tpu.memory_space<vmem>> -> memref<1x128xi32, #tpu.memory_space<vmem>>
    %dma_start3A_45 = tpu.memref_squeeze %dma_start3A_44 : memref<1x128xi32, #tpu.memory_space<vmem>> -> memref<128xi32, #tpu.memory_space<vmem>>
    %dma_start3A_46 = arith.constant 0 : i32
    %dma_start3A_47 = arith.constant 0 : i32
    %dma_start3A_48 = tpu.memref_slice %arg2[%dma_start3A_46, %dma_start3A_47] : memref<10240x128xf32, #tpu.memory_space<hbm>> -> memref<10240x128xf32, #tpu.memory_space<hbm>>
    tpu.enqueue_indirect_dma source(%dma_start3A_48 : memref<10240x128xf32, #tpu.memory_space<hbm>>) target(%dma_start3A_42 : memref<128x128xf32, #tpu.memory_space<vmem>>) offsets(%dma_start3A_45 : memref<128xi32, #tpu.memory_space<vmem>>) semaphore(%arg11 : memref<!tpu.dma_semaphore, #tpu.memory_space<semaphore_mem>>)
    %scan3A = arith.constant 0 : i32
    %scan3A_49 = arith.constant 20 : i32
    %scan3A_50 = arith.addi %scan3A, %scan3A_49 : i32
    %scan3A_51 = arith.constant 1 : i32
    scf.for %scan3A_87 = %scan3A to %scan3A_50 step %scan3A_51  : i32 {
      %mul3A_88 = arith.constant 2 : i32
      %mul3A_89 = arith.muli %scan3A_87, %mul3A_88 : i32
      %add3A_90 = arith.constant 0 : i32
      %add3A_91 = arith.addi %add3A_90, %mul3A_89 : i32
      %add3A_92 = arith.constant 1 : i32
      %add3A_93 = arith.addi %add3A_91, %add3A_92 : i32
      %dma_start3A_94 = arith.constant 1 : i32
      %dma_start3A_95 = arith.constant 0 : i32
      %dma_start3A_96 = arith.constant 0 : i32
      %dma_start3A_97 = tpu.memref_slice %arg9[%dma_start3A_94, %dma_start3A_95, %dma_start3A_96] : memref<2x128x128xf32, #tpu.memory_space<vmem>> -> memref<1x128x128xf32, #tpu.memory_space<vmem>>
      %dma_start3A_98 = tpu.memref_squeeze %dma_start3A_97 : memref<1x128x128xf32, #tpu.memory_space<vmem>> -> memref<128x128xf32, #tpu.memory_space<vmem>>
      %dma_start3A_99 = arith.constant 0 : i32
      %dma_start3A_100 = tpu.memref_slice %arg7[%add3A_93, %dma_start3A_99] : memref<40x128xi32, #tpu.memory_space<vmem>> -> memref<1x128xi32, #tpu.memory_space<vmem>>
      %dma_start3A_101 = tpu.memref_squeeze %dma_start3A_100 : memref<1x128xi32, #tpu.memory_space<vmem>> -> memref<128xi32, #tpu.memory_space<vmem>>
      %dma_start3A_102 = arith.constant 0 : i32
      %dma_start3A_103 = arith.constant 0 : i32
      %dma_start3A_104 = tpu.memref_slice %arg2[%dma_start3A_102, %dma_start3A_103] : memref<10240x128xf32, #tpu.memory_space<hbm>> -> memref<10240x128xf32, #tpu.memory_space<hbm>>
      tpu.enqueue_indirect_dma source(%dma_start3A_104 : memref<10240x128xf32, #tpu.memory_space<hbm>>) target(%dma_start3A_98 : memref<128x128xf32, #tpu.memory_space<vmem>>) offsets(%dma_start3A_101 : memref<128xi32, #tpu.memory_space<vmem>>) semaphore(%arg12 : memref<!tpu.dma_semaphore, #tpu.memory_space<semaphore_mem>>)
      %dma_wait3A = arith.constant 0 : i32
      %dma_wait3A_105 = arith.constant 0 : i32
      %dma_wait3A_106 = arith.constant 0 : i32
      %dma_wait3A_107 = tpu.memref_slice %arg9[%dma_wait3A, %dma_wait3A_105, %dma_wait3A_106] : memref<2x128x128xf32, #tpu.memory_space<vmem>> -> memref<1x128x128xf32, #tpu.memory_space<vmem>>
      %dma_wait3A_108 = tpu.memref_squeeze %dma_wait3A_107 : memref<1x128x128xf32, #tpu.memory_space<vmem>> -> memref<128x128xf32, #tpu.memory_space<vmem>>
      %dma_wait3A_109 = arith.constant 0 : i32
      %dma_wait3A_110 = tpu.memref_slice %arg7[%add3A_91, %dma_wait3A_109] : memref<40x128xi32, #tpu.memory_space<vmem>> -> memref<1x128xi32, #tpu.memory_space<vmem>>
      %dma_wait3A_111 = tpu.memref_squeeze %dma_wait3A_110 : memref<1x128xi32, #tpu.memory_space<vmem>> -> memref<128xi32, #tpu.memory_space<vmem>>
      %dma_wait3A_112 = arith.constant 0 : i32
      %dma_wait3A_113 = arith.constant 0 : i32
      %dma_wait3A_114 = tpu.memref_slice %arg2[%dma_wait3A_112, %dma_wait3A_113] : memref<10240x128xf32, #tpu.memory_space<hbm>> -> memref<10240x128xf32, #tpu.memory_space<hbm>>
      tpu.wait_indirect_dma semaphore(%arg11 : memref<!tpu.dma_semaphore, #tpu.memory_space<semaphore_mem>>) src(%dma_wait3A_114 : memref<10240x128xf32, #tpu.memory_space<hbm>>) dst(%dma_wait3A_108 : memref<128x128xf32, #tpu.memory_space<vmem>>)
      %run_scoped3A_115 = arith.constant 0 : i32
      "tpu.region"() ({
        %run_scoped3A_136 = tpu.sem_alloc : memref<!tpu.dma_semaphore, #tpu.memory_space<semaphore_mem>>
        %dma_start3A_137 = arith.constant 0 : i32
        %dma_start3A_138 = arith.constant 0 : i32
        %dma_start3A_139 = tpu.memref_slice %arg9[%run_scoped3A_115, %dma_start3A_137, %dma_start3A_138] : memref<2x128x128xf32, #tpu.memory_space<vmem>> -> memref<1x128x128xf32, #tpu.memory_space<vmem>>
        %dma_start3A_140 = tpu.memref_squeeze %dma_start3A_139 : memref<1x128x128xf32, #tpu.memory_space<vmem>> -> memref<128x128xf32, #tpu.memory_space<vmem>>
        %dma_start3A_141 = arith.constant 0 : i32
        %dma_start3A_142 = tpu.memref_slice %arg8[%add3A_91, %dma_start3A_141] : memref<40x128xi32, #tpu.memory_space<vmem>> -> memref<1x128xi32, #tpu.memory_space<vmem>>
        %dma_start3A_143 = tpu.memref_squeeze %dma_start3A_142 : memref<1x128xi32, #tpu.memory_space<vmem>> -> memref<128xi32, #tpu.memory_space<vmem>>
        %dma_start3A_144 = arith.constant 0 : i32
        %dma_start3A_145 = arith.constant 0 : i32
        %dma_start3A_146 = tpu.memref_slice %arg10[%dma_start3A_144, %dma_start3A_145] : memref<10240x128xf32, #tpu.memory_space<vmem_shared>> -> memref<10240x128xf32, #tpu.memory_space<vmem_shared>>
        tpu.enqueue_indirect_dma source(%dma_start3A_140 : memref<128x128xf32, #tpu.memory_space<vmem>>) target(%dma_start3A_146 : memref<10240x128xf32, #tpu.memory_space<vmem_shared>>) offsets(%dma_start3A_143 : memref<128xi32, #tpu.memory_space<vmem>>) semaphore(%run_scoped3A_136 : memref<!tpu.dma_semaphore, #tpu.memory_space<semaphore_mem>>) {add = true}
        %dma_wait3A_147 = arith.constant 0 : i32
        %dma_wait3A_148 = arith.constant 0 : i32
        %dma_wait3A_149 = tpu.memref_slice %arg9[%run_scoped3A_115, %dma_wait3A_147, %dma_wait3A_148] : memref<2x128x128xf32, #tpu.memory_space<vmem>> -> memref<1x128x128xf32, #tpu.memory_space<vmem>>
        %dma_wait3A_150 = tpu.memref_squeeze %dma_wait3A_149 : memref<1x128x128xf32, #tpu.memory_space<vmem>> -> memref<128x128xf32, #tpu.memory_space<vmem>>
        %dma_wait3A_151 = arith.constant 0 : i32
        %dma_wait3A_152 = tpu.memref_slice %arg8[%add3A_91, %dma_wait3A_151] : memref<40x128xi32, #tpu.memory_space<vmem>> -> memref<1x128xi32, #tpu.memory_space<vmem>>
        %dma_wait3A_153 = tpu.memref_squeeze %dma_wait3A_152 : memref<1x128xi32, #tpu.memory_space<vmem>> -> memref<128xi32, #tpu.memory_space<vmem>>
        %dma_wait3A_154 = arith.constant 0 : i32
        %dma_wait3A_155 = arith.constant 0 : i32
        %dma_wait3A_156 = tpu.memref_slice %arg10[%dma_wait3A_154, %dma_wait3A_155] : memref<10240x128xf32, #tpu.memory_space<vmem_shared>> -> memref<10240x128xf32, #tpu.memory_space<vmem_shared>>
        tpu.wait_indirect_dma semaphore(%run_scoped3A_136 : memref<!tpu.dma_semaphore, #tpu.memory_space<semaphore_mem>>) src(%dma_wait3A_150 : memref<128x128xf32, #tpu.memory_space<vmem>>) dst(%dma_wait3A_156 : memref<10240x128xf32, #tpu.memory_space<vmem_shared>>)
        tpu.yield
      }) : () -> ()
      %add3A_116 = arith.constant 2 : i32
      %add3A_117 = arith.addi %add3A_91, %add3A_116 : i32
      %lt3A = arith.constant 40 : i32
      %lt3A_118 = arith.cmpi slt, %add3A_117, %lt3A : i32
      %convert_element_type3A = arith.extui %lt3A_118 : i1 to i32
      %cond3A = arith.constant 0 : i32
      %cond3A_119 = arith.cmpi ne, %convert_element_type3A, %cond3A : i32
      scf.if %cond3A_119 {
        %add3A_136 = arith.constant 2 : i32
        %add3A_137 = arith.addi %add3A_91, %add3A_136 : i32
        %dma_start3A_138 = arith.constant 0 : i32
        %dma_start3A_139 = arith.constant 0 : i32
        %dma_start3A_140 = arith.constant 0 : i32
        %dma_start3A_141 = tpu.memref_slice %arg9[%dma_start3A_138, %dma_start3A_139, %dma_start3A_140] : memref<2x128x128xf32, #tpu.memory_space<vmem>> -> memref<1x128x128xf32, #tpu.memory_space<vmem>>
        %dma_start3A_142 = tpu.memref_squeeze %dma_start3A_141 : memref<1x128x128xf32, #tpu.memory_space<vmem>> -> memref<128x128xf32, #tpu.memory_space<vmem>>
        %dma_start3A_143 = arith.constant 0 : i32
        %dma_start3A_144 = tpu.memref_slice %arg7[%add3A_137, %dma_start3A_143] : memref<40x128xi32, #tpu.memory_space<vmem>> -> memref<1x128xi32, #tpu.memory_space<vmem>>
        %dma_start3A_145 = tpu.memref_squeeze %dma_start3A_144 : memref<1x128xi32, #tpu.memory_space<vmem>> -> memref<128xi32, #tpu.memory_space<vmem>>
        %dma_start3A_146 = arith.constant 0 : i32
        %dma_start3A_147 = arith.constant 0 : i32
        %dma_start3A_148 = tpu.memref_slice %arg2[%dma_start3A_146, %dma_start3A_147] : memref<10240x128xf32, #tpu.memory_space<hbm>> -> memref<10240x128xf32, #tpu.memory_space<hbm>>
        tpu.enqueue_indirect_dma source(%dma_start3A_148 : memref<10240x128xf32, #tpu.memory_space<hbm>>) target(%dma_start3A_142 : memref<128x128xf32, #tpu.memory_space<vmem>>) offsets(%dma_start3A_145 : memref<128xi32, #tpu.memory_space<vmem>>) semaphore(%arg11 : memref<!tpu.dma_semaphore, #tpu.memory_space<semaphore_mem>>)
      } else {
      }
      %add3A_120 = arith.constant 1 : i32
      %add3A_121 = arith.addi %add3A_91, %add3A_120 : i32
      %dma_wait3A_122 = arith.constant 1 : i32
      %dma_wait3A_123 = arith.constant 0 : i32
      %dma_wait3A_124 = arith.constant 0 : i32
      %dma_wait3A_125 = tpu.memref_slice %arg9[%dma_wait3A_122, %dma_wait3A_123, %dma_wait3A_124] : memref<2x128x128xf32, #tpu.memory_space<vmem>> -> memref<1x128x128xf32, #tpu.memory_space<vmem>>
      %dma_wait3A_126 = tpu.memref_squeeze %dma_wait3A_125 : memref<1x128x128xf32, #tpu.memory_space<vmem>> -> memref<128x128xf32, #tpu.memory_space<vmem>>
      %dma_wait3A_127 = arith.constant 0 : i32
      %dma_wait3A_128 = tpu.memref_slice %arg7[%add3A_121, %dma_wait3A_127] : memref<40x128xi32, #tpu.memory_space<vmem>> -> memref<1x128xi32, #tpu.memory_space<vmem>>
      %dma_wait3A_129 = tpu.memref_squeeze %dma_wait3A_128 : memref<1x128xi32, #tpu.memory_space<vmem>> -> memref<128xi32, #tpu.memory_space<vmem>>
      %dma_wait3A_130 = arith.constant 0 : i32
      %dma_wait3A_131 = arith.constant 0 : i32
      %dma_wait3A_132 = tpu.memref_slice %arg2[%dma_wait3A_130, %dma_wait3A_131] : memref<10240x128xf32, #tpu.memory_space<hbm>> -> memref<10240x128xf32, #tpu.memory_space<hbm>>
      tpu.wait_indirect_dma semaphore(%arg12 : memref<!tpu.dma_semaphore, #tpu.memory_space<semaphore_mem>>) src(%dma_wait3A_132 : memref<10240x128xf32, #tpu.memory_space<hbm>>) dst(%dma_wait3A_126 : memref<128x128xf32, #tpu.memory_space<vmem>>)
      %add3A_133 = arith.constant 1 : i32
      %add3A_134 = arith.addi %add3A_91, %add3A_133 : i32
      %run_scoped3A_135 = arith.constant 1 : i32
      "tpu.region"() ({
        %run_scoped3A_136 = tpu.sem_alloc : memref<!tpu.dma_semaphore, #tpu.memory_space<semaphore_mem>>
        %dma_start3A_137 = arith.constant 0 : i32
        %dma_start3A_138 = arith.constant 0 : i32
        %dma_start3A_139 = tpu.memref_slice %arg9[%run_scoped3A_135, %dma_start3A_137, %dma_start3A_138] : memref<2x128x128xf32, #tpu.memory_space<vmem>> -> memref<1x128x128xf32, #tpu.memory_space<vmem>>
        %dma_start3A_140 = tpu.memref_squeeze %dma_start3A_139 : memref<1x128x128xf32, #tpu.memory_space<vmem>> -> memref<128x128xf32, #tpu.memory_space<vmem>>
        %dma_start3A_141 = arith.constant 0 : i32
        %dma_start3A_142 = tpu.memref_slice %arg8[%add3A_134, %dma_start3A_141] : memref<40x128xi32, #tpu.memory_space<vmem>> -> memref<1x128xi32, #tpu.memory_space<vmem>>
        %dma_start3A_143 = tpu.memref_squeeze %dma_start3A_142 : memref<1x128xi32, #tpu.memory_space<vmem>> -> memref<128xi32, #tpu.memory_space<vmem>>
        %dma_start3A_144 = arith.constant 0 : i32
        %dma_start3A_145 = arith.constant 0 : i32
        %dma_start3A_146 = tpu.memref_slice %arg10[%dma_start3A_144, %dma_start3A_145] : memref<10240x128xf32, #tpu.memory_space<vmem_shared>> -> memref<10240x128xf32, #tpu.memory_space<vmem_shared>>
        tpu.enqueue_indirect_dma source(%dma_start3A_140 : memref<128x128xf32, #tpu.memory_space<vmem>>) target(%dma_start3A_146 : memref<10240x128xf32, #tpu.memory_space<vmem_shared>>) offsets(%dma_start3A_143 : memref<128xi32, #tpu.memory_space<vmem>>) semaphore(%run_scoped3A_136 : memref<!tpu.dma_semaphore, #tpu.memory_space<semaphore_mem>>) {add = true}
        %dma_wait3A_147 = arith.constant 0 : i32
        %dma_wait3A_148 = arith.constant 0 : i32
        %dma_wait3A_149 = tpu.memref_slice %arg9[%run_scoped3A_135, %dma_wait3A_147, %dma_wait3A_148] : memref<2x128x128xf32, #tpu.memory_space<vmem>> -> memref<1x128x128xf32, #tpu.memory_space<vmem>>
        %dma_wait3A_150 = tpu.memref_squeeze %dma_wait3A_149 : memref<1x128x128xf32, #tpu.memory_space<vmem>> -> memref<128x128xf32, #tpu.memory_space<vmem>>
        %dma_wait3A_151 = arith.constant 0 : i32
        %dma_wait3A_152 = tpu.memref_slice %arg8[%add3A_134, %dma_wait3A_151] : memref<40x128xi32, #tpu.memory_space<vmem>> -> memref<1x128xi32, #tpu.memory_space<vmem>>
        %dma_wait3A_153 = tpu.memref_squeeze %dma_wait3A_152 : memref<1x128xi32, #tpu.memory_space<vmem>> -> memref<128xi32, #tpu.memory_space<vmem>>
        %dma_wait3A_154 = arith.constant 0 : i32
        %dma_wait3A_155 = arith.constant 0 : i32
        %dma_wait3A_156 = tpu.memref_slice %arg10[%dma_wait3A_154, %dma_wait3A_155] : memref<10240x128xf32, #tpu.memory_space<vmem_shared>> -> memref<10240x128xf32, #tpu.memory_space<vmem_shared>>
        tpu.wait_indirect_dma semaphore(%run_scoped3A_136 : memref<!tpu.dma_semaphore, #tpu.memory_space<semaphore_mem>>) src(%dma_wait3A_150 : memref<128x128xf32, #tpu.memory_space<vmem>>) dst(%dma_wait3A_156 : memref<10240x128xf32, #tpu.memory_space<vmem_shared>>)
        tpu.yield
      }) : () -> ()
    }
    %scan3A_52 = arith.constant 20 : i32
    %mul3A_53 = arith.constant 2 : i32
    %mul3A_54 = arith.muli %add3A, %mul3A_53 : i32
    %add3A_55 = arith.constant 1 : i32
    %add3A_56 = arith.addi %mul3A_54, %add3A_55 : i32
    %mul3A_57 = arith.constant 40 : i32
    %mul3A_58 = arith.muli %add3A_56, %mul3A_57 : i32
    "tpu.region"() ({
      %run_scoped3A_87 = tpu.sem_alloc : memref<!tpu.dma_semaphore, #tpu.memory_space<semaphore_mem>>
      %dma_start3A_88 = arith.constant 0 : i32
      %dma_start3A_89 = tpu.memref_slice %arg3[%mul3A_58, %dma_start3A_88] : memref<2560x128xi32, #tpu.memory_space<hbm>> -> memref<40x128xi32, #tpu.memory_space<hbm>>
      %dma_start3A_90 = arith.constant 0 : i32
      %dma_start3A_91 = tpu.memref_slice %arg3[%mul3A_58, %dma_start3A_90] : memref<2560x128xi32, #tpu.memory_space<hbm>> -> memref<40x128xi32, #tpu.memory_space<hbm>>
      tpu.enqueue_dma source(%dma_start3A_91 : memref<40x128xi32, #tpu.memory_space<hbm>>) target(%arg7 : memref<40x128xi32, #tpu.memory_space<vmem>>) target_semaphore(%run_scoped3A_87 : memref<!tpu.dma_semaphore, #tpu.memory_space<semaphore_mem>>)
      %dma_wait3A = arith.constant 0 : i32
      %dma_wait3A_92 = tpu.memref_slice %arg3[%mul3A_58, %dma_wait3A] : memref<2560x128xi32, #tpu.memory_space<hbm>> -> memref<40x128xi32, #tpu.memory_space<hbm>>
      %dma_wait3A_93 = arith.constant 0 : i32
      %dma_wait3A_94 = tpu.memref_slice %arg3[%mul3A_58, %dma_wait3A_93] : memref<2560x128xi32, #tpu.memory_space<hbm>> -> memref<40x128xi32, #tpu.memory_space<hbm>>
      tpu.wait_dma2 semaphore(%run_scoped3A_87 : memref<!tpu.dma_semaphore, #tpu.memory_space<semaphore_mem>>) src(%dma_wait3A_94 : memref<40x128xi32, #tpu.memory_space<hbm>>) dst(%arg7 : memref<40x128xi32, #tpu.memory_space<vmem>>)
      tpu.yield
    }) : () -> ()
    %mul3A_59 = arith.constant 2 : i32
    %mul3A_60 = arith.muli %add3A, %mul3A_59 : i32
    %add3A_61 = arith.constant 1 : i32
    %add3A_62 = arith.addi %mul3A_60, %add3A_61 : i32
    %mul3A_63 = arith.constant 40 : i32
    %mul3A_64 = arith.muli %add3A_62, %mul3A_63 : i32
    "tpu.region"() ({
      %run_scoped3A_87 = tpu.sem_alloc : memref<!tpu.dma_semaphore, #tpu.memory_space<semaphore_mem>>
      %dma_start3A_88 = arith.constant 0 : i32
      %dma_start3A_89 = tpu.memref_slice %arg4[%mul3A_64, %dma_start3A_88] : memref<2560x128xi32, #tpu.memory_space<hbm>> -> memref<40x128xi32, #tpu.memory_space<hbm>>
      %dma_start3A_90 = arith.constant 0 : i32
      %dma_start3A_91 = tpu.memref_slice %arg4[%mul3A_64, %dma_start3A_90] : memref<2560x128xi32, #tpu.memory_space<hbm>> -> memref<40x128xi32, #tpu.memory_space<hbm>>
      tpu.enqueue_dma source(%dma_start3A_91 : memref<40x128xi32, #tpu.memory_space<hbm>>) target(%arg8 : memref<40x128xi32, #tpu.memory_space<vmem>>) target_semaphore(%run_scoped3A_87 : memref<!tpu.dma_semaphore, #tpu.memory_space<semaphore_mem>>)
      %dma_wait3A = arith.constant 0 : i32
      %dma_wait3A_92 = tpu.memref_slice %arg4[%mul3A_64, %dma_wait3A] : memref<2560x128xi32, #tpu.memory_space<hbm>> -> memref<40x128xi32, #tpu.memory_space<hbm>>
      %dma_wait3A_93 = arith.constant 0 : i32
      %dma_wait3A_94 = tpu.memref_slice %arg4[%mul3A_64, %dma_wait3A_93] : memref<2560x128xi32, #tpu.memory_space<hbm>> -> memref<40x128xi32, #tpu.memory_space<hbm>>
      tpu.wait_dma2 semaphore(%run_scoped3A_87 : memref<!tpu.dma_semaphore, #tpu.memory_space<semaphore_mem>>) src(%dma_wait3A_94 : memref<40x128xi32, #tpu.memory_space<hbm>>) dst(%arg8 : memref<40x128xi32, #tpu.memory_space<vmem>>)
      tpu.yield
    }) : () -> ()
    %dma_start3A_65 = arith.constant 0 : i32
    %dma_start3A_66 = arith.constant 0 : i32
    %dma_start3A_67 = arith.constant 0 : i32
    %dma_start3A_68 = arith.constant 0 : i32
    %dma_start3A_69 = tpu.memref_slice %arg9[%dma_start3A_66, %dma_start3A_67, %dma_start3A_68] : memref<2x128x128xf32, #tpu.memory_space<vmem>> -> memref<1x128x128xf32, #tpu.memory_space<vmem>>
    %dma_start3A_70 = tpu.memref_squeeze %dma_start3A_69 : memref<1x128x128xf32, #tpu.memory_space<vmem>> -> memref<128x128xf32, #tpu.memory_space<vmem>>
    %dma_start3A_71 = arith.constant 0 : i32
    %dma_start3A_72 = tpu.memref_slice %arg7[%dma_start3A_65, %dma_start3A_71] : memref<40x128xi32, #tpu.memory_space<vmem>> -> memref<1x128xi32, #tpu.memory_space<vmem>>
    %dma_start3A_73 = tpu.memref_squeeze %dma_start3A_72 : memref<1x128xi32, #tpu.memory_space<vmem>> -> memref<128xi32, #tpu.memory_space<vmem>>
    %dma_start3A_74 = arith.constant 0 : i32
    %dma_start3A_75 = arith.constant 0 : i32
    %dma_start3A_76 = tpu.memref_slice %arg2[%dma_start3A_74, %dma_start3A_75] : memref<10240x128xf32, #tpu.memory_space<hbm>> -> memref<10240x128xf32, #tpu.memory_space<hbm>>
    tpu.enqueue_indirect_dma source(%dma_start3A_76 : memref<10240x128xf32, #tpu.memory_space<hbm>>) target(%dma_start3A_70 : memref<128x128xf32, #tpu.memory_space<vmem>>) offsets(%dma_start3A_73 : memref<128xi32, #tpu.memory_space<vmem>>) semaphore(%arg11 : memref<!tpu.dma_semaphore, #tpu.memory_space<semaphore_mem>>)
    %scan3A_77 = arith.constant 0 : i32
    %scan3A_78 = arith.constant 20 : i32
    %scan3A_79 = arith.addi %scan3A_77, %scan3A_78 : i32
    %scan3A_80 = arith.constant 1 : i32
    scf.for %scan3A_87 = %scan3A_77 to %scan3A_79 step %scan3A_80  : i32 {
      %mul3A_88 = arith.constant 2 : i32
      %mul3A_89 = arith.muli %scan3A_87, %mul3A_88 : i32
      %add3A_90 = arith.constant 0 : i32
      %add3A_91 = arith.addi %add3A_90, %mul3A_89 : i32
      %add3A_92 = arith.constant 1 : i32
      %add3A_93 = arith.addi %add3A_91, %add3A_92 : i32
      %dma_start3A_94 = arith.constant 1 : i32
      %dma_start3A_95 = arith.constant 0 : i32
      %dma_start3A_96 = arith.constant 0 : i32
      %dma_start3A_97 = tpu.memref_slice %arg9[%dma_start3A_94, %dma_start3A_95, %dma_start3A_96] : memref<2x128x128xf32, #tpu.memory_space<vmem>> -> memref<1x128x128xf32, #tpu.memory_space<vmem>>
      %dma_start3A_98 = tpu.memref_squeeze %dma_start3A_97 : memref<1x128x128xf32, #tpu.memory_space<vmem>> -> memref<128x128xf32, #tpu.memory_space<vmem>>
      %dma_start3A_99 = arith.constant 0 : i32
      %dma_start3A_100 = tpu.memref_slice %arg7[%add3A_93, %dma_start3A_99] : memref<40x128xi32, #tpu.memory_space<vmem>> -> memref<1x128xi32, #tpu.memory_space<vmem>>
      %dma_start3A_101 = tpu.memref_squeeze %dma_start3A_100 : memref<1x128xi32, #tpu.memory_space<vmem>> -> memref<128xi32, #tpu.memory_space<vmem>>
      %dma_start3A_102 = arith.constant 0 : i32
      %dma_start3A_103 = arith.constant 0 : i32
      %dma_start3A_104 = tpu.memref_slice %arg2[%dma_start3A_102, %dma_start3A_103] : memref<10240x128xf32, #tpu.memory_space<hbm>> -> memref<10240x128xf32, #tpu.memory_space<hbm>>
      tpu.enqueue_indirect_dma source(%dma_start3A_104 : memref<10240x128xf32, #tpu.memory_space<hbm>>) target(%dma_start3A_98 : memref<128x128xf32, #tpu.memory_space<vmem>>) offsets(%dma_start3A_101 : memref<128xi32, #tpu.memory_space<vmem>>) semaphore(%arg12 : memref<!tpu.dma_semaphore, #tpu.memory_space<semaphore_mem>>)
      %dma_wait3A = arith.constant 0 : i32
      %dma_wait3A_105 = arith.constant 0 : i32
      %dma_wait3A_106 = arith.constant 0 : i32
      %dma_wait3A_107 = tpu.memref_slice %arg9[%dma_wait3A, %dma_wait3A_105, %dma_wait3A_106] : memref<2x128x128xf32, #tpu.memory_space<vmem>> -> memref<1x128x128xf32, #tpu.memory_space<vmem>>
      %dma_wait3A_108 = tpu.memref_squeeze %dma_wait3A_107 : memref<1x128x128xf32, #tpu.memory_space<vmem>> -> memref<128x128xf32, #tpu.memory_space<vmem>>
      %dma_wait3A_109 = arith.constant 0 : i32
      %dma_wait3A_110 = tpu.memref_slice %arg7[%add3A_91, %dma_wait3A_109] : memref<40x128xi32, #tpu.memory_space<vmem>> -> memref<1x128xi32, #tpu.memory_space<vmem>>
      %dma_wait3A_111 = tpu.memref_squeeze %dma_wait3A_110 : memref<1x128xi32, #tpu.memory_space<vmem>> -> memref<128xi32, #tpu.memory_space<vmem>>
      %dma_wait3A_112 = arith.constant 0 : i32
      %dma_wait3A_113 = arith.constant 0 : i32
      %dma_wait3A_114 = tpu.memref_slice %arg2[%dma_wait3A_112, %dma_wait3A_113] : memref<10240x128xf32, #tpu.memory_space<hbm>> -> memref<10240x128xf32, #tpu.memory_space<hbm>>
      tpu.wait_indirect_dma semaphore(%arg11 : memref<!tpu.dma_semaphore, #tpu.memory_space<semaphore_mem>>) src(%dma_wait3A_114 : memref<10240x128xf32, #tpu.memory_space<hbm>>) dst(%dma_wait3A_108 : memref<128x128xf32, #tpu.memory_space<vmem>>)
      %run_scoped3A_115 = arith.constant 0 : i32
      "tpu.region"() ({
        %run_scoped3A_136 = tpu.sem_alloc : memref<!tpu.dma_semaphore, #tpu.memory_space<semaphore_mem>>
        %dma_start3A_137 = arith.constant 0 : i32
        %dma_start3A_138 = arith.constant 0 : i32
        %dma_start3A_139 = tpu.memref_slice %arg9[%run_scoped3A_115, %dma_start3A_137, %dma_start3A_138] : memref<2x128x128xf32, #tpu.memory_space<vmem>> -> memref<1x128x128xf32, #tpu.memory_space<vmem>>
        %dma_start3A_140 = tpu.memref_squeeze %dma_start3A_139 : memref<1x128x128xf32, #tpu.memory_space<vmem>> -> memref<128x128xf32, #tpu.memory_space<vmem>>
        %dma_start3A_141 = arith.constant 0 : i32
        %dma_start3A_142 = tpu.memref_slice %arg8[%add3A_91, %dma_start3A_141] : memref<40x128xi32, #tpu.memory_space<vmem>> -> memref<1x128xi32, #tpu.memory_space<vmem>>
        %dma_start3A_143 = tpu.memref_squeeze %dma_start3A_142 : memref<1x128xi32, #tpu.memory_space<vmem>> -> memref<128xi32, #tpu.memory_space<vmem>>
        %dma_start3A_144 = arith.constant 0 : i32
        %dma_start3A_145 = arith.constant 0 : i32
        %dma_start3A_146 = tpu.memref_slice %arg10[%dma_start3A_144, %dma_start3A_145] : memref<10240x128xf32, #tpu.memory_space<vmem_shared>> -> memref<10240x128xf32, #tpu.memory_space<vmem_shared>>
        tpu.enqueue_indirect_dma source(%dma_start3A_140 : memref<128x128xf32, #tpu.memory_space<vmem>>) target(%dma_start3A_146 : memref<10240x128xf32, #tpu.memory_space<vmem_shared>>) offsets(%dma_start3A_143 : memref<128xi32, #tpu.memory_space<vmem>>) semaphore(%run_scoped3A_136 : memref<!tpu.dma_semaphore, #tpu.memory_space<semaphore_mem>>) {add = true}
        %dma_wait3A_147 = arith.constant 0 : i32
        %dma_wait3A_148 = arith.constant 0 : i32
        %dma_wait3A_149 = tpu.memref_slice %arg9[%run_scoped3A_115, %dma_wait3A_147, %dma_wait3A_148] : memref<2x128x128xf32, #tpu.memory_space<vmem>> -> memref<1x128x128xf32, #tpu.memory_space<vmem>>
        %dma_wait3A_150 = tpu.memref_squeeze %dma_wait3A_149 : memref<1x128x128xf32, #tpu.memory_space<vmem>> -> memref<128x128xf32, #tpu.memory_space<vmem>>
        %dma_wait3A_151 = arith.constant 0 : i32
        %dma_wait3A_152 = tpu.memref_slice %arg8[%add3A_91, %dma_wait3A_151] : memref<40x128xi32, #tpu.memory_space<vmem>> -> memref<1x128xi32, #tpu.memory_space<vmem>>
        %dma_wait3A_153 = tpu.memref_squeeze %dma_wait3A_152 : memref<1x128xi32, #tpu.memory_space<vmem>> -> memref<128xi32, #tpu.memory_space<vmem>>
        %dma_wait3A_154 = arith.constant 0 : i32
        %dma_wait3A_155 = arith.constant 0 : i32
        %dma_wait3A_156 = tpu.memref_slice %arg10[%dma_wait3A_154, %dma_wait3A_155] : memref<10240x128xf32, #tpu.memory_space<vmem_shared>> -> memref<10240x128xf32, #tpu.memory_space<vmem_shared>>
        tpu.wait_indirect_dma semaphore(%run_scoped3A_136 : memref<!tpu.dma_semaphore, #tpu.memory_space<semaphore_mem>>) src(%dma_wait3A_150 : memref<128x128xf32, #tpu.memory_space<vmem>>) dst(%dma_wait3A_156 : memref<10240x128xf32, #tpu.memory_space<vmem_shared>>)
        tpu.yield
      }) : () -> ()
      %add3A_116 = arith.constant 2 : i32
      %add3A_117 = arith.addi %add3A_91, %add3A_116 : i32
      %lt3A = arith.constant 40 : i32
      %lt3A_118 = arith.cmpi slt, %add3A_117, %lt3A : i32
      %convert_element_type3A = arith.extui %lt3A_118 : i1 to i32
      %cond3A = arith.constant 0 : i32
      %cond3A_119 = arith.cmpi ne, %convert_element_type3A, %cond3A : i32
      scf.if %cond3A_119 {
        %add3A_136 = arith.constant 2 : i32
        %add3A_137 = arith.addi %add3A_91, %add3A_136 : i32
        %dma_start3A_138 = arith.constant 0 : i32
        %dma_start3A_139 = arith.constant 0 : i32
        %dma_start3A_140 = arith.constant 0 : i32
        %dma_start3A_141 = tpu.memref_slice %arg9[%dma_start3A_138, %dma_start3A_139, %dma_start3A_140] : memref<2x128x128xf32, #tpu.memory_space<vmem>> -> memref<1x128x128xf32, #tpu.memory_space<vmem>>
        %dma_start3A_142 = tpu.memref_squeeze %dma_start3A_141 : memref<1x128x128xf32, #tpu.memory_space<vmem>> -> memref<128x128xf32, #tpu.memory_space<vmem>>
        %dma_start3A_143 = arith.constant 0 : i32
        %dma_start3A_144 = tpu.memref_slice %arg7[%add3A_137, %dma_start3A_143] : memref<40x128xi32, #tpu.memory_space<vmem>> -> memref<1x128xi32, #tpu.memory_space<vmem>>
        %dma_start3A_145 = tpu.memref_squeeze %dma_start3A_144 : memref<1x128xi32, #tpu.memory_space<vmem>> -> memref<128xi32, #tpu.memory_space<vmem>>
        %dma_start3A_146 = arith.constant 0 : i32
        %dma_start3A_147 = arith.constant 0 : i32
        %dma_start3A_148 = tpu.memref_slice %arg2[%dma_start3A_146, %dma_start3A_147] : memref<10240x128xf32, #tpu.memory_space<hbm>> -> memref<10240x128xf32, #tpu.memory_space<hbm>>
        tpu.enqueue_indirect_dma source(%dma_start3A_148 : memref<10240x128xf32, #tpu.memory_space<hbm>>) target(%dma_start3A_142 : memref<128x128xf32, #tpu.memory_space<vmem>>) offsets(%dma_start3A_145 : memref<128xi32, #tpu.memory_space<vmem>>) semaphore(%arg11 : memref<!tpu.dma_semaphore, #tpu.memory_space<semaphore_mem>>)
      } else {
      }
      %add3A_120 = arith.constant 1 : i32
      %add3A_121 = arith.addi %add3A_91, %add3A_120 : i32
      %dma_wait3A_122 = arith.constant 1 : i32
      %dma_wait3A_123 = arith.constant 0 : i32
      %dma_wait3A_124 = arith.constant 0 : i32
      %dma_wait3A_125 = tpu.memref_slice %arg9[%dma_wait3A_122, %dma_wait3A_123, %dma_wait3A_124] : memref<2x128x128xf32, #tpu.memory_space<vmem>> -> memref<1x128x128xf32, #tpu.memory_space<vmem>>
      %dma_wait3A_126 = tpu.memref_squeeze %dma_wait3A_125 : memref<1x128x128xf32, #tpu.memory_space<vmem>> -> memref<128x128xf32, #tpu.memory_space<vmem>>
      %dma_wait3A_127 = arith.constant 0 : i32
      %dma_wait3A_128 = tpu.memref_slice %arg7[%add3A_121, %dma_wait3A_127] : memref<40x128xi32, #tpu.memory_space<vmem>> -> memref<1x128xi32, #tpu.memory_space<vmem>>
      %dma_wait3A_129 = tpu.memref_squeeze %dma_wait3A_128 : memref<1x128xi32, #tpu.memory_space<vmem>> -> memref<128xi32, #tpu.memory_space<vmem>>
      %dma_wait3A_130 = arith.constant 0 : i32
      %dma_wait3A_131 = arith.constant 0 : i32
      %dma_wait3A_132 = tpu.memref_slice %arg2[%dma_wait3A_130, %dma_wait3A_131] : memref<10240x128xf32, #tpu.memory_space<hbm>> -> memref<10240x128xf32, #tpu.memory_space<hbm>>
      tpu.wait_indirect_dma semaphore(%arg12 : memref<!tpu.dma_semaphore, #tpu.memory_space<semaphore_mem>>) src(%dma_wait3A_132 : memref<10240x128xf32, #tpu.memory_space<hbm>>) dst(%dma_wait3A_126 : memref<128x128xf32, #tpu.memory_space<vmem>>)
      %add3A_133 = arith.constant 1 : i32
      %add3A_134 = arith.addi %add3A_91, %add3A_133 : i32
      %run_scoped3A_135 = arith.constant 1 : i32
      "tpu.region"() ({
        %run_scoped3A_136 = tpu.sem_alloc : memref<!tpu.dma_semaphore, #tpu.memory_space<semaphore_mem>>
        %dma_start3A_137 = arith.constant 0 : i32
        %dma_start3A_138 = arith.constant 0 : i32
        %dma_start3A_139 = tpu.memref_slice %arg9[%run_scoped3A_135, %dma_start3A_137, %dma_start3A_138] : memref<2x128x128xf32, #tpu.memory_space<vmem>> -> memref<1x128x128xf32, #tpu.memory_space<vmem>>
        %dma_start3A_140 = tpu.memref_squeeze %dma_start3A_139 : memref<1x128x128xf32, #tpu.memory_space<vmem>> -> memref<128x128xf32, #tpu.memory_space<vmem>>
        %dma_start3A_141 = arith.constant 0 : i32
        %dma_start3A_142 = tpu.memref_slice %arg8[%add3A_134, %dma_start3A_141] : memref<40x128xi32, #tpu.memory_space<vmem>> -> memref<1x128xi32, #tpu.memory_space<vmem>>
        %dma_start3A_143 = tpu.memref_squeeze %dma_start3A_142 : memref<1x128xi32, #tpu.memory_space<vmem>> -> memref<128xi32, #tpu.memory_space<vmem>>
        %dma_start3A_144 = arith.constant 0 : i32
        %dma_start3A_145 = arith.constant 0 : i32
        %dma_start3A_146 = tpu.memref_slice %arg10[%dma_start3A_144, %dma_start3A_145] : memref<10240x128xf32, #tpu.memory_space<vmem_shared>> -> memref<10240x128xf32, #tpu.memory_space<vmem_shared>>
        tpu.enqueue_indirect_dma source(%dma_start3A_140 : memref<128x128xf32, #tpu.memory_space<vmem>>) target(%dma_start3A_146 : memref<10240x128xf32, #tpu.memory_space<vmem_shared>>) offsets(%dma_start3A_143 : memref<128xi32, #tpu.memory_space<vmem>>) semaphore(%run_scoped3A_136 : memref<!tpu.dma_semaphore, #tpu.memory_space<semaphore_mem>>) {add = true}
        %dma_wait3A_147 = arith.constant 0 : i32
        %dma_wait3A_148 = arith.constant 0 : i32
        %dma_wait3A_149 = tpu.memref_slice %arg9[%run_scoped3A_135, %dma_wait3A_147, %dma_wait3A_148] : memref<2x128x128xf32, #tpu.memory_space<vmem>> -> memref<1x128x128xf32, #tpu.memory_space<vmem>>
        %dma_wait3A_150 = tpu.memref_squeeze %dma_wait3A_149 : memref<1x128x128xf32, #tpu.memory_space<vmem>> -> memref<128x128xf32, #tpu.memory_space<vmem>>
        %dma_wait3A_151 = arith.constant 0 : i32
        %dma_wait3A_152 = tpu.memref_slice %arg8[%add3A_134, %dma_wait3A_151] : memref<40x128xi32, #tpu.memory_space<vmem>> -> memref<1x128xi32, #tpu.memory_space<vmem>>
        %dma_wait3A_153 = tpu.memref_squeeze %dma_wait3A_152 : memref<1x128xi32, #tpu.memory_space<vmem>> -> memref<128xi32, #tpu.memory_space<vmem>>
        %dma_wait3A_154 = arith.constant 0 : i32
        %dma_wait3A_155 = arith.constant 0 : i32
        %dma_wait3A_156 = tpu.memref_slice %arg10[%dma_wait3A_154, %dma_wait3A_155] : memref<10240x128xf32, #tpu.memory_space<vmem_shared>> -> memref<10240x128xf32, #tpu.memory_space<vmem_shared>>
        tpu.wait_indirect_dma semaphore(%run_scoped3A_136 : memref<!tpu.dma_semaphore, #tpu.memory_space<semaphore_mem>>) src(%dma_wait3A_150 : memref<128x128xf32, #tpu.memory_space<vmem>>) dst(%dma_wait3A_156 : memref<10240x128xf32, #tpu.memory_space<vmem_shared>>)
        tpu.yield
      }) : () -> ()
    }
    %scan3A_81 = arith.constant 20 : i32
    %barrier3A_82 = arith.constant 0 : index
    tpu.barrier barrier_id(%barrier3A_82)
    %mul3A_83 = arith.constant 640 : i32
    %mul3A_84 = arith.muli %arg1, %mul3A_83 : i32
    %mul3A_85 = arith.constant 640 : i32
    %mul3A_86 = arith.muli %arg1, %mul3A_85 : i32
    "tpu.region"() ({
      %run_scoped3A_87 = tpu.sem_alloc : memref<!tpu.dma_semaphore, #tpu.memory_space<semaphore_mem>>
      %dma_start3A_88 = arith.constant 0 : i32
      %dma_start3A_89 = tpu.memref_slice %arg6[%arg0, %mul3A_86, %dma_start3A_88] : memref<2x10240x128xf32, #tpu.memory_space<hbm>> -> memref<1x640x128xf32, #tpu.memory_space<hbm>>
      %dma_start3A_90 = tpu.memref_squeeze %dma_start3A_89 : memref<1x640x128xf32, #tpu.memory_space<hbm>> -> memref<640x128xf32, #tpu.memory_space<hbm>>
      %dma_start3A_91 = arith.constant 0 : i32
      %dma_start3A_92 = tpu.memref_slice %arg10[%mul3A_84, %dma_start3A_91] : memref<10240x128xf32, #tpu.memory_space<vmem_shared>> -> memref<640x128xf32, #tpu.memory_space<vmem_shared>>
      tpu.enqueue_dma source(%dma_start3A_92 : memref<640x128xf32, #tpu.memory_space<vmem_shared>>) target(%dma_start3A_90 : memref<640x128xf32, #tpu.memory_space<hbm>>) target_semaphore(%run_scoped3A_87 : memref<!tpu.dma_semaphore, #tpu.memory_space<semaphore_mem>>)
      %dma_wait3A = arith.constant 0 : i32
      %dma_wait3A_93 = tpu.memref_slice %arg6[%arg0, %mul3A_86, %dma_wait3A] : memref<2x10240x128xf32, #tpu.memory_space<hbm>> -> memref<1x640x128xf32, #tpu.memory_space<hbm>>
      %dma_wait3A_94 = tpu.memref_squeeze %dma_wait3A_93 : memref<1x640x128xf32, #tpu.memory_space<hbm>> -> memref<640x128xf32, #tpu.memory_space<hbm>>
      %dma_wait3A_95 = arith.constant 0 : i32
      %dma_wait3A_96 = tpu.memref_slice %arg10[%mul3A_84, %dma_wait3A_95] : memref<10240x128xf32, #tpu.memory_space<vmem_shared>> -> memref<640x128xf32, #tpu.memory_space<vmem_shared>>
      tpu.wait_dma2 semaphore(%run_scoped3A_87 : memref<!tpu.dma_semaphore, #tpu.memory_space<semaphore_mem>>) src(%dma_wait3A_96 : memref<640x128xf32, #tpu.memory_space<vmem_shared>>) dst(%dma_wait3A_94 : memref<640x128xf32, #tpu.memory_space<hbm>>)
      tpu.yield
    }) : () -> ()
    return
  }
}

module attributes {stable_mosaic.version = 14 : i64} {
  func.func @_mlp_body(%arg0: i32, %arg1: i32, %arg2: memref<2048x128xf32, #tpu.memory_space<vmem>>, %arg3: memref<2x2048x128xf32, #tpu.memory_space<vmem>>, %arg4: memref<128x128xf32, #tpu.memory_space<vmem>>, %arg5: memref<1x128xf32, #tpu.memory_space<vmem>>, %arg6: memref<128x128xf32, #tpu.memory_space<vmem>>, %arg7: memref<1x128xf32, #tpu.memory_space<vmem>>, %arg8: memref<1x128xf32, #tpu.memory_space<vmem>>, %arg9: memref<1x128xf32, #tpu.memory_space<vmem>>, %arg10: memref<2048x128xf32, #tpu.memory_space<vmem>>, %arg11: memref<10240x128xf32, #tpu.memory_space<vmem>>, %arg12: memref<2x128xf32, #tpu.memory_space<vmem>>) attributes {dimension_semantics = [#tpu.dimension_semantics<arbitrary>, #tpu.dimension_semantics<arbitrary>], iteration_bounds = array<i64: 2, 5>, scalar_prefetch = 0 : i64, scratch_operands = 2 : i64, tpu.core_type = #tpu.core_type<tc>, window_params = [{transform_indices = @transform_0, window_bounds = array<i64: 2048, 128>}, {transform_indices = @transform_1, window_bounds = array<i64: 2, 2048, 128>}, {pipeline_mode = #tpu.pipeline_mode<synchronous>, transform_indices = @transform_2, window_bounds = array<i64: 128, 128>}, {pipeline_mode = #tpu.pipeline_mode<synchronous>, transform_indices = @transform_3, window_bounds = array<i64: 1, 128>}, {pipeline_mode = #tpu.pipeline_mode<synchronous>, transform_indices = @transform_4, window_bounds = array<i64: 128, 128>}, {pipeline_mode = #tpu.pipeline_mode<synchronous>, transform_indices = @transform_5, window_bounds = array<i64: 1, 128>}, {pipeline_mode = #tpu.pipeline_mode<synchronous>, transform_indices = @transform_6, window_bounds = array<i64: 1, 128>}, {pipeline_mode = #tpu.pipeline_mode<synchronous>, transform_indices = @transform_7, window_bounds = array<i64: 1, 128>}, {transform_indices = @transform_8, window_bounds = array<i64: 2048, 128>}]} {
    %mul3A = arith.constant 2048 : i32
    %mul3A_0 = arith.muli %arg1, %mul3A : i32
    %iota3A = tpu.iota {dimensions = array<i32: 0>} : vector<2048x1xi32>
    %add3A = vector.broadcast %mul3A_0 : i32 to vector<2048x1xi32>
    %add3A_1 = arith.addi %add3A, %iota3A : vector<2048x1xi32>
    %eq3A = arith.constant 0 : i32
    %eq3A_2 = arith.cmpi eq, %arg0, %eq3A : i32
    %convert_element_type3A = arith.extui %eq3A_2 : i1 to i32
    %cond3A = arith.constant 0 : i32
    %cond3A_3 = arith.cmpi ne, %convert_element_type3A, %cond3A : i32
    scf.if %cond3A_3 {
      %get3A = arith.constant 0 : index
      %get3A_9 = arith.constant 0 : index
      %get3A_10 = vector.load %arg2[%get3A, %get3A_9] : memref<2048x128xf32, #tpu.memory_space<vmem>>, vector<2048x128xf32>
      %get3A_11 = arith.constant 0 : index
      %get3A_12 = arith.constant 0 : index
      %get3A_13 = arith.constant 0 : index
      %get3A_14 = vector.load %arg3[%get3A_11, %get3A_12, %get3A_13] : memref<2x2048x128xf32, #tpu.memory_space<vmem>>, vector<1x2048x128xf32>
      %get3A_15 = vector.shape_cast %get3A_14 : vector<1x2048x128xf32> to vector<2048x128xf32>
      %add3A_16 = arith.addf %get3A_10, %get3A_15 : vector<2048x128xf32>
      %get3A_17 = arith.constant 1 : index
      %get3A_18 = arith.constant 0 : index
      %get3A_19 = arith.constant 0 : index
      %get3A_20 = vector.load %arg3[%get3A_17, %get3A_18, %get3A_19] : memref<2x2048x128xf32, #tpu.memory_space<vmem>>, vector<1x2048x128xf32>
      %get3A_21 = vector.shape_cast %get3A_20 : vector<1x2048x128xf32> to vector<2048x128xf32>
      %add3A_22 = arith.addf %add3A_16, %get3A_21 : vector<2048x128xf32>
      %get3A_23 = arith.constant 0 : index
      %get3A_24 = arith.constant 0 : index
      %get3A_25 = vector.load %arg4[%get3A_23, %get3A_24] : memref<128x128xf32, #tpu.memory_space<vmem>>, vector<128x128xf32>
      %dot_general3A = arith.constant dense<0.000000e+00> : vector<2048x128xf32>
      %dot_general3A_26 = tpu.matmul %add3A_22, %get3A_25, %dot_general3A {dimension_numbers = #tpu.dot_dimension_numbers<[1], [1], [0], [0], [0, 0, 1, 0], [], []>, transpose_lhs_hint = false} : vector<2048x128xf32>, vector<128x128xf32>, vector<2048x128xf32> -> vector<2048x128xf32>
      %get3A_27 = arith.constant 0 : index
      %get3A_28 = arith.constant 0 : index
      %get3A_29 = vector.load %arg5[%get3A_27, %get3A_28] : memref<1x128xf32, #tpu.memory_space<vmem>>, vector<1x128xf32>
      %add3A_30 = vector.broadcast %get3A_29 : vector<1x128xf32> to vector<2048x128xf32>
      %add3A_31 = arith.addf %dot_general3A_26, %add3A_30 : vector<2048x128xf32>
      %max3A = arith.constant 0.000000e+00 : f32
      %max3A_32 = vector.broadcast %max3A : f32 to vector<2048x128xf32>
      %max3A_33 = arith.maximumf %add3A_31, %max3A_32 : vector<2048x128xf32>
      %get3A_34 = arith.constant 0 : index
      %get3A_35 = arith.constant 0 : index
      %get3A_36 = vector.load %arg6[%get3A_34, %get3A_35] : memref<128x128xf32, #tpu.memory_space<vmem>>, vector<128x128xf32>
      %dot_general3A_37 = arith.constant dense<0.000000e+00> : vector<2048x128xf32>
      %dot_general3A_38 = tpu.matmul %max3A_33, %get3A_36, %dot_general3A_37 {dimension_numbers = #tpu.dot_dimension_numbers<[1], [1], [0], [0], [0, 0, 1, 0], [], []>, transpose_lhs_hint = false} : vector<2048x128xf32>, vector<128x128xf32>, vector<2048x128xf32> -> vector<2048x128xf32>
      %get3A_39 = arith.constant 0 : index
      %get3A_40 = arith.constant 0 : index
      %get3A_41 = vector.load %arg7[%get3A_39, %get3A_40] : memref<1x128xf32, #tpu.memory_space<vmem>>, vector<1x128xf32>
      %add3A_42 = vector.broadcast %get3A_41 : vector<1x128xf32> to vector<2048x128xf32>
      %add3A_43 = arith.addf %dot_general3A_38, %add3A_42 : vector<2048x128xf32>
      %lt3A = arith.constant 10000 : i32
      %lt3A_44 = vector.broadcast %lt3A : i32 to vector<2048x1xi32>
      %lt3A_45 = arith.cmpi slt, %add3A_1, %lt3A_44 : vector<2048x1xi32>
      %max3A_46 = arith.constant 0.000000e+00 : f32
      %max3A_47 = vector.broadcast %max3A_46 : f32 to vector<2048x128xf32>
      %max3A_48 = arith.maximumf %add3A_43, %max3A_47 : vector<2048x128xf32>
      %jit3A = arith.constant 0.000000e+00 : f32
      %broadcast_in_dim3A = vector.shape_cast %lt3A_45 : vector<2048x1xi1> to vector<2048x1xi1>
      %broadcast_in_dim3A_49 = vector.broadcast %broadcast_in_dim3A : vector<2048x1xi1> to vector<2048x128xi1>
      %broadcast_in_dim3A_50 = vector.broadcast %jit3A : f32 to vector<2048x128xf32>
      %select_n3A = arith.select %broadcast_in_dim3A_49, %max3A_48, %broadcast_in_dim3A_50 : vector<2048x128xi1>, vector<2048x128xf32>
      %mul3A_51 = arith.constant 2048 : i32
      %mul3A_52 = arith.muli %arg1, %mul3A_51 : i32
      %swap3A = arith.index_cast %mul3A_52 : i32 to index
      %swap3A_53 = arith.constant 0 : index
      %swap3A_54 = vector.load %arg11[%swap3A, %swap3A_53] : memref<10240x128xf32, #tpu.memory_space<vmem>>, vector<2048x128xf32>
      tpu.vector_store %arg11[%swap3A, %swap3A_53], %select_n3A {strides = array<i32>} : memref<10240x128xf32, #tpu.memory_space<vmem>>, vector<2048x128xf32>,
      %eq3A_55 = arith.constant 0 : i32
      %eq3A_56 = arith.cmpi eq, %arg1, %eq3A_55 : i32
      %convert_element_type3A_57 = arith.extui %eq3A_56 : i1 to i32
      %cond3A_58 = arith.constant 0 : i32
      %cond3A_59 = arith.cmpi ne, %convert_element_type3A_57, %cond3A_58 : i32
      scf.if %cond3A_59 {
        %broadcast_in_dim3A_80 = arith.constant 0.000000e+00 : f32
        %broadcast_in_dim3A_81 = vector.broadcast %broadcast_in_dim3A_80 : f32 to vector<2x128xf32>
        %swap3A_82 = arith.constant 0 : index
        %swap3A_83 = arith.constant 0 : index
        %swap3A_84 = vector.load %arg12[%swap3A_82, %swap3A_83] : memref<2x128xf32, #tpu.memory_space<vmem>>, vector<2x128xf32>
        tpu.vector_store %arg12[%swap3A_82, %swap3A_83], %broadcast_in_dim3A_81 {strides = array<i32>} : memref<2x128xf32, #tpu.memory_space<vmem>>, vector<2x128xf32>,
      } else {
      }
      %get3A_60 = arith.constant 0 : index
      %get3A_61 = arith.constant 0 : index
      %get3A_62 = vector.load %arg12[%get3A_60, %get3A_61] : memref<2x128xf32, #tpu.memory_space<vmem>>, vector<1x128xf32>
      %reduce_sum3A = arith.constant dense<0.000000e+00> : vector<128xf32>
      %reduce_sum3A_63 = vector.multi_reduction <add>, %select_n3A, %reduce_sum3A [0] : vector<2048x128xf32> to vector<128xf32>
      %broadcast_in_dim3A_64 = vector.shape_cast %reduce_sum3A_63 : vector<128xf32> to vector<1x128xf32>
      %add3A_65 = arith.addf %get3A_62, %broadcast_in_dim3A_64 : vector<1x128xf32>
      %swap3A_66 = arith.constant 0 : index
      %swap3A_67 = arith.constant 0 : index
      %swap3A_68 = vector.load %arg12[%swap3A_66, %swap3A_67] : memref<2x128xf32, #tpu.memory_space<vmem>>, vector<1x128xf32>
      tpu.vector_store %arg12[%swap3A_66, %swap3A_67], %add3A_65 {strides = array<i32>} : memref<2x128xf32, #tpu.memory_space<vmem>>, vector<1x128xf32>,
      %get3A_69 = arith.constant 1 : index
      %get3A_70 = arith.constant 0 : index
      %get3A_71 = vector.load %arg12[%get3A_69, %get3A_70] : memref<2x128xf32, #tpu.memory_space<vmem>>, vector<1x128xf32>
      %mul3A_72 = arith.mulf %select_n3A, %select_n3A : vector<2048x128xf32>
      %reduce_sum3A_73 = arith.constant dense<0.000000e+00> : vector<128xf32>
      %reduce_sum3A_74 = vector.multi_reduction <add>, %mul3A_72, %reduce_sum3A_73 [0] : vector<2048x128xf32> to vector<128xf32>
      %broadcast_in_dim3A_75 = vector.shape_cast %reduce_sum3A_74 : vector<128xf32> to vector<1x128xf32>
      %add3A_76 = arith.addf %get3A_71, %broadcast_in_dim3A_75 : vector<1x128xf32>
      %swap3A_77 = arith.constant 1 : index
      %swap3A_78 = arith.constant 0 : index
      %swap3A_79 = vector.load %arg12[%swap3A_77, %swap3A_78] : memref<2x128xf32, #tpu.memory_space<vmem>>, vector<1x128xf32>
      tpu.vector_store %arg12[%swap3A_77, %swap3A_78], %add3A_76 {strides = array<i32>} : memref<2x128xf32, #tpu.memory_space<vmem>>, vector<1x128xf32>,
    } else {
    }
    %eq3A_4 = arith.constant 1 : i32
    %eq3A_5 = arith.cmpi eq, %arg0, %eq3A_4 : i32
    %convert_element_type3A_6 = arith.extui %eq3A_5 : i1 to i32
    %cond3A_7 = arith.constant 0 : i32
    %cond3A_8 = arith.cmpi ne, %convert_element_type3A_6, %cond3A_7 : i32
    scf.if %cond3A_8 {
      %get3A = arith.constant 0 : index
      %get3A_9 = arith.constant 0 : index
      %get3A_10 = vector.load %arg12[%get3A, %get3A_9] : memref<2x128xf32, #tpu.memory_space<vmem>>, vector<1x128xf32>
      %mul3A_11 = arith.constant 9.99999974E-5 : f32
      %mul3A_12 = vector.broadcast %mul3A_11 : f32 to vector<1x128xf32>
      %mul3A_13 = arith.mulf %get3A_10, %mul3A_12 : vector<1x128xf32>
      %get3A_14 = arith.constant 1 : index
      %get3A_15 = arith.constant 0 : index
      %get3A_16 = vector.load %arg12[%get3A_14, %get3A_15] : memref<2x128xf32, #tpu.memory_space<vmem>>, vector<1x128xf32>
      %mul3A_17 = arith.constant 9.99999974E-5 : f32
      %mul3A_18 = vector.broadcast %mul3A_17 : f32 to vector<1x128xf32>
      %mul3A_19 = arith.mulf %get3A_16, %mul3A_18 : vector<1x128xf32>
      %mul3A_20 = arith.mulf %mul3A_13, %mul3A_13 : vector<1x128xf32>
      %sub3A = arith.subf %mul3A_19, %mul3A_20 : vector<1x128xf32>
      %get3A_21 = arith.constant 0 : index
      %get3A_22 = arith.constant 0 : index
      %get3A_23 = vector.load %arg8[%get3A_21, %get3A_22] : memref<1x128xf32, #tpu.memory_space<vmem>>, vector<1x128xf32>
      %add3A_24 = arith.constant 9.99999974E-6 : f32
      %add3A_25 = vector.broadcast %add3A_24 : f32 to vector<1x128xf32>
      %add3A_26 = arith.addf %sub3A, %add3A_25 : vector<1x128xf32>
      %rsqrt3A = math.rsqrt %add3A_26 : vector<1x128xf32>
      %mul3A_27 = arith.mulf %get3A_23, %rsqrt3A : vector<1x128xf32>
      %get3A_28 = arith.constant 0 : index
      %get3A_29 = arith.constant 0 : index
      %get3A_30 = vector.load %arg9[%get3A_28, %get3A_29] : memref<1x128xf32, #tpu.memory_space<vmem>>, vector<1x128xf32>
      %mul3A_31 = arith.mulf %mul3A_13, %mul3A_27 : vector<1x128xf32>
      %sub3A_32 = arith.subf %get3A_30, %mul3A_31 : vector<1x128xf32>
      %mul3A_33 = arith.constant 2048 : i32
      %mul3A_34 = arith.muli %arg1, %mul3A_33 : i32
      %get3A_35 = arith.index_cast %mul3A_34 : i32 to index
      %get3A_36 = arith.constant 0 : index
      %get3A_37 = vector.load %arg11[%get3A_35, %get3A_36] : memref<10240x128xf32, #tpu.memory_space<vmem>>, vector<2048x128xf32>
      %lt3A = arith.constant 10000 : i32
      %lt3A_38 = vector.broadcast %lt3A : i32 to vector<2048x1xi32>
      %lt3A_39 = arith.cmpi slt, %add3A_1, %lt3A_38 : vector<2048x1xi32>
      %mul3A_40 = vector.broadcast %mul3A_27 : vector<1x128xf32> to vector<2048x128xf32>
      %mul3A_41 = arith.mulf %mul3A_40, %get3A_37 : vector<2048x128xf32>
      %add3A_42 = vector.broadcast %sub3A_32 : vector<1x128xf32> to vector<2048x128xf32>
      %add3A_43 = arith.addf %mul3A_41, %add3A_42 : vector<2048x128xf32>
      %jit3A = arith.constant 0.000000e+00 : f32
      %broadcast_in_dim3A = vector.shape_cast %lt3A_39 : vector<2048x1xi1> to vector<2048x1xi1>
      %broadcast_in_dim3A_44 = vector.broadcast %broadcast_in_dim3A : vector<2048x1xi1> to vector<2048x128xi1>
      %broadcast_in_dim3A_45 = vector.broadcast %jit3A : f32 to vector<2048x128xf32>
      %select_n3A = arith.select %broadcast_in_dim3A_44, %add3A_43, %broadcast_in_dim3A_45 : vector<2048x128xi1>, vector<2048x128xf32>
      %swap3A = arith.constant 0 : index
      %swap3A_46 = arith.constant 0 : index
      %swap3A_47 = vector.load %arg10[%swap3A, %swap3A_46] : memref<2048x128xf32, #tpu.memory_space<vmem>>, vector<2048x128xf32>
      tpu.vector_store %arg10[%swap3A, %swap3A_46], %select_n3A {strides = array<i32>} : memref<2048x128xf32, #tpu.memory_space<vmem>>, vector<2048x128xf32>,
    } else {
    }
    return
  }
  func.func @transform_0(%arg0: i32, %arg1: i32) -> (i32, i32) {
    %sub3A = arith.constant 1 : i32
    %sub3A_0 = arith.subi %sub3A, %arg0 : i32
    %mul3A = arith.muli %arg1, %sub3A_0 : i32
    %c0_i32 = arith.constant 0 : i32
    %c0_i32_1 = arith.constant 0 : i32
    return %mul3A, %c0_i32 : i32, i32
  }
  func.func @transform_1(%arg0: i32, %arg1: i32) -> (i32, i32, i32) {
    %sub3A = arith.constant 1 : i32
    %sub3A_0 = arith.subi %sub3A, %arg0 : i32
    %mul3A = arith.muli %arg1, %sub3A_0 : i32
    %c0_i32 = arith.constant 0 : i32
    %c0_i32_1 = arith.constant 0 : i32
    %c0_i32_2 = arith.constant 0 : i32
    return %c0_i32, %mul3A, %c0_i32_1 : i32, i32, i32
  }
  func.func @transform_2(%arg0: i32, %arg1: i32) -> (i32, i32) {
    %c0_i32 = arith.constant 0 : i32
    %c0_i32_0 = arith.constant 0 : i32
    %c0_i32_1 = arith.constant 0 : i32
    return %c0_i32, %c0_i32_0 : i32, i32
  }
  func.func @transform_3(%arg0: i32, %arg1: i32) -> (i32, i32) {
    %c0_i32 = arith.constant 0 : i32
    %c0_i32_0 = arith.constant 0 : i32
    %c0_i32_1 = arith.constant 0 : i32
    return %c0_i32, %c0_i32_0 : i32, i32
  }
  func.func @transform_4(%arg0: i32, %arg1: i32) -> (i32, i32) {
    %c0_i32 = arith.constant 0 : i32
    %c0_i32_0 = arith.constant 0 : i32
    %c0_i32_1 = arith.constant 0 : i32
    return %c0_i32, %c0_i32_0 : i32, i32
  }
  func.func @transform_5(%arg0: i32, %arg1: i32) -> (i32, i32) {
    %c0_i32 = arith.constant 0 : i32
    %c0_i32_0 = arith.constant 0 : i32
    %c0_i32_1 = arith.constant 0 : i32
    return %c0_i32, %c0_i32_0 : i32, i32
  }
  func.func @transform_6(%arg0: i32, %arg1: i32) -> (i32, i32) {
    %c0_i32 = arith.constant 0 : i32
    %c0_i32_0 = arith.constant 0 : i32
    %c0_i32_1 = arith.constant 0 : i32
    return %c0_i32, %c0_i32_0 : i32, i32
  }
  func.func @transform_7(%arg0: i32, %arg1: i32) -> (i32, i32) {
    %c0_i32 = arith.constant 0 : i32
    %c0_i32_0 = arith.constant 0 : i32
    %c0_i32_1 = arith.constant 0 : i32
    return %c0_i32, %c0_i32_0 : i32, i32
  }
  func.func @transform_8(%arg0: i32, %arg1: i32) -> (i32, i32) {
    %mul3A = arith.muli %arg1, %arg0 : i32
    %c0_i32 = arith.constant 0 : i32
    %c0_i32_0 = arith.constant 0 : i32
    return %mul3A, %c0_i32 : i32, i32
  }
}

module attributes {stable_mosaic.version = 14 : i64} {
  func.func @_pool_body(%arg0: i32, %arg1: memref<2048x128xf32, #tpu.memory_space<vmem>>, %arg2: memref<1x2048xi32, #tpu.memory_space<vmem>>, %arg3: memref<64x128xf32, #tpu.memory_space<vmem>>, %arg4: memref<64x128xf32, #tpu.memory_space<vmem>>) attributes {dimension_semantics = [#tpu.dimension_semantics<arbitrary>], iteration_bounds = array<i64: 5>, scalar_prefetch = 0 : i64, scratch_operands = 1 : i64, tpu.core_type = #tpu.core_type<tc>, window_params = [{transform_indices = @transform_0, window_bounds = array<i64: 2048, 128>}, {transform_indices = @transform_1, window_bounds = array<i64: 1, 2048>}, {pipeline_mode = #tpu.pipeline_mode<synchronous>, transform_indices = @transform_2, window_bounds = array<i64: 64, 128>}]} {
    %iota3A = tpu.iota {dimensions = array<i32: 0>} : vector<64x2048xi32>
    %get3A = arith.constant 0 : index
    %get3A_0 = arith.constant 0 : index
    %get3A_1 = vector.load %arg2[%get3A, %get3A_0] : memref<1x2048xi32, #tpu.memory_space<vmem>>, vector<1x2048xi32>
    %eq3A = vector.broadcast %get3A_1 : vector<1x2048xi32> to vector<64x2048xi32>
    %eq3A_2 = arith.cmpi eq, %iota3A, %eq3A : vector<64x2048xi32>
    %convert_element_type3A = arith.extui %eq3A_2 : vector<64x2048xi1> to vector<64x2048xi32>
    %convert_element_type3A_3 = arith.sitofp %convert_element_type3A : vector<64x2048xi32> to vector<64x2048xf32>
    %get3A_4 = arith.constant 0 : index
    %get3A_5 = arith.constant 0 : index
    %get3A_6 = vector.load %arg1[%get3A_4, %get3A_5] : memref<2048x128xf32, #tpu.memory_space<vmem>>, vector<2048x128xf32>
    %dot_general3A = arith.constant dense<0.000000e+00> : vector<64x128xf32>
    %dot_general3A_7 = tpu.matmul %convert_element_type3A_3, %get3A_6, %dot_general3A {dimension_numbers = #tpu.dot_dimension_numbers<[1], [0], [0], [1], [0, 0, 1, 1], [], []>, transpose_lhs_hint = false} : vector<64x2048xf32>, vector<2048x128xf32>, vector<64x128xf32> -> vector<64x128xf32>
    %eq3A_8 = arith.constant 0 : i32
    %eq3A_9 = arith.cmpi eq, %arg0, %eq3A_8 : i32
    %convert_element_type3A_10 = arith.extui %eq3A_9 : i1 to i32
    %cond3A = arith.constant 0 : i32
    %cond3A_11 = arith.cmpi ne, %convert_element_type3A_10, %cond3A : i32
    scf.if %cond3A_11 {
      %broadcast_in_dim3A = arith.constant 0.000000e+00 : f32
      %broadcast_in_dim3A_22 = vector.broadcast %broadcast_in_dim3A : f32 to vector<64x128xf32>
      %swap3A_23 = arith.constant 0 : index
      %swap3A_24 = arith.constant 0 : index
      %swap3A_25 = vector.load %arg4[%swap3A_23, %swap3A_24] : memref<64x128xf32, #tpu.memory_space<vmem>>, vector<64x128xf32>
      tpu.vector_store %arg4[%swap3A_23, %swap3A_24], %broadcast_in_dim3A_22 {strides = array<i32>} : memref<64x128xf32, #tpu.memory_space<vmem>>, vector<64x128xf32>,
    } else {
    }
    %get3A_12 = arith.constant 0 : index
    %get3A_13 = arith.constant 0 : index
    %get3A_14 = vector.load %arg4[%get3A_12, %get3A_13] : memref<64x128xf32, #tpu.memory_space<vmem>>, vector<64x128xf32>
    %add3A = arith.addf %get3A_14, %dot_general3A_7 : vector<64x128xf32>
    %swap3A = arith.constant 0 : index
    %swap3A_15 = arith.constant 0 : index
    %swap3A_16 = vector.load %arg4[%swap3A, %swap3A_15] : memref<64x128xf32, #tpu.memory_space<vmem>>, vector<64x128xf32>
    tpu.vector_store %arg4[%swap3A, %swap3A_15], %add3A {strides = array<i32>} : memref<64x128xf32, #tpu.memory_space<vmem>>, vector<64x128xf32>,
    %eq3A_17 = arith.constant 4 : i32
    %eq3A_18 = arith.cmpi eq, %arg0, %eq3A_17 : i32
    %convert_element_type3A_19 = arith.extui %eq3A_18 : i1 to i32
    %cond3A_20 = arith.constant 0 : i32
    %cond3A_21 = arith.cmpi ne, %convert_element_type3A_19, %cond3A_20 : i32
    scf.if %cond3A_21 {
      %get3A_22 = arith.constant 0 : index
      %get3A_23 = arith.constant 0 : index
      %get3A_24 = vector.load %arg4[%get3A_22, %get3A_23] : memref<64x128xf32, #tpu.memory_space<vmem>>, vector<64x128xf32>
      %swap3A_25 = arith.constant 0 : index
      %swap3A_26 = arith.constant 0 : index
      %swap3A_27 = vector.load %arg3[%swap3A_25, %swap3A_26] : memref<64x128xf32, #tpu.memory_space<vmem>>, vector<64x128xf32>
      tpu.vector_store %arg3[%swap3A_25, %swap3A_26], %get3A_24 {strides = array<i32>} : memref<64x128xf32, #tpu.memory_space<vmem>>, vector<64x128xf32>,
    } else {
    }
    return
  }
  func.func @transform_0(%arg0: i32) -> (i32, i32) {
    %c0_i32 = arith.constant 0 : i32
    %c0_i32_0 = arith.constant 0 : i32
    return %arg0, %c0_i32 : i32, i32
  }
  func.func @transform_1(%arg0: i32) -> (i32, i32) {
    %c0_i32 = arith.constant 0 : i32
    %c0_i32_0 = arith.constant 0 : i32
    return %c0_i32, %arg0 : i32, i32
  }
  func.func @transform_2(%arg0: i32) -> (i32, i32) {
    %c0_i32 = arith.constant 0 : i32
    %c0_i32_0 = arith.constant 0 : i32
    %c0_i32_1 = arith.constant 0 : i32
    return %c0_i32, %c0_i32_0 : i32, i32
  }
}

module attributes {stable_mosaic.version = 14 : i64} {
  func.func @_head_body(%arg0: i32, %arg1: memref<2048x128xf32, #tpu.memory_space<vmem>>, %arg2: memref<1x2048xi32, #tpu.memory_space<vmem>>, %arg3: memref<64x128xf32, #tpu.memory_space<vmem>>, %arg4: memref<64x128xf32, #tpu.memory_space<vmem>>, %arg5: memref<128x128xf32, #tpu.memory_space<vmem>>, %arg6: memref<128x128xf32, #tpu.memory_space<vmem>>, %arg7: memref<128x128xf32, #tpu.memory_space<vmem>>, %arg8: memref<1x128xf32, #tpu.memory_space<vmem>>, %arg9: memref<128x16xf32, #tpu.memory_space<vmem>>, %arg10: memref<1x16xf32, #tpu.memory_space<vmem>>, %arg11: memref<64x10xf32, #tpu.memory_space<vmem>>, %arg12: memref<64x128xf32, #tpu.memory_space<vmem>>) attributes {dimension_semantics = [#tpu.dimension_semantics<arbitrary>], iteration_bounds = array<i64: 5>, scalar_prefetch = 0 : i64, scratch_operands = 1 : i64, tpu.core_type = #tpu.core_type<tc>, window_params = [{transform_indices = @transform_0, window_bounds = array<i64: 2048, 128>}, {transform_indices = @transform_1, window_bounds = array<i64: 1, 2048>}, {pipeline_mode = #tpu.pipeline_mode<synchronous>, transform_indices = @transform_2, window_bounds = array<i64: 64, 128>}, {pipeline_mode = #tpu.pipeline_mode<synchronous>, transform_indices = @transform_3, window_bounds = array<i64: 64, 128>}, {pipeline_mode = #tpu.pipeline_mode<synchronous>, transform_indices = @transform_4, window_bounds = array<i64: 128, 128>}, {pipeline_mode = #tpu.pipeline_mode<synchronous>, transform_indices = @transform_5, window_bounds = array<i64: 128, 128>}, {pipeline_mode = #tpu.pipeline_mode<synchronous>, transform_indices = @transform_6, window_bounds = array<i64: 128, 128>}, {pipeline_mode = #tpu.pipeline_mode<synchronous>, transform_indices = @transform_7, window_bounds = array<i64: 1, 128>}, {pipeline_mode = #tpu.pipeline_mode<synchronous>, transform_indices = @transform_8, window_bounds = array<i64: 128, 16>}, {pipeline_mode = #tpu.pipeline_mode<synchronous>, transform_indices = @transform_9, window_bounds = array<i64: 1, 16>}, {pipeline_mode = #tpu.pipeline_mode<synchronous>, transform_indices = @transform_10, window_bounds = array<i64: 64, 10>}]} {
    %iota3A = tpu.iota {dimensions = array<i32: 0>} : vector<64x2048xi32>
    %get3A = arith.constant 0 : index
    %get3A_0 = arith.constant 0 : index
    %get3A_1 = vector.load %arg2[%get3A, %get3A_0] : memref<1x2048xi32, #tpu.memory_space<vmem>>, vector<1x2048xi32>
    %eq3A = vector.broadcast %get3A_1 : vector<1x2048xi32> to vector<64x2048xi32>
    %eq3A_2 = arith.cmpi eq, %iota3A, %eq3A : vector<64x2048xi32>
    %convert_element_type3A = arith.extui %eq3A_2 : vector<64x2048xi1> to vector<64x2048xi32>
    %convert_element_type3A_3 = arith.sitofp %convert_element_type3A : vector<64x2048xi32> to vector<64x2048xf32>
    %get3A_4 = arith.constant 0 : index
    %get3A_5 = arith.constant 0 : index
    %get3A_6 = vector.load %arg1[%get3A_4, %get3A_5] : memref<2048x128xf32, #tpu.memory_space<vmem>>, vector<2048x128xf32>
    %dot_general3A = arith.constant dense<0.000000e+00> : vector<64x128xf32>
    %dot_general3A_7 = tpu.matmul %convert_element_type3A_3, %get3A_6, %dot_general3A {dimension_numbers = #tpu.dot_dimension_numbers<[1], [0], [0], [1], [0, 0, 1, 1], [], []>, transpose_lhs_hint = false} : vector<64x2048xf32>, vector<2048x128xf32>, vector<64x128xf32> -> vector<64x128xf32>
    %eq3A_8 = arith.constant 0 : i32
    %eq3A_9 = arith.cmpi eq, %arg0, %eq3A_8 : i32
    %convert_element_type3A_10 = arith.extui %eq3A_9 : i1 to i32
    %cond3A = arith.constant 0 : i32
    %cond3A_11 = arith.cmpi ne, %convert_element_type3A_10, %cond3A : i32
    scf.if %cond3A_11 {
      %broadcast_in_dim3A = arith.constant 0.000000e+00 : f32
      %broadcast_in_dim3A_22 = vector.broadcast %broadcast_in_dim3A : f32 to vector<64x128xf32>
      %swap3A_23 = arith.constant 0 : index
      %swap3A_24 = arith.constant 0 : index
      %swap3A_25 = vector.load %arg12[%swap3A_23, %swap3A_24] : memref<64x128xf32, #tpu.memory_space<vmem>>, vector<64x128xf32>
      tpu.vector_store %arg12[%swap3A_23, %swap3A_24], %broadcast_in_dim3A_22 {strides = array<i32>} : memref<64x128xf32, #tpu.memory_space<vmem>>, vector<64x128xf32>,
    } else {
    }
    %get3A_12 = arith.constant 0 : index
    %get3A_13 = arith.constant 0 : index
    %get3A_14 = vector.load %arg12[%get3A_12, %get3A_13] : memref<64x128xf32, #tpu.memory_space<vmem>>, vector<64x128xf32>
    %add3A = arith.addf %get3A_14, %dot_general3A_7 : vector<64x128xf32>
    %swap3A = arith.constant 0 : index
    %swap3A_15 = arith.constant 0 : index
    %swap3A_16 = vector.load %arg12[%swap3A, %swap3A_15] : memref<64x128xf32, #tpu.memory_space<vmem>>, vector<64x128xf32>
    tpu.vector_store %arg12[%swap3A, %swap3A_15], %add3A {strides = array<i32>} : memref<64x128xf32, #tpu.memory_space<vmem>>, vector<64x128xf32>,
    %eq3A_17 = arith.constant 4 : i32
    %eq3A_18 = arith.cmpi eq, %arg0, %eq3A_17 : i32
    %convert_element_type3A_19 = arith.extui %eq3A_18 : i1 to i32
    %cond3A_20 = arith.constant 0 : i32
    %cond3A_21 = arith.cmpi ne, %convert_element_type3A_19, %cond3A_20 : i32
    scf.if %cond3A_21 {
      %get3A_22 = arith.constant 0 : index
      %get3A_23 = arith.constant 0 : index
      %get3A_24 = vector.load %arg12[%get3A_22, %get3A_23] : memref<64x128xf32, #tpu.memory_space<vmem>>, vector<64x128xf32>
      %get3A_25 = arith.constant 0 : index
      %get3A_26 = arith.constant 0 : index
      %get3A_27 = vector.load %arg3[%get3A_25, %get3A_26] : memref<64x128xf32, #tpu.memory_space<vmem>>, vector<64x128xf32>
      %get3A_28 = arith.constant 0 : index
      %get3A_29 = arith.constant 0 : index
      %get3A_30 = vector.load %arg5[%get3A_28, %get3A_29] : memref<128x128xf32, #tpu.memory_space<vmem>>, vector<128x128xf32>
      %dot_general3A_31 = arith.constant dense<0.000000e+00> : vector<64x128xf32>
      %dot_general3A_32 = tpu.matmul %get3A_27, %get3A_30, %dot_general3A_31 {dimension_numbers = #tpu.dot_dimension_numbers<[1], [0], [0], [1], [0, 0, 1, 1], [], []>, transpose_lhs_hint = false} : vector<64x128xf32>, vector<128x128xf32>, vector<64x128xf32> -> vector<64x128xf32>
      %get3A_33 = arith.constant 0 : index
      %get3A_34 = arith.constant 0 : index
      %get3A_35 = vector.load %arg4[%get3A_33, %get3A_34] : memref<64x128xf32, #tpu.memory_space<vmem>>, vector<64x128xf32>
      %get3A_36 = arith.constant 0 : index
      %get3A_37 = arith.constant 0 : index
      %get3A_38 = vector.load %arg6[%get3A_36, %get3A_37] : memref<128x128xf32, #tpu.memory_space<vmem>>, vector<128x128xf32>
      %dot_general3A_39 = arith.constant dense<0.000000e+00> : vector<64x128xf32>
      %dot_general3A_40 = tpu.matmul %get3A_35, %get3A_38, %dot_general3A_39 {dimension_numbers = #tpu.dot_dimension_numbers<[1], [0], [0], [1], [0, 0, 1, 1], [], []>, transpose_lhs_hint = false} : vector<64x128xf32>, vector<128x128xf32>, vector<64x128xf32> -> vector<64x128xf32>
      %add3A_41 = arith.addf %dot_general3A_32, %dot_general3A_40 : vector<64x128xf32>
      %get3A_42 = arith.constant 0 : index
      %get3A_43 = arith.constant 0 : index
      %get3A_44 = vector.load %arg7[%get3A_42, %get3A_43] : memref<128x128xf32, #tpu.memory_space<vmem>>, vector<128x128xf32>
      %dot_general3A_45 = arith.constant dense<0.000000e+00> : vector<64x128xf32>
      %dot_general3A_46 = tpu.matmul %get3A_24, %get3A_44, %dot_general3A_45 {dimension_numbers = #tpu.dot_dimension_numbers<[1], [0], [0], [1], [0, 0, 1, 1], [], []>, transpose_lhs_hint = false} : vector<64x128xf32>, vector<128x128xf32>, vector<64x128xf32> -> vector<64x128xf32>
      %add3A_47 = arith.addf %add3A_41, %dot_general3A_46 : vector<64x128xf32>
      %get3A_48 = arith.constant 0 : index
      %get3A_49 = arith.constant 0 : index
      %get3A_50 = vector.load %arg8[%get3A_48, %get3A_49] : memref<1x128xf32, #tpu.memory_space<vmem>>, vector<1x128xf32>
      %add3A_51 = vector.broadcast %get3A_50 : vector<1x128xf32> to vector<64x128xf32>
      %add3A_52 = arith.addf %add3A_47, %add3A_51 : vector<64x128xf32>
      %max3A = arith.constant 0.000000e+00 : f32
      %max3A_53 = vector.broadcast %max3A : f32 to vector<64x128xf32>
      %max3A_54 = arith.maximumf %add3A_52, %max3A_53 : vector<64x128xf32>
      %get3A_55 = arith.constant 0 : index
      %get3A_56 = arith.constant 0 : index
      %get3A_57 = vector.load %arg9[%get3A_55, %get3A_56] : memref<128x16xf32, #tpu.memory_space<vmem>>, vector<128x16xf32>
      %dot_general3A_58 = arith.constant dense<0.000000e+00> : vector<64x16xf32>
      %dot_general3A_59 = tpu.matmul %max3A_54, %get3A_57, %dot_general3A_58 {dimension_numbers = #tpu.dot_dimension_numbers<[1], [0], [0], [1], [0, 0, 1, 1], [], []>, transpose_lhs_hint = false} : vector<64x128xf32>, vector<128x16xf32>, vector<64x16xf32> -> vector<64x16xf32>
      %get3A_60 = arith.constant 0 : index
      %get3A_61 = arith.constant 0 : index
      %get3A_62 = vector.load %arg10[%get3A_60, %get3A_61] : memref<1x16xf32, #tpu.memory_space<vmem>>, vector<1x16xf32>
      %add3A_63 = vector.broadcast %get3A_62 : vector<1x16xf32> to vector<64x16xf32>
      %add3A_64 = arith.addf %dot_general3A_59, %add3A_63 : vector<64x16xf32>
      %iota3A_65 = tpu.iota {dimensions = array<i32: 1>} : vector<64x16xi32>
      %lt3A = arith.constant 10 : i32
      %lt3A_66 = vector.broadcast %lt3A : i32 to vector<64x16xi32>
      %lt3A_67 = arith.cmpi slt, %iota3A_65, %lt3A_66 : vector<64x16xi32>
      %jit3A = arith.constant -1.000000e+30 : f32
      %broadcast_in_dim3A = vector.broadcast %jit3A : f32 to vector<64x16xf32>
      %select_n3A = arith.select %lt3A_67, %add3A_64, %broadcast_in_dim3A : vector<64x16xi1>, vector<64x16xf32>
      %reduce_max3A = arith.constant dense<0xFF800000> : vector<64xf32>
      %reduce_max3A_68 = vector.multi_reduction <maximumf>, %select_n3A, %reduce_max3A [1] : vector<64x16xf32> to vector<64xf32>
      %broadcast_in_dim3A_69 = vector.shape_cast %reduce_max3A_68 : vector<64xf32> to vector<64x1xf32>
      %sub3A = vector.broadcast %broadcast_in_dim3A_69 : vector<64x1xf32> to vector<64x16xf32>
      %sub3A_70 = arith.subf %select_n3A, %sub3A : vector<64x16xf32>
      %exp3A = math.exp %sub3A_70 : vector<64x16xf32>
      %reduce_sum3A = arith.constant dense<0.000000e+00> : vector<64xf32>
      %reduce_sum3A_71 = vector.multi_reduction <add>, %exp3A, %reduce_sum3A [1] : vector<64x16xf32> to vector<64xf32>
      %broadcast_in_dim3A_72 = vector.shape_cast %reduce_sum3A_71 : vector<64xf32> to vector<64x1xf32>
      %sub3A_73 = vector.broadcast %broadcast_in_dim3A_69 : vector<64x1xf32> to vector<64x16xf32>
      %sub3A_74 = arith.subf %select_n3A, %sub3A_73 : vector<64x16xf32>
      %log3A = math.log %broadcast_in_dim3A_72 : vector<64x1xf32>
      %sub3A_75 = vector.broadcast %log3A : vector<64x1xf32> to vector<64x16xf32>
      %sub3A_76 = arith.subf %sub3A_74, %sub3A_75 : vector<64x16xf32>
      %slice3A = vector.extract_strided_slice %sub3A_76 {offsets = [0, 0], sizes = [64, 10], strides = [1, 1]} : vector<64x16xf32> to vector<64x10xf32>
      %swap3A_77 = arith.constant 0 : index
      %swap3A_78 = arith.constant 0 : index
      %swap3A_79 = vector.load %arg11[%swap3A_77, %swap3A_78] : memref<64x10xf32, #tpu.memory_space<vmem>>, vector<64x10xf32>
      tpu.vector_store %arg11[%swap3A_77, %swap3A_78], %slice3A {strides = array<i32>} : memref<64x10xf32, #tpu.memory_space<vmem>>, vector<64x10xf32>,
    } else {
    }
    return
  }
  func.func @transform_0(%arg0: i32) -> (i32, i32) {
    %c0_i32 = arith.constant 0 : i32
    %c0_i32_0 = arith.constant 0 : i32
    return %arg0, %c0_i32 : i32, i32
  }
  func.func @transform_1(%arg0: i32) -> (i32, i32) {
    %c0_i32 = arith.constant 0 : i32
    %c0_i32_0 = arith.constant 0 : i32
    return %c0_i32, %arg0 : i32, i32
  }
  func.func @transform_2(%arg0: i32) -> (i32, i32) {
    %c0_i32 = arith.constant 0 : i32
    %c0_i32_0 = arith.constant 0 : i32
    %c0_i32_1 = arith.constant 0 : i32
    return %c0_i32, %c0_i32_0 : i32, i32
  }
  func.func @transform_3(%arg0: i32) -> (i32, i32) {
    %c0_i32 = arith.constant 0 : i32
    %c0_i32_0 = arith.constant 0 : i32
    %c0_i32_1 = arith.constant 0 : i32
    return %c0_i32, %c0_i32_0 : i32, i32
  }
  func.func @transform_4(%arg0: i32) -> (i32, i32) {
    %c0_i32 = arith.constant 0 : i32
    %c0_i32_0 = arith.constant 0 : i32
    %c0_i32_1 = arith.constant 0 : i32
    return %c0_i32, %c0_i32_0 : i32, i32
  }
  func.func @transform_5(%arg0: i32) -> (i32, i32) {
    %c0_i32 = arith.constant 0 : i32
    %c0_i32_0 = arith.constant 0 : i32
    %c0_i32_1 = arith.constant 0 : i32
    return %c0_i32, %c0_i32_0 : i32, i32
  }
  func.func @transform_6(%arg0: i32) -> (i32, i32) {
    %c0_i32 = arith.constant 0 : i32
    %c0_i32_0 = arith.constant 0 : i32
    %c0_i32_1 = arith.constant 0 : i32
    return %c0_i32, %c0_i32_0 : i32, i32
  }
  func.func @transform_7(%arg0: i32) -> (i32, i32) {
    %c0_i32 = arith.constant 0 : i32
    %c0_i32_0 = arith.constant 0 : i32
    %c0_i32_1 = arith.constant 0 : i32
    return %c0_i32, %c0_i32_0 : i32, i32
  }
  func.func @transform_8(%arg0: i32) -> (i32, i32) {
    %c0_i32 = arith.constant 0 : i32
    %c0_i32_0 = arith.constant 0 : i32
    %c0_i32_1 = arith.constant 0 : i32
    return %c0_i32, %c0_i32_0 : i32, i32
  }
  func.func @transform_9(%arg0: i32) -> (i32, i32) {
    %c0_i32 = arith.constant 0 : i32
    %c0_i32_0 = arith.constant 0 : i32
    %c0_i32_1 = arith.constant 0 : i32
    return %c0_i32, %c0_i32_0 : i32, i32
  }
  func.func @transform_10(%arg0: i32) -> (i32, i32) {
    %c0_i32 = arith.constant 0 : i32
    %c0_i32_0 = arith.constant 0 : i32
    %c0_i32_1 = arith.constant 0 : i32
    return %c0_i32, %c0_i32_0 : i32, i32
  }
}

</mosaic_0001>

<sc_bundles>
// kernel: kernel.11.cloned.1.call-start
scs
__scs_entry_jumppad:
0x0: {  	(pc) =	sbr.rel $0x88, $3  }
0x1: {  	(tag) =	ssettag $0x0;
	lr =	simm.s32 $0x1  }
0x2: {  	[smem:$0x3F94] =	sst lr;
	_ =	strace $0xD0000000  }
0x3: {  	_ = 	snop  }
0x4: {  	_ = 	snop  }
0x5: {  	_ = 	snop  }
0x6: {  	_ = 	snop  }
0x7: {  	_ = 	snop  }
__scs_overlays_trampoline_lowered:
0x8: {  	[smem:$0x3FA3] =	sst s0  }
0x9: {  	[smem:$0x3FA4] =	sst s1  }
0xa: {  	[smem:$0x3FA5] =	sst s2  }
0xb: {  	[smem:$0x3FA6] =	sst s3  }
0xc: {  	[smem:$0x3FA7] =	sst s4  }
0xd: {  	[smem:$0x3FA8] =	sst s5  }
0xe: {  	[smem:$0x3FA9] =	sst s6  }
0xf: {  	[smem:$0x3FAA] =	sst s7  }
0x10: {  	[smem:$0x3FAB] =	sst s8  }
0x11: {  	[smem:$0x3FAC] =	sst s9;
	s0 =	simm.s32 @!p0 $0x0  }
0x12: {  	s1 =	sld [smem:$0x3F92];
	s0 =	simm.s32 @p0 $0x1  }
0x13: {  	[smem:$0x3FAD] =	sst s0;
	s0 =	simm.s32 @!p1 $0x0  }
0x14: {  	s2 =	sld [smem:$0x3F91];
	s0 =	simm.s32 @p1 $0x1  }
0x15: {  	[smem:$0x3FAE] =	sst s0;
	s0 =	simm.s32 @!p2 $0x0  }
0x16: {  	s3 =	sld [smem:$0x3FDB];
	s0 =	simm.s32 @p2 $0x1  }
0x17: {  	s4 =	simm.s32 $0x1BF5;
	[smem:$0x3FB0] =	sst s0  }
0x18: {  	s0 =	sld [smem:$0x3F93];
	_ =	swait.ge [sflag:s4], $0x0  }
0x19: {  	s7 =	sld [smem:$0x3F94]  }
0x1a: {  	s8 =	sadd.s32 $0xFFFFE003, lr  }
0x1b: {  	s9 =	sadd.s32 $0xFFFFFEF7, lr;
	s5 =	simm.s32 $0xFFFFFFFF;
	p2 =	slt.u32 s8, $0xFFFFF086  }
0x1c: {  	p1 =	slt.u32 s9, $0xF7A;
	s5 =	simm.s32 @!p2 $0x0  }
0x1d: {  	s5 =	simm.s32 @p1 $0x1;
	p0 =	seq.s32 s7, s2  }
0x1e: {  	s7 =	smul.u32 @!p0 $0xF7A, s2;
	p2 =	seq.s32 @!p0 s5, $0x0  }
0x1f: {  	s9 =	smul.u32 $0xF7A, s1;
	s8 =	simm.s32 @!p0 $0x1BF5;
	p2 =	por !p2, p0  }
0x20: {  	[sflag:s8] =	ssyncset.s32 @!p0 $0xFFFFF086;
	s6 =	sadd.s32 @!p0 s3, s7;
	s7 =	simm.s32 @!p0 $0x108  }
0x21: {  	s3 =	sadd.s32 s3, s9;
	s6 =	sadd.s32 @!p0 $0x88, s6;
	s7 =	simm.s32 @p2 $0x1082  }
0x22: {  	[simem:s7], [sflag:s8] =	dma.local @!p0 [hbm:s6], $0xF7A  }
0x23: {  	s9 =	sor.u32 $0xD0000000, s2;
	s6 =	simm.s32 $0x108;
	_ =	swait.ge @!p0 [sflag:s8], $0x0  }
0x24: {  	s3 =	sadd.s32 $0x88, s3;
	s6 =	simm.s32 @!p1 $0x1082;
	[sflag:s4] =	ssyncset.s32 $0xFFFFF086  }
0x25: {  	[simem:s6], [sflag:s4] =	dma.local [hbm:s3], $0xF7A  }
0x26: {  	[smem:$0x3F94] =	sst s1;
	(tag) =	ssettag s2;
	_ =	strace s9  }
0x27: {  	s1 =	sld [smem:$0x3FA4]  }
0x28: {  	s2 =	sld [smem:$0x3FA5]  }
0x29: {  	s4 =	sld [smem:$0x3FA7]  }
0x2a: {  	p0 =	seq.s32 s5, $0x0;
	s5 =	sld [smem:$0x3FA8]  }
0x2b: {  	s6 =	sld [smem:$0x3FA9]  }
0x2c: {  	s7 =	sld [smem:$0x3FAA]  }
0x2d: {  	s3 =	simm.s32 $0x108;
	s8 =	sld [smem:$0x3FAB]  }
0x2e: {  	s3 =	simm.s32 @!p0 $0x1082;
	s9 =	sld [smem:$0x3FAC]  }
0x2f: {  	lr =	sadd.s32 s0, s3;
	s0 =	sld [smem:$0x3FA3]  }
0x30: {  	s3 =	sld [smem:$0x3FA6]  }
0x31: {  	[smem:$0x3FAF] =	sst s10  }
0x32: {  	s10 =	sld [smem:$0x3FAD];
	_ =	sdelay $0x3  }
0x33: {  	p0 =	seq.s32 s10, $0x1;
	s10 =	sld [smem:$0x3FAF];
	_ =	sdelay $0x3  }
0x34: {  	[smem:$0x3FAF] =	sst s10  }
0x35: {  	s10 =	sld [smem:$0x3FAE];
	_ =	sdelay $0x3  }
0x36: {  	p1 =	seq.s32 s10, $0x1;
	s10 =	sld [smem:$0x3FAF];
	_ =	sdelay $0x3  }
0x37: {  	[smem:$0x3FAF] =	sst s10  }
0x38: {  	s10 =	sld [smem:$0x3FB0]  }
0x39: {  	_ = 	snop;
	(pc) =	sbr.ind lr, $3  }
0x3a: {  	_ = 	snop  }
0x3b: {  	_ = 	snop  }
0x3c: {  	p2 =	seq.s32 s10, $0x1;
	s10 =	sld [smem:$0x3FAF]  }
0x3d: {  	_ =	shalt  }
0x3e: {  	_ =	shalt  }
0x3f: {  	_ =	shalt  }
0x40: {  	_ =	shalt  }
0x41: {  	_ =	shalt  }
0x42: {  	_ =	shalt  }
0x43: {  	_ =	shalt  }
0x44: {  	_ =	shalt  }
0x45: {  	_ =	shalt  }
0x46: {  	_ =	shalt  }
0x47: {  	_ =	shalt  }
0x48: {  	_ =	shalt  }
0x49: {  	_ =	shalt  }
0x4a: {  	_ =	shalt  }
0x4b: {  	_ =	shalt  }
0x4c: {  	_ =	shalt  }
0x4d: {  	_ =	shalt  }
0x4e: {  	_ =	shalt  }
0x4f: {  	_ =	shalt  }
0x50: {  	_ =	shalt  }
0x51: {  	_ =	shalt  }
0x52: {  	_ =	shalt  }
0x53: {  	_ =	shalt  }
0x54: {  	_ =	shalt  }
0x55: {  	_ =	shalt  }
0x56: {  	_ =	shalt  }
0x57: {  	_ =	shalt  }
0x58: {  	_ =	shalt  }
0x59: {  	_ =	shalt  }
0x5a: {  	_ =	shalt  }
0x5b: {  	_ =	shalt  }
0x5c: {  	_ =	shalt  }
0x5d: {  	_ =	shalt  }
0x5e: {  	_ =	shalt  }
0x5f: {  	_ =	shalt  }
0x60: {  	_ =	shalt  }
0x61: {  	_ =	shalt  }
0x62: {  	_ =	shalt  }
0x63: {  	_ =	shalt  }
0x64: {  	_ =	shalt  }
0x65: {  	_ =	shalt  }
0x66: {  	_ =	shalt  }
0x67: {  	_ =	shalt  }
0x68: {  	_ =	shalt  }
0x69: {  	_ =	shalt  }
0x6a: {  	_ =	shalt  }
0x6b: {  	_ =	shalt  }
0x6c: {  	_ =	shalt  }
0x6d: {  	_ =	shalt  }
0x6e: {  	_ =	shalt  }
0x6f: {  	_ =	shalt  }
0x70: {  	_ =	shalt  }
0x71: {  	_ =	shalt  }
0x72: {  	_ =	shalt  }
0x73: {  	_ =	shalt  }
0x74: {  	_ =	shalt  }
0x75: {  	_ =	shalt  }
0x76: {  	_ =	shalt  }
0x77: {  	_ =	shalt  }
0x78: {  	_ =	shalt  }
0x79: {  	_ =	shalt  }
0x7a: {  	_ =	shalt  }
0x7b: {  	_ =	shalt  }
0x7c: {  	_ =	shalt  }
0x7d: {  	_ =	shalt  }
0x7e: {  	_ =	shalt  }
0x7f: {  	_ =	shalt  }
0x80: {  	_ =	shalt  }
0x81: {  	_ =	shalt  }
0x82: {  	_ =	shalt  }
0x83: {  	_ =	shalt  }
0x84: {  	_ =	shalt  }
0x85: {  	_ =	shalt  }
0x86: {  	_ =	shalt  }
0x87: {  	_ =	shalt  }
.Lfunc_end0:
.L_simem_size_0:
called_computation_lowered:
.L_overlay_start_0:
0x88: {  	s2 =	sld [smem:$0x3FD9]  }
0x89: {  	s3 =	sld [smem:$0x3FFE];
	_ =	sdelay $0x1  }
0x8a: {  	s1 =	srdreg.scid  }
0x8b: {  	s0 =	sand.u32 $0x1, s1  }
0x8c: {  	s16 =	sshll.u32 s0, $0xA;
	s2 =	sadd.s32 s3, s2  }
0x8d: {  	s2 =	sadd.s32 s2, s16  }
0x8e: {  	[smem:$0x3FBB] =	sst s2  }
0x8f: {  	_ = 	snop  }
0x90: {  	(tm) =	ssettm $0x1  }
0x91: {  	s17 =	sld [smem:$0x3FFB];
	_ =	sdelay $0x3  }
0x92: {  	_ =	strace s17  }
0x93: {  	s2 =	sld [smem:$0x3FFC];
	_ =	sdelay $0x3  }
0x94: {  	_ =	strace s2  }
0x95: {  	s2 =	sld [smem:$0x3FFD];
	_ =	sdelay $0x3  }
0x96: {  	_ =	strace s2  }
0x97: {  	_ =	strace $0x8FFFFFFF  }
0x98: {  	s18 =	sld [smem:$0x3FDB];
	_ =	sdelay $0x1  }
0x99: {  	s19 =	simm.s32 $_scs_section_size  }
0x9a: {  	s4 =	simm.s32 $_size__tile_overlayer_lowered;
	s5 =	simm.s32 $_tile_overlayer_lowered  }
0x9b: {  	s22 =	simm.s32 $0x1BFF;
	s21 =	sshll.u32 s5, $0x1;
	s2 =	sadd.s32 s19, s18  }
0x9c: {  	s6 =	simm.s32 $0x0;
	s20 =	sshll.u32 s4, $0x1;
	s4 =	sadd.s32 s21, s2  }
0x9d: {  	[timem:s6], [sflag:s22] =	dma.local [hbm:s4], s20  }
0x9e: {  	_ =	swait.ge [sflag:s22], s20  }
0x9f: {  	s3 =	ssub.s32 $0x0, s20;
	[sflag:s22] =	ssyncset.done $0x0  }
0xa0: {  	[sflag:s22] =	ssyncadd.s32 s3;
	_ =	sdelay $0x1  }
0xa1: {  	s23 =	simm.s32 $0x1B8B  }
0xa2: {  	_ =	swait.ge [sflag:s23], $0x1  }
0xa3: {  	[sflag:s23] =	ssyncset.done $0x0  }
0xa4: {  	s25 =	simm.s32 $0x1B8E;
	s24 =	sld [smem:$0x3FFE];
	[sflag:s23] =	ssyncadd.s32 $0xFFFFFFFF  }
0xa5: {  	s26 =	simm.s32 $execute0_lowered;
	[smem:$0x3FD2] =	sst s25  }
0xa6: {  	s4 =	sshll.u32 s26, $0x1;
	_ =	strace $0x80000046;
	[dreg:$0x1] =	wrdreg $0xFFFFFFFF  }
0xa7: {  	s28 =	simm.s32 $_size_execute0_lowered;
	s2 =	sadd.s32 s2, s4;
	[dreg:$0x0] =	wrdreg $0x0  }
0xa8: {  	s4 =	sshll.u32 s28, $0x1;
	[dreg:$0x2] =	wrdreg s2  }
0xa9: {  	[dreg:$0x3] =	wrdreg s4  }
0xaa: {  	[dreg:$0x4] =	wrdreg $0xC0  }
0xab: {  	_ =	task [dreg:s6], $0x5FFFF  }
0xac: {  	[dreg:$0x1] =	wrdreg $0xFFFFFFFF  }
0xad: {  	[dreg:$0x0] =	wrdreg $0x60  }
0xae: {  	[dreg:$0x2] =	wrdreg s24  }
0xaf: {  	[dreg:$0x3] =	wrdreg $0xA8000  }
0xb0: {  	[dreg:$0x4] =	wrdreg $0x9  }
0xb1: {  	_ =	task.clear_ibuf [dreg:s6], $0x5FFFF;
	_ =	strace $0x90000046  }
0xb2: {  	s29 =	simm.s32 $0x9;
	_ =	strace $0x80000048  }
0xb3: {  	_ =	swait.ge [sflag:s29], $0x1  }
0xb4: {  	[sflag:s29] =	ssyncadd.s32 $0xFFFFFFFF  }
0xb5: {  	_ =	strace $0x90000048  }
0xb6: {  	_ =	sfence  }
0xb7: {  	s30 =	sld [smem:$0x0];
	_ =	sdelay $0x2  }
0xb8: {  	s31 =	sshll.u32 s1, $0xD;
	s1 =	sshrl.u32 s1, $0x2  }
0xb9: {  	s3 =	sand.u32 $0x4000, s31;
	s1 =	sadd.s32 s1, s30  }
0xba: {  	s0 =	sor.u32 s3, s0;
	s1 =	sshll.u32 s1, $0x11  }
0xbb: {  	s0 =	sor.u32 s1, s0  }
0xbc: {  	s0 =	sadd.s32 $0x8F2B, s0  }
0xbd: {  	[sflag:s0] =	ssyncadd.remote.s32 $0x1  }
0xbe: {  	_ =	sfence.sel $0xFFFF  }
0xbf: {  	[dreg:$0x0] =	wrdreg $0xFFFFFFFF;
	(pc) =	sbr.abs _section_cstart, $3  }
0xc0: {  	[dreg:$0x1] =	wrdreg $0xFFFFFFFF  }
0xc1: {  	_ =	task.clear_ibuf [dreg:s6], $0x2FFFF;
	_ =	strace $0x9FFFFFFF  }
0xc2: {  	(tm) =	ssettm $0x7FFFFFFF  }
0xc3: {  	_ =	shalt  }
tec
execute0_lowered:
.L_overlay_start_1:
0x0: {  	(tag) =	ssettag $0x1  }
0x1: {  	s6 =	rddreg [dreg:$0x0]  }
0x2: {  	s1 =	rddreg [dreg:$0x1]  }
0x3: {  	s2 =	srdreg.scid;
	s3 =	simm.s32 $0x0;
	s0 =	stileid.u32  }
0x4: {  	s18 =	simm.s32 $0x3;
	s19 =	simm.s32 $0x1400;
	s20 =	simm.s32 $0x80  }
0x5: {  	s21 =	simm.s32 $0x6800;
	s22 =	simm.s32 $0x1;
	s23 =	simm.s32 $0x2  }
0x6: {  	s24 =	simm.s32 $0x1380;
	s25 =	simm.s32 $0x2700;
	s26 =	simm.s32 $0x2780  }
0x7: {  	s28 =	simm.s32 $0x0;
	s7 =	sand.u32 $0x1, s2;
	s8 =	smul.u32 $0x14000, s0  }
0x8: {  	[smem:$0x7FF] =	sst s3;
	s4 =	sadd.s32 $0x3E00, s6;
	s9 =	smul.u32 $0x50000, s0  }
0x9: {  	s13 =	sadd.s32 $0x35E00, s6;
	s14 =	sadd.s32 $0x2BE00, s6;
	s5 =	smul.u32 $0x140000, s7  }
0xa: {  	_ =	strace $0x80000047;
	s29 =	ssub.s32 $0x2, s7;
	s7 =	sshll.u32 s7, $0x4  }
0xb: {  	s30 =	sshrl.u32 s29, $0x1;
	s10 =	sor.u32 s0, s7;
	s31 =	sshrl.u32 s9, $0x2  }
0xc: {  	s8 =	sadd.s32 s8, s5;
	s5 =	sadd.s32 $0x3FE00, s6;
	s11 =	smul.u32 $0x2800, s10  }
0xd: {  	s16 =	ssub.s32 s29, s30;
	s12 =	smul.u32 $0x500, s10;
	s8 =	sshrl.u32 s8, $0x3  }
0xe: {  	s16 =	smax.u32 s16, $0x1;
	s15 =	sadd.s32 s8, s6;
	s6 =	sadd.s32 s31, s1  }
0xf: {  	s17 =	sshrl.u32 s11, $0x3;
	s11 =	sadd.s32 s13, s12;
	s12 =	sadd.s32 s14, s12  }
0x10: {  	s7 =	sadd.s32 $0x4000, s6;
	s8 =	sadd.s32 $0x8000, s6;
	s9 =	sadd.s32 $0xC000, s6  }
0x11: {  	s10 =	sadd.s32 $0x10000, s6;
	s17 =	sadd.s32 $0x280, s17;
	s15 =	sadd.s32 $0x40600, s15  }
0x12: {  	s13 =	sadd.s32 s13, s17;
	s14 =	sadd.s32 s14, s17;
	s17 =	simm.s32 $0x2800  }
.LBB2_1:
0x13: {  	[tilespmem:s17], [sflag:$0x3] =	stream.linear.gather [hbm4b:s5+s3], $0x4000, $0x38;
	[tilespmem:$0x1E800] =	vst v63  }
0x14: {  	_ =	swait.ge [sflag:s18], $0x4000  }
0x15: {  	[sflag:s18] =	ssyncset.done $0x0  }
0x16: {  	[sflag:s18] =	ssyncadd.s32 $0xFFFFC000  }
0x17: {  	[spmem:s6] =	stream.linear.scatter [tilespmem:s17], [sflag:$0x3], $0x4000, $0x38;
	[tilespmem:$0x1E800] =	vst v63  }
0x18: {  	_ =	swait.ge [sflag:s18], $0x4000  }
0x19: {  	[sflag:s18] =	ssyncset.done $0x0  }
0x1a: {  	[sflag:s18] =	ssyncadd.s32 $0xFFFFC000  }
0x1b: {  	[spmem:s7] =	stream.linear.scatter [tilespmem:s17], [sflag:$0x3], $0x4000, $0x38;
	[tilespmem:$0x1E800] =	vst v63  }
0x1c: {  	_ =	swait.ge [sflag:s18], $0x4000  }
0x1d: {  	[sflag:s18] =	ssyncset.done $0x0  }
0x1e: {  	[sflag:s18] =	ssyncadd.s32 $0xFFFFC000  }
0x1f: {  	[spmem:s8] =	stream.linear.scatter [tilespmem:s17], [sflag:$0x3], $0x4000, $0x38;
	[tilespmem:$0x1E800] =	vst v63  }
0x20: {  	_ =	swait.ge [sflag:s18], $0x4000  }
0x21: {  	[sflag:s18] =	ssyncset.done $0x0  }
0x22: {  	[sflag:s18] =	ssyncadd.s32 $0xFFFFC000  }
0x23: {  	[spmem:s9] =	stream.linear.scatter [tilespmem:s17], [sflag:$0x3], $0x4000, $0x38;
	[tilespmem:$0x1E800] =	vst v63  }
0x24: {  	_ =	swait.ge [sflag:s18], $0x4000  }
0x25: {  	[sflag:s18] =	ssyncset.done $0x0  }
0x26: {  	[sflag:s18] =	ssyncadd.s32 $0xFFFFC000  }
0x27: {  	[spmem:s10] =	stream.linear.scatter [tilespmem:s17], [sflag:$0x3], $0x4000, $0x38;
	[tilespmem:$0x1E800] =	vst v63  }
0x28: {  	_ =	swait.ge [sflag:s18], $0x4000  }
0x29: {  	[sflag:s18] =	ssyncset.done $0x0  }
0x2a: {  	[sflag:s18] =	ssyncadd.s32 $0xFFFFC000  }
0x2b: {  	[bflag:$0x0] =	sbarrier.arrive $0xFFFF  }
0x2c: {  	[tilespmem:s3], [sflag:$0x3] =	stream.linear.gather [hbm4b:s11+s3], $0x1400, $0x38;
	[tilespmem:$0x1E800] =	vst v63  }
0x2d: {  	_ =	swait.ge [sflag:s18], $0x1400  }
0x2e: {  	[sflag:s18] =	ssyncset.done $0x0  }
0x2f: {  	[sflag:s18] =	ssyncadd.s32 $0xFFFFEC00  }
0x30: {  	[tilespmem:s19], [sflag:$0x3] =	stream.linear.gather [hbm4b:s12+s3], $0x1400, $0x38;
	[tilespmem:$0x1E800] =	vst v63  }
0x31: {  	_ =	swait.ge [sflag:s18], $0x1400  }
0x32: {  	[sflag:s18] =	ssyncset.done $0x0  }
0x33: {  	[sflag:s18] =	ssyncadd.s32 $0xFFFFEC00  }
0x34: {  	[tilespmem:s17], [sflag:$0x1] =	stream.indirect.gather [hbm4b:s4+s20], $0x80, s3, s20, $0xb8;
	[tilespmem:$0x1E800] =	vst v63  }
0x35: {  	s29 =	simm.s32 $0x80  }
0x36: {  	[tilespmem:s21], [sflag:$0x2] =	stream.indirect.gather [hbm4b:s4+s20], $0x80, s29, s20, $0xb8;
	[tilespmem:$0x1E800] =	vst v63  }
0x37: {  	_ =	swait.ge [sflag:s22], $0x4000  }
0x38: {  	[sflag:s22] =	ssyncset.done $0x0  }
0x39: {  	s29 =	simm.s32 $0x1400;
	[sflag:s22] =	ssyncadd.s32 $0xFFFFC000  }
0x3a: {  	[spmem:s1] =	stream.indirect.scatter.add.f32 [tilespmem:s17], [sflag:$0x3], $0x80, s29, s20, $0xb8;
	[tilespmem:$0x1E800] =	vst v63  }
0x3b: {  	_ =	swait.ge [sflag:s18], $0x4000  }
0x3c: {  	[sflag:s18] =	ssyncset.done $0x0  }
0x3d: {  	s29 =	simm.s32 $0x100;
	[sflag:s18] =	ssyncadd.s32 $0xFFFFC000  }
0x3e: {  	[tilespmem:s17], [sflag:$0x1] =	stream.indirect.gather [hbm4b:s4+s20], $0x80, s29, s20, $0xb8;
	[tilespmem:$0x1E800] =	vst v63  }
0x3f: {  	_ =	swait.ge [sflag:s23], $0x4000  }
0x40: {  	[sflag:s23] =	ssyncset.done $0x0  }
0x41: {  	s29 =	simm.s32 $0x1480;
	[sflag:s23] =	ssyncadd.s32 $0xFFFFC000  }
0x42: {  	[spmem:s1] =	stream.indirect.scatter.add.f32 [tilespmem:s21], [sflag:$0x3], $0x80, s29, s20, $0xb8;
	[tilespmem:$0x1E800] =	vst v63  }
0x43: {  	_ =	swait.ge [sflag:s18], $0x4000  }
0x44: {  	s30 =	simm.s32 $0x800;
	s29 =	simm.s32 $0x100;
	[sflag:s18] =	ssyncset.done $0x0  }
.LBB2_2:
0x45: {  	s31 =	sadd.s32 $0x80, s29  }
0x46: {  	[sflag:s18] =	ssyncadd.s32 $0xFFFFC000;
	s0 =	smov.u32 s30;
	s2 =	sadd.s32 $0x400, s30  }
0x47: {  	[tilespmem:s21], [sflag:$0x2] =	stream.indirect.gather [hbm4b:s4+s20], $0x80, s31, s20, $0xb8;
	[tilespmem:$0x1E800] =	vst v63  }
0x48: {  	p0 =	sne.s32 s30, $0x4800;
	_ =	swait.ge [sflag:s22], $0x4000  }
0x49: {  	[sflag:s22] =	ssyncset.done $0x0  }
0x4a: {  	s30 =	sadd.s32 $0x1400, s29;
	[sflag:s22] =	ssyncadd.s32 $0xFFFFC000  }
0x4b: {  	[spmem:s1] =	stream.indirect.scatter.add.f32 [tilespmem:s17], [sflag:$0x3], $0x80, s30, s20, $0xb8;
	[tilespmem:$0x1E800] =	vst v63  }
0x4c: {  	_ =	swait.ge [sflag:s18], $0x4000  }
0x4d: {  	[sflag:s18] =	ssyncset.done $0x0  }
0x4e: {  	s30 =	sadd.s32 $0x100, s29;
	[sflag:s18] =	ssyncadd.s32 $0xFFFFC000  }
0x4f: {  	[tilespmem:s17], [sflag:$0x1] =	stream.indirect.gather [hbm4b:s4+s20], $0x80, s30, s20, $0xb8;
	[tilespmem:$0x1E800] =	vst v63  }
0x50: {  	_ =	swait.ge [sflag:s23], $0x4000  }
.Ltmp0:
0x51: {  	[sflag:s23] =	ssyncset.done $0x0;
	(pc) =	sbr.rel @p0 .LBB2_2-.Ltmp0, $4  }
0x52: {  	s29 =	sadd.s32 $0x1480, s29;
	[sflag:s23] =	ssyncadd.s32 $0xFFFFC000  }
0x53: {  	[spmem:s1] =	stream.indirect.scatter.add.f32 [tilespmem:s21], [sflag:$0x3], $0x80, s29, s20, $0xb8;
	[tilespmem:$0x1E800] =	vst v63  }
0x54: {  	_ =	swait.ge [sflag:s18], $0x4000  }
0x55: {  	s30 =	smov.u32 s2;
	s29 =	sshra.s32 s0, $0x2;
	[sflag:s18] =	ssyncset.done $0x0  }
0x56: {  	s0 =	sadd.s32 $0x80, s29;
	[sflag:s18] =	ssyncadd.s32 $0xFFFFC000  }
0x57: {  	[tilespmem:s21], [sflag:$0x2] =	stream.indirect.gather [hbm4b:s4+s20], $0x80, s0, s20, $0xb8;
	[tilespmem:$0x1E800] =	vst v63  }
0x58: {  	_ =	swait.ge [sflag:s22], $0x4000  }
0x59: {  	[sflag:s22] =	ssyncset.done $0x0  }
0x5a: {  	s2 =	sadd.s32 $0x1400, s29;
	[sflag:s22] =	ssyncadd.s32 $0xFFFFC000  }
0x5b: {  	[spmem:s1] =	stream.indirect.scatter.add.f32 [tilespmem:s17], [sflag:$0x3], $0x80, s2, s20, $0xb8;
	[tilespmem:$0x1E800] =	vst v63  }
0x5c: {  	_ =	swait.ge [sflag:s18], $0x4000  }
0x5d: {  	[sflag:s18] =	ssyncset.done $0x0  }
0x5e: {  	s31 =	sadd.s32 $0x100, s29;
	[sflag:s18] =	ssyncadd.s32 $0xFFFFC000  }
0x5f: {  	[tilespmem:s17], [sflag:$0x1] =	stream.indirect.gather [hbm4b:s4+s20], $0x80, s31, s20, $0xb8;
	[tilespmem:$0x1E800] =	vst v63  }
0x60: {  	_ =	swait.ge [sflag:s23], $0x4000  }
0x61: {  	[sflag:s23] =	ssyncset.done $0x0  }
0x62: {  	s2 =	sadd.s32 $0x1480, s29;
	[sflag:s23] =	ssyncadd.s32 $0xFFFFC000  }
0x63: {  	[spmem:s1] =	stream.indirect.scatter.add.f32 [tilespmem:s21], [sflag:$0x3], $0x80, s2, s20, $0xb8;
	[tilespmem:$0x1E800] =	vst v63  }
0x64: {  	_ =	swait.ge [sflag:s18], $0x4000  }
0x65: {  	[sflag:s18] =	ssyncset.done $0x0  }
0x66: {  	[sflag:s18] =	ssyncadd.s32 $0xFFFFC000  }
0x67: {  	[tilespmem:s21], [sflag:$0x2] =	stream.indirect.gather [hbm4b:s4+s20], $0x80, s24, s20, $0xb8;
	[tilespmem:$0x1E800] =	vst v63  }
0x68: {  	_ =	swait.ge [sflag:s22], $0x4000  }
0x69: {  	[sflag:s22] =	ssyncset.done $0x0  }
0x6a: {  	[sflag:s22] =	ssyncadd.s32 $0xFFFFC000  }
0x6b: {  	[spmem:s1] =	stream.indirect.scatter.add.f32 [tilespmem:s17], [sflag:$0x3], $0x80, s25, s20, $0xb8;
	[tilespmem:$0x1E800] =	vst v63  }
0x6c: {  	_ =	swait.ge [sflag:s18], $0x4000  }
0x6d: {  	[sflag:s18] =	ssyncset.done $0x0  }
0x6e: {  	[sflag:s18] =	ssyncadd.s32 $0xFFFFC000  }
0x6f: {  	_ =	swait.ge [sflag:s23], $0x4000  }
0x70: {  	[sflag:s23] =	ssyncset.done $0x0  }
0x71: {  	[sflag:s23] =	ssyncadd.s32 $0xFFFFC000  }
0x72: {  	[spmem:s1] =	stream.indirect.scatter.add.f32 [tilespmem:s21], [sflag:$0x3], $0x80, s26, s20, $0xb8;
	[tilespmem:$0x1E800] =	vst v63  }
0x73: {  	_ =	swait.ge [sflag:s18], $0x4000  }
0x74: {  	[sflag:s18] =	ssyncset.done $0x0  }
0x75: {  	s31 =	simm.s32 $0x0;
	[sflag:s18] =	ssyncadd.s32 $0xFFFFC000  }
0x76: {  	[tilespmem:s31], [sflag:$0x3] =	stream.linear.gather [hbm4b:s13+s31], $0x1400, $0x38;
	[tilespmem:$0x1E800] =	vst v63  }
0x77: {  	_ =	swait.ge [sflag:s18], $0x1400  }
0x78: {  	[sflag:s18] =	ssyncset.done $0x0  }
0x79: {  	[sflag:s18] =	ssyncadd.s32 $0xFFFFEC00  }
0x7a: {  	[tilespmem:s19], [sflag:$0x3] =	stream.linear.gather [hbm4b:s14+s31], $0x1400, $0x38;
	[tilespmem:$0x1E800] =	vst v63  }
0x7b: {  	_ =	swait.ge [sflag:s18], $0x1400  }
0x7c: {  	[sflag:s18] =	ssyncset.done $0x0  }
0x7d: {  	[sflag:s18] =	ssyncadd.s32 $0xFFFFEC00  }
0x7e: {  	[tilespmem:s17], [sflag:$0x1] =	stream.indirect.gather [hbm4b:s4+s20], $0x80, s31, s20, $0xb8;
	[tilespmem:$0x1E800] =	vst v63  }
0x7f: {  	s2 =	simm.s32 $0x80  }
0x80: {  	[tilespmem:s21], [sflag:$0x2] =	stream.indirect.gather [hbm4b:s4+s20], $0x80, s2, s20, $0xb8;
	[tilespmem:$0x1E800] =	vst v63  }
0x81: {  	_ =	swait.ge [sflag:s22], $0x4000  }
0x82: {  	[sflag:s22] =	ssyncset.done $0x0  }
0x83: {  	s31 =	simm.s32 $0x1400;
	[sflag:s22] =	ssyncadd.s32 $0xFFFFC000  }
0x84: {  	[spmem:s1] =	stream.indirect.scatter.add.f32 [tilespmem:s17], [sflag:$0x3], $0x80, s31, s20, $0xb8;
	[tilespmem:$0x1E800] =	vst v63  }
0x85: {  	_ =	swait.ge [sflag:s18], $0x4000  }
0x86: {  	[sflag:s18] =	ssyncset.done $0x0  }
0x87: {  	s2 =	simm.s32 $0x100;
	[sflag:s18] =	ssyncadd.s32 $0xFFFFC000  }
0x88: {  	[tilespmem:s17], [sflag:$0x1] =	stream.indirect.gather [hbm4b:s4+s20], $0x80, s2, s20, $0xb8;
	[tilespmem:$0x1E800] =	vst v63  }
0x89: {  	_ =	swait.ge [sflag:s23], $0x4000  }
0x8a: {  	[sflag:s23] =	ssyncset.done $0x0  }
0x8b: {  	s31 =	simm.s32 $0x1480;
	[sflag:s23] =	ssyncadd.s32 $0xFFFFC000  }
0x8c: {  	[spmem:s1] =	stream.indirect.scatter.add.f32 [tilespmem:s21], [sflag:$0x3], $0x80, s31, s20, $0xb8;
	[tilespmem:$0x1E800] =	vst v63  }
0x8d: {  	_ =	swait.ge [sflag:s18], $0x4000  }
0x8e: {  	s30 =	simm.s32 $0x800;
	s29 =	simm.s32 $0x100;
	[sflag:s18] =	ssyncset.done $0x0  }
.LBB2_4:
0x8f: {  	s0 =	sadd.s32 $0x80, s29  }
0x90: {  	[sflag:s18] =	ssyncadd.s32 $0xFFFFC000;
	s2 =	smov.u32 s30;
	s31 =	sadd.s32 $0x400, s30  }
0x91: {  	[tilespmem:s21], [sflag:$0x2] =	stream.indirect.gather [hbm4b:s4+s20], $0x80, s0, s20, $0xb8;
	[tilespmem:$0x1E800] =	vst v63  }
0x92: {  	p0 =	sne.s32 s30, $0x4800;
	_ =	swait.ge [sflag:s22], $0x4000  }
0x93: {  	[sflag:s22] =	ssyncset.done $0x0  }
0x94: {  	s0 =	sadd.s32 $0x1400, s29;
	[sflag:s22] =	ssyncadd.s32 $0xFFFFC000  }
0x95: {  	[spmem:s1] =	stream.indirect.scatter.add.f32 [tilespmem:s17], [sflag:$0x3], $0x80, s0, s20, $0xb8;
	[tilespmem:$0x1E800] =	vst v63  }
0x96: {  	_ =	swait.ge [sflag:s18], $0x4000  }
0x97: {  	[sflag:s18] =	ssyncset.done $0x0  }
0x98: {  	s0 =	sadd.s32 $0x100, s29;
	[sflag:s18] =	ssyncadd.s32 $0xFFFFC000  }
0x99: {  	[tilespmem:s17], [sflag:$0x1] =	stream.indirect.gather [hbm4b:s4+s20], $0x80, s0, s20, $0xb8;
	[tilespmem:$0x1E800] =	vst v63  }
0x9a: {  	_ =	swait.ge [sflag:s23], $0x4000  }
.Ltmp1:
0x9b: {  	[sflag:s23] =	ssyncset.done $0x0;
	(pc) =	sbr.rel @p0 .LBB2_4-.Ltmp1, $4  }
0x9c: {  	s0 =	sadd.s32 $0x1480, s29;
	[sflag:s23] =	ssyncadd.s32 $0xFFFFC000  }
0x9d: {  	[spmem:s1] =	stream.indirect.scatter.add.f32 [tilespmem:s21], [sflag:$0x3], $0x80, s0, s20, $0xb8;
	[tilespmem:$0x1E800] =	vst v63  }
0x9e: {  	_ =	swait.ge [sflag:s18], $0x4000  }
0x9f: {  	s30 =	smov.u32 s31;
	s29 =	sshra.s32 s2, $0x2;
	[sflag:s18] =	ssyncset.done $0x0  }
0xa0: {  	s0 =	sadd.s32 $0x80, s29;
	[sflag:s18] =	ssyncadd.s32 $0xFFFFC000  }
0xa1: {  	[tilespmem:s21], [sflag:$0x2] =	stream.indirect.gather [hbm4b:s4+s20], $0x80, s0, s20, $0xb8;
	[tilespmem:$0x1E800] =	vst v63  }
0xa2: {  	_ =	swait.ge [sflag:s22], $0x4000  }
0xa3: {  	[sflag:s22] =	ssyncset.done $0x0  }
0xa4: {  	s31 =	sadd.s32 $0x1400, s29;
	[sflag:s22] =	ssyncadd.s32 $0xFFFFC000  }
0xa5: {  	[spmem:s1] =	stream.indirect.scatter.add.f32 [tilespmem:s17], [sflag:$0x3], $0x80, s31, s20, $0xb8;
	[tilespmem:$0x1E800] =	vst v63  }
0xa6: {  	_ =	swait.ge [sflag:s18], $0x4000  }
0xa7: {  	[sflag:s18] =	ssyncset.done $0x0  }
0xa8: {  	s2 =	sadd.s32 $0x100, s29;
	[sflag:s18] =	ssyncadd.s32 $0xFFFFC000  }
0xa9: {  	[tilespmem:s17], [sflag:$0x1] =	stream.indirect.gather [hbm4b:s4+s20], $0x80, s2, s20, $0xb8;
	[tilespmem:$0x1E800] =	vst v63  }
0xaa: {  	_ =	swait.ge [sflag:s23], $0x4000  }
0xab: {  	[sflag:s23] =	ssyncset.done $0x0  }
0xac: {  	s30 =	sadd.s32 $0x1480, s29;
	[sflag:s23] =	ssyncadd.s32 $0xFFFFC000  }
0xad: {  	[spmem:s1] =	stream.indirect.scatter.add.f32 [tilespmem:s21], [sflag:$0x3], $0x80, s30, s20, $0xb8;
	[tilespmem:$0x1E800] =	vst v63  }
0xae: {  	_ =	swait.ge [sflag:s18], $0x4000  }
0xaf: {  	[sflag:s18] =	ssyncset.done $0x0  }
0xb0: {  	[sflag:s18] =	ssyncadd.s32 $0xFFFFC000  }
0xb1: {  	[tilespmem:s21], [sflag:$0x2] =	stream.indirect.gather [hbm4b:s4+s20], $0x80, s24, s20, $0xb8;
	[tilespmem:$0x1E800] =	vst v63  }
0xb2: {  	_ =	swait.ge [sflag:s22], $0x4000  }
0xb3: {  	[sflag:s22] =	ssyncset.done $0x0  }
0xb4: {  	[sflag:s22] =	ssyncadd.s32 $0xFFFFC000  }
0xb5: {  	[spmem:s1] =	stream.indirect.scatter.add.f32 [tilespmem:s17], [sflag:$0x3], $0x80, s25, s20, $0xb8;
	[tilespmem:$0x1E800] =	vst v63  }
0xb6: {  	_ =	swait.ge [sflag:s18], $0x4000  }
0xb7: {  	[sflag:s18] =	ssyncset.done $0x0  }
0xb8: {  	[sflag:s18] =	ssyncadd.s32 $0xFFFFC000  }
0xb9: {  	_ =	swait.ge [sflag:s23], $0x4000  }
0xba: {  	[sflag:s23] =	ssyncset.done $0x0  }
0xbb: {  	[sflag:s23] =	ssyncadd.s32 $0xFFFFC000  }
0xbc: {  	[spmem:s1] =	stream.indirect.scatter.add.f32 [tilespmem:s21], [sflag:$0x3], $0x80, s26, s20, $0xb8;
	[tilespmem:$0x1E800] =	vst v63  }
0xbd: {  	s31 =	stileid.u32;
	_ =	swait.ge [sflag:s18], $0x4000  }
0xbe: {  	s28 =	sadd.s32 $0x1, s28;
	s0 =	sshll.u32 s31, $0x6;
	[sflag:s18] =	ssyncset.done $0x0  }
0xbf: {  	p0 =	sne.s32 s28, s16;
	s0 =	sor.u32 $0x1C03, s0;
	[sflag:s18] =	ssyncadd.s32 $0xFFFFC000  }
.Ltmp2:
0xc0: {  	s2 =	sshrl.u32 s6, $0x3;
	[bflag:$0x0] =	sbarrier.arrive $0xFFFF;
	(pc) =	sbr.rel @p0 .LBB2_1-.Ltmp2, $4  }
0xc1: {  	[hbm:s15], [sflag:s0] =	dma.local [spmem:s2], $0x2800  }
0xc2: {  	_ =	swait.ge [sflag:s18], $0x2800  }
0xc3: {  	[sflag:s18] =	ssyncset.done $0x0  }
0xc4: {  	[sflag:s18] =	ssyncadd.s32 $0xFFFFD800  }
0xc5: {  	_ =	sfence.sel $0x180000  }
0xc6: {  	[bflag:$0x0] =	sbarrier.arrive $0xFFFF  }
0xc7: {  	_ =	strace $0x90000047  }
0xc8: {  	s0 =	stileid.u32;
	[bflag:$0x2] =	sbarrier.arrive $0xFFFF  }
0xc9: {  	p0 =	sne.s32 s0, $0x0;
	s0 =	rddreg [dreg:$0x2]  }
0xca: {  	s0 =	sadd.s32 @!p0 $0x100000, s0  }
0xcb: {  	[sflag:s0] =	ssyncadd.tile.s32 @!p0 $0x1;
	_ =	shalt  }
.Lfunc_end2:
_tile_overlayer_lowered:
.L_overlay_start_2:
0xcc: {  	(tag) =	ssettag $0x2  }
0xcd: {  	s0 =	rddreg [dreg:$0x0];
	s2 =	stileid.u32  }
0xce: {  	s1 =	rddreg [dreg:$0x1];
	p0 =	sne.s32 s2, $0x0  }
0xcf: {  	s3 =	rddreg [dreg:$0x2];
	[bflag:$0x3] =	sbarrier.arrive $0xFFFF;
	s2 =	simm.s32 @!p0 $0x1C03  }
0xd0: {  	[timem:s3], [sflag:s2] =	dma.local @!p0 [hbm:s0], s1  }
0xd1: {  	s0 =	simm.s32 @!p0 $0x3  }
0xd2: {  	_ =	swait.ge @!p0 [sflag:s0], s1  }
0xd3: {  	s1 =	ssub.s32 @!p0 $0x0, s1;
	[sflag:s0] =	ssyncset.done @!p0 $0x0  }
0xd4: {  	[sflag:s0] =	ssyncadd.s32 @!p0 s1  }
0xd5: {  	[bflag:$0x3] =	sbarrier.arrive $0xFFFF  }
0xd6: {  	_ =	shalt  }

// kernel: kernel.14.cloned.1.call-start
scs
__scs_entry_jumppad:
0x0: {  	(pc) =	sbr.rel $0x88, $3  }
0x1: {  	(tag) =	ssettag $0x0;
	lr =	simm.s32 $0x1  }
0x2: {  	[smem:$0x3F94] =	sst lr;
	_ =	strace $0xD0000000  }
0x3: {  	_ = 	snop  }
0x4: {  	_ = 	snop  }
0x5: {  	_ = 	snop  }
0x6: {  	_ = 	snop  }
0x7: {  	_ = 	snop  }
__scs_overlays_trampoline_lowered:
0x8: {  	[smem:$0x3FA3] =	sst s0  }
0x9: {  	[smem:$0x3FA4] =	sst s1  }
0xa: {  	[smem:$0x3FA5] =	sst s2  }
0xb: {  	[smem:$0x3FA6] =	sst s3  }
0xc: {  	[smem:$0x3FA7] =	sst s4  }
0xd: {  	[smem:$0x3FA8] =	sst s5  }
0xe: {  	[smem:$0x3FA9] =	sst s6  }
0xf: {  	[smem:$0x3FAA] =	sst s7  }
0x10: {  	[smem:$0x3FAB] =	sst s8  }
0x11: {  	[smem:$0x3FAC] =	sst s9;
	s0 =	simm.s32 @!p0 $0x0  }
0x12: {  	s1 =	sld [smem:$0x3F92];
	s0 =	simm.s32 @p0 $0x1  }
0x13: {  	[smem:$0x3FAD] =	sst s0;
	s0 =	simm.s32 @!p1 $0x0  }
0x14: {  	s2 =	sld [smem:$0x3F91];
	s0 =	simm.s32 @p1 $0x1  }
0x15: {  	[smem:$0x3FAE] =	sst s0;
	s0 =	simm.s32 @!p2 $0x0  }
0x16: {  	s3 =	sld [smem:$0x3FDB];
	s0 =	simm.s32 @p2 $0x1  }
0x17: {  	s4 =	simm.s32 $0x1BF5;
	[smem:$0x3FB0] =	sst s0  }
0x18: {  	s0 =	sld [smem:$0x3F93];
	_ =	swait.ge [sflag:s4], $0x0  }
0x19: {  	s7 =	sld [smem:$0x3F94]  }
0x1a: {  	s8 =	sadd.s32 $0xFFFFE003, lr  }
0x1b: {  	s9 =	sadd.s32 $0xFFFFFEF7, lr;
	s5 =	simm.s32 $0xFFFFFFFF;
	p2 =	slt.u32 s8, $0xFFFFF086  }
0x1c: {  	p1 =	slt.u32 s9, $0xF7A;
	s5 =	simm.s32 @!p2 $0x0  }
0x1d: {  	s5 =	simm.s32 @p1 $0x1;
	p0 =	seq.s32 s7, s2  }
0x1e: {  	s7 =	smul.u32 @!p0 $0xF7A, s2;
	p2 =	seq.s32 @!p0 s5, $0x0  }
0x1f: {  	s9 =	smul.u32 $0xF7A, s1;
	s8 =	simm.s32 @!p0 $0x1BF5;
	p2 =	por !p2, p0  }
0x20: {  	[sflag:s8] =	ssyncset.s32 @!p0 $0xFFFFF086;
	s6 =	sadd.s32 @!p0 s3, s7;
	s7 =	simm.s32 @!p0 $0x108  }
0x21: {  	s3 =	sadd.s32 s3, s9;
	s6 =	sadd.s32 @!p0 $0x88, s6;
	s7 =	simm.s32 @p2 $0x1082  }
0x22: {  	[simem:s7], [sflag:s8] =	dma.local @!p0 [hbm:s6], $0xF7A  }
0x23: {  	s9 =	sor.u32 $0xD0000000, s2;
	s6 =	simm.s32 $0x108;
	_ =	swait.ge @!p0 [sflag:s8], $0x0  }
0x24: {  	s3 =	sadd.s32 $0x88, s3;
	s6 =	simm.s32 @!p1 $0x1082;
	[sflag:s4] =	ssyncset.s32 $0xFFFFF086  }
0x25: {  	[simem:s6], [sflag:s4] =	dma.local [hbm:s3], $0xF7A  }
0x26: {  	[smem:$0x3F94] =	sst s1;
	(tag) =	ssettag s2;
	_ =	strace s9  }
0x27: {  	s1 =	sld [smem:$0x3FA4]  }
0x28: {  	s2 =	sld [smem:$0x3FA5]  }
0x29: {  	s4 =	sld [smem:$0x3FA7]  }
0x2a: {  	p0 =	seq.s32 s5, $0x0;
	s5 =	sld [smem:$0x3FA8]  }
0x2b: {  	s6 =	sld [smem:$0x3FA9]  }
0x2c: {  	s7 =	sld [smem:$0x3FAA]  }
0x2d: {  	s3 =	simm.s32 $0x108;
	s8 =	sld [smem:$0x3FAB]  }
0x2e: {  	s3 =	simm.s32 @!p0 $0x1082;
	s9 =	sld [smem:$0x3FAC]  }
0x2f: {  	lr =	sadd.s32 s0, s3;
	s0 =	sld [smem:$0x3FA3]  }
0x30: {  	s3 =	sld [smem:$0x3FA6]  }
0x31: {  	[smem:$0x3FAF] =	sst s10  }
0x32: {  	s10 =	sld [smem:$0x3FAD];
	_ =	sdelay $0x3  }
0x33: {  	p0 =	seq.s32 s10, $0x1;
	s10 =	sld [smem:$0x3FAF];
	_ =	sdelay $0x3  }
0x34: {  	[smem:$0x3FAF] =	sst s10  }
0x35: {  	s10 =	sld [smem:$0x3FAE];
	_ =	sdelay $0x3  }
0x36: {  	p1 =	seq.s32 s10, $0x1;
	s10 =	sld [smem:$0x3FAF];
	_ =	sdelay $0x3  }
0x37: {  	[smem:$0x3FAF] =	sst s10  }
0x38: {  	s10 =	sld [smem:$0x3FB0]  }
0x39: {  	_ = 	snop;
	(pc) =	sbr.ind lr, $3  }
0x3a: {  	_ = 	snop  }
0x3b: {  	_ = 	snop  }
0x3c: {  	p2 =	seq.s32 s10, $0x1;
	s10 =	sld [smem:$0x3FAF]  }
0x3d: {  	_ =	shalt  }
0x3e: {  	_ =	shalt  }
0x3f: {  	_ =	shalt  }
0x40: {  	_ =	shalt  }
0x41: {  	_ =	shalt  }
0x42: {  	_ =	shalt  }
0x43: {  	_ =	shalt  }
0x44: {  	_ =	shalt  }
0x45: {  	_ =	shalt  }
0x46: {  	_ =	shalt  }
0x47: {  	_ =	shalt  }
0x48: {  	_ =	shalt  }
0x49: {  	_ =	shalt  }
0x4a: {  	_ =	shalt  }
0x4b: {  	_ =	shalt  }
0x4c: {  	_ =	shalt  }
0x4d: {  	_ =	shalt  }
0x4e: {  	_ =	shalt  }
0x4f: {  	_ =	shalt  }
0x50: {  	_ =	shalt  }
0x51: {  	_ =	shalt  }
0x52: {  	_ =	shalt  }
0x53: {  	_ =	shalt  }
0x54: {  	_ =	shalt  }
0x55: {  	_ =	shalt  }
0x56: {  	_ =	shalt  }
0x57: {  	_ =	shalt  }
0x58: {  	_ =	shalt  }
0x59: {  	_ =	shalt  }
0x5a: {  	_ =	shalt  }
0x5b: {  	_ =	shalt  }
0x5c: {  	_ =	shalt  }
0x5d: {  	_ =	shalt  }
0x5e: {  	_ =	shalt  }
0x5f: {  	_ =	shalt  }
0x60: {  	_ =	shalt  }
0x61: {  	_ =	shalt  }
0x62: {  	_ =	shalt  }
0x63: {  	_ =	shalt  }
0x64: {  	_ =	shalt  }
0x65: {  	_ =	shalt  }
0x66: {  	_ =	shalt  }
0x67: {  	_ =	shalt  }
0x68: {  	_ =	shalt  }
0x69: {  	_ =	shalt  }
0x6a: {  	_ =	shalt  }
0x6b: {  	_ =	shalt  }
0x6c: {  	_ =	shalt  }
0x6d: {  	_ =	shalt  }
0x6e: {  	_ =	shalt  }
0x6f: {  	_ =	shalt  }
0x70: {  	_ =	shalt  }
0x71: {  	_ =	shalt  }
0x72: {  	_ =	shalt  }
0x73: {  	_ =	shalt  }
0x74: {  	_ =	shalt  }
0x75: {  	_ =	shalt  }
0x76: {  	_ =	shalt  }
0x77: {  	_ =	shalt  }
0x78: {  	_ =	shalt  }
0x79: {  	_ =	shalt  }
0x7a: {  	_ =	shalt  }
0x7b: {  	_ =	shalt  }
0x7c: {  	_ =	shalt  }
0x7d: {  	_ =	shalt  }
0x7e: {  	_ =	shalt  }
0x7f: {  	_ =	shalt  }
0x80: {  	_ =	shalt  }
0x81: {  	_ =	shalt  }
0x82: {  	_ =	shalt  }
0x83: {  	_ =	shalt  }
0x84: {  	_ =	shalt  }
0x85: {  	_ =	shalt  }
0x86: {  	_ =	shalt  }
0x87: {  	_ =	shalt  }
.Lfunc_end0:
.L_simem_size_0:
called_computation.1_lowered:
.L_overlay_start_0:
0x88: {  	s2 =	sld [smem:$0x3FD9]  }
0x89: {  	s3 =	sld [smem:$0x3FFE];
	_ =	sdelay $0x1  }
0x8a: {  	s1 =	srdreg.scid  }
0x8b: {  	s0 =	sand.u32 $0x1, s1  }
0x8c: {  	s16 =	sshll.u32 s0, $0xA;
	s2 =	sadd.s32 s3, s2  }
0x8d: {  	s2 =	sadd.s32 s2, s16  }
0x8e: {  	[smem:$0x3FBB] =	sst s2  }
0x8f: {  	_ = 	snop  }
0x90: {  	(tm) =	ssettm $0x1  }
0x91: {  	s17 =	sld [smem:$0x3FFB];
	_ =	sdelay $0x3  }
0x92: {  	_ =	strace s17  }
0x93: {  	s2 =	sld [smem:$0x3FFC];
	_ =	sdelay $0x3  }
0x94: {  	_ =	strace s2  }
0x95: {  	s2 =	sld [smem:$0x3FFD];
	_ =	sdelay $0x3  }
0x96: {  	_ =	strace s2  }
0x97: {  	_ =	strace $0x8FFFFFFF  }
0x98: {  	s18 =	sld [smem:$0x3FDB];
	_ =	sdelay $0x1  }
0x99: {  	s19 =	simm.s32 $_scs_section_size  }
0x9a: {  	s4 =	simm.s32 $_size__tile_overlayer_lowered;
	s5 =	simm.s32 $_tile_overlayer_lowered  }
0x9b: {  	s22 =	simm.s32 $0x1BFF;
	s21 =	sshll.u32 s5, $0x1;
	s2 =	sadd.s32 s19, s18  }
0x9c: {  	s6 =	simm.s32 $0x0;
	s20 =	sshll.u32 s4, $0x1;
	s4 =	sadd.s32 s21, s2  }
0x9d: {  	[timem:s6], [sflag:s22] =	dma.local [hbm:s4], s20  }
0x9e: {  	_ =	swait.ge [sflag:s22], s20  }
0x9f: {  	s3 =	ssub.s32 $0x0, s20;
	[sflag:s22] =	ssyncset.done $0x0  }
0xa0: {  	[sflag:s22] =	ssyncadd.s32 s3;
	_ =	sdelay $0x1  }
0xa1: {  	s23 =	simm.s32 $0x1B8B  }
0xa2: {  	_ =	swait.ge [sflag:s23], $0x1  }
0xa3: {  	[sflag:s23] =	ssyncset.done $0x0  }
0xa4: {  	s25 =	simm.s32 $0x1B8E;
	s24 =	sld [smem:$0x3FFE];
	[sflag:s23] =	ssyncadd.s32 $0xFFFFFFFF  }
0xa5: {  	s26 =	simm.s32 $execute0_lowered;
	[smem:$0x3FD2] =	sst s25  }
0xa6: {  	s4 =	sshll.u32 s26, $0x1;
	_ =	strace $0x80000049;
	[dreg:$0x1] =	wrdreg $0xFFFFFFFF  }
0xa7: {  	s28 =	simm.s32 $_size_execute0_lowered;
	s2 =	sadd.s32 s2, s4;
	[dreg:$0x0] =	wrdreg $0x0  }
0xa8: {  	s4 =	sshll.u32 s28, $0x1;
	[dreg:$0x2] =	wrdreg s2  }
0xa9: {  	[dreg:$0x3] =	wrdreg s4  }
0xaa: {  	[dreg:$0x4] =	wrdreg $0xC0  }
0xab: {  	_ =	task [dreg:s6], $0x5FFFF  }
0xac: {  	[dreg:$0x1] =	wrdreg $0xFFFFFFFF  }
0xad: {  	[dreg:$0x0] =	wrdreg $0x60  }
0xae: {  	[dreg:$0x2] =	wrdreg s24  }
0xaf: {  	[dreg:$0x3] =	wrdreg $0xA8000  }
0xb0: {  	[dreg:$0x4] =	wrdreg $0x9  }
0xb1: {  	_ =	task.clear_ibuf [dreg:s6], $0x5FFFF;
	_ =	strace $0x90000049  }
0xb2: {  	s29 =	simm.s32 $0x9;
	_ =	strace $0x8000004B  }
0xb3: {  	_ =	swait.ge [sflag:s29], $0x1  }
0xb4: {  	[sflag:s29] =	ssyncadd.s32 $0xFFFFFFFF  }
0xb5: {  	_ =	strace $0x9000004B  }
0xb6: {  	_ =	sfence  }
0xb7: {  	s30 =	sld [smem:$0x0];
	_ =	sdelay $0x2  }
0xb8: {  	s31 =	sshll.u32 s1, $0xD;
	s1 =	sshrl.u32 s1, $0x2  }
0xb9: {  	s3 =	sand.u32 $0x4000, s31;
	s1 =	sadd.s32 s1, s30  }
0xba: {  	s0 =	sor.u32 s3, s0;
	s1 =	sshll.u32 s1, $0x11  }
0xbb: {  	s0 =	sor.u32 s1, s0  }
0xbc: {  	s0 =	sadd.s32 $0x8F2B, s0  }
0xbd: {  	[sflag:s0] =	ssyncadd.remote.s32 $0x1  }
0xbe: {  	_ =	sfence.sel $0xFFFF  }
0xbf: {  	[dreg:$0x0] =	wrdreg $0xFFFFFFFF;
	(pc) =	sbr.abs _section_cstart, $3  }
0xc0: {  	[dreg:$0x1] =	wrdreg $0xFFFFFFFF  }
0xc1: {  	_ =	task.clear_ibuf [dreg:s6], $0x2FFFF;
	_ =	strace $0x9FFFFFFF  }
0xc2: {  	(tm) =	ssettm $0x7FFFFFFF  }
0xc3: {  	_ =	shalt  }
tec
execute0_lowered:
.L_overlay_start_1:
0x0: {  	(tag) =	ssettag $0x1  }
0x1: {  	s6 =	rddreg [dreg:$0x0]  }
0x2: {  	s1 =	rddreg [dreg:$0x1]  }
0x3: {  	s2 =	srdreg.scid;
	s3 =	simm.s32 $0x0;
	s0 =	stileid.u32  }
0x4: {  	s18 =	simm.s32 $0x3;
	s19 =	simm.s32 $0x1400;
	s20 =	simm.s32 $0x80  }
0x5: {  	s21 =	simm.s32 $0x6800;
	s22 =	simm.s32 $0x1;
	s23 =	simm.s32 $0x2  }
0x6: {  	s24 =	simm.s32 $0x1380;
	s25 =	simm.s32 $0x2700;
	s26 =	simm.s32 $0x2780  }
0x7: {  	s28 =	simm.s32 $0x0;
	s7 =	sand.u32 $0x1, s2;
	s8 =	smul.u32 $0x14000, s0  }
0x8: {  	[smem:$0x7FF] =	sst s3;
	s4 =	sadd.s32 $0x3E00, s6;
	s9 =	smul.u32 $0x50000, s0  }
0x9: {  	s13 =	sadd.s32 $0x35E00, s6;
	s14 =	sadd.s32 $0x2BE00, s6;
	s5 =	smul.u32 $0x140000, s7  }
0xa: {  	_ =	strace $0x8000004A;
	s29 =	ssub.s32 $0x2, s7;
	s7 =	sshll.u32 s7, $0x4  }
0xb: {  	s30 =	sshrl.u32 s29, $0x1;
	s10 =	sor.u32 s0, s7;
	s31 =	sshrl.u32 s9, $0x2  }
0xc: {  	s8 =	sadd.s32 s8, s5;
	s5 =	sadd.s32 $0x3FE00, s6;
	s11 =	smul.u32 $0x2800, s10  }
0xd: {  	s16 =	ssub.s32 s29, s30;
	s12 =	smul.u32 $0x500, s10;
	s8 =	sshrl.u32 s8, $0x3  }
0xe: {  	s16 =	smax.u32 s16, $0x1;
	s15 =	sadd.s32 s8, s6;
	s6 =	sadd.s32 s31, s1  }
0xf: {  	s17 =	sshrl.u32 s11, $0x3;
	s11 =	sadd.s32 s13, s12;
	s12 =	sadd.s32 s14, s12  }
0x10: {  	s7 =	sadd.s32 $0x4000, s6;
	s8 =	sadd.s32 $0x8000, s6;
	s9 =	sadd.s32 $0xC000, s6  }
0x11: {  	s10 =	sadd.s32 $0x10000, s6;
	s17 =	sadd.s32 $0x280, s17;
	s15 =	sadd.s32 $0x40600, s15  }
0x12: {  	s13 =	sadd.s32 s13, s17;
	s14 =	sadd.s32 s14, s17;
	s17 =	simm.s32 $0x2800  }
.LBB2_1:
0x13: {  	[tilespmem:s17], [sflag:$0x3] =	stream.linear.gather [hbm4b:s5+s3], $0x4000, $0x38;
	[tilespmem:$0x1E800] =	vst v63  }
0x14: {  	_ =	swait.ge [sflag:s18], $0x4000  }
0x15: {  	[sflag:s18] =	ssyncset.done $0x0  }
0x16: {  	[sflag:s18] =	ssyncadd.s32 $0xFFFFC000  }
0x17: {  	[spmem:s6] =	stream.linear.scatter [tilespmem:s17], [sflag:$0x3], $0x4000, $0x38;
	[tilespmem:$0x1E800] =	vst v63  }
0x18: {  	_ =	swait.ge [sflag:s18], $0x4000  }
0x19: {  	[sflag:s18] =	ssyncset.done $0x0  }
0x1a: {  	[sflag:s18] =	ssyncadd.s32 $0xFFFFC000  }
0x1b: {  	[spmem:s7] =	stream.linear.scatter [tilespmem:s17], [sflag:$0x3], $0x4000, $0x38;
	[tilespmem:$0x1E800] =	vst v63  }
0x1c: {  	_ =	swait.ge [sflag:s18], $0x4000  }
0x1d: {  	[sflag:s18] =	ssyncset.done $0x0  }
0x1e: {  	[sflag:s18] =	ssyncadd.s32 $0xFFFFC000  }
0x1f: {  	[spmem:s8] =	stream.linear.scatter [tilespmem:s17], [sflag:$0x3], $0x4000, $0x38;
	[tilespmem:$0x1E800] =	vst v63  }
0x20: {  	_ =	swait.ge [sflag:s18], $0x4000  }
0x21: {  	[sflag:s18] =	ssyncset.done $0x0  }
0x22: {  	[sflag:s18] =	ssyncadd.s32 $0xFFFFC000  }
0x23: {  	[spmem:s9] =	stream.linear.scatter [tilespmem:s17], [sflag:$0x3], $0x4000, $0x38;
	[tilespmem:$0x1E800] =	vst v63  }
0x24: {  	_ =	swait.ge [sflag:s18], $0x4000  }
0x25: {  	[sflag:s18] =	ssyncset.done $0x0  }
0x26: {  	[sflag:s18] =	ssyncadd.s32 $0xFFFFC000  }
0x27: {  	[spmem:s10] =	stream.linear.scatter [tilespmem:s17], [sflag:$0x3], $0x4000, $0x38;
	[tilespmem:$0x1E800] =	vst v63  }
0x28: {  	_ =	swait.ge [sflag:s18], $0x4000  }
0x29: {  	[sflag:s18] =	ssyncset.done $0x0  }
0x2a: {  	[sflag:s18] =	ssyncadd.s32 $0xFFFFC000  }
0x2b: {  	[bflag:$0x0] =	sbarrier.arrive $0xFFFF  }
0x2c: {  	[tilespmem:s3], [sflag:$0x3] =	stream.linear.gather [hbm4b:s11+s3], $0x1400, $0x38;
	[tilespmem:$0x1E800] =	vst v63  }
0x2d: {  	_ =	swait.ge [sflag:s18], $0x1400  }
0x2e: {  	[sflag:s18] =	ssyncset.done $0x0  }
0x2f: {  	[sflag:s18] =	ssyncadd.s32 $0xFFFFEC00  }
0x30: {  	[tilespmem:s19], [sflag:$0x3] =	stream.linear.gather [hbm4b:s12+s3], $0x1400, $0x38;
	[tilespmem:$0x1E800] =	vst v63  }
0x31: {  	_ =	swait.ge [sflag:s18], $0x1400  }
0x32: {  	[sflag:s18] =	ssyncset.done $0x0  }
0x33: {  	[sflag:s18] =	ssyncadd.s32 $0xFFFFEC00  }
0x34: {  	[tilespmem:s17], [sflag:$0x1] =	stream.indirect.gather [hbm4b:s4+s20], $0x80, s3, s20, $0xb8;
	[tilespmem:$0x1E800] =	vst v63  }
0x35: {  	s29 =	simm.s32 $0x80  }
0x36: {  	[tilespmem:s21], [sflag:$0x2] =	stream.indirect.gather [hbm4b:s4+s20], $0x80, s29, s20, $0xb8;
	[tilespmem:$0x1E800] =	vst v63  }
0x37: {  	_ =	swait.ge [sflag:s22], $0x4000  }
0x38: {  	[sflag:s22] =	ssyncset.done $0x0  }
0x39: {  	s29 =	simm.s32 $0x1400;
	[sflag:s22] =	ssyncadd.s32 $0xFFFFC000  }
0x3a: {  	[spmem:s1] =	stream.indirect.scatter.add.f32 [tilespmem:s17], [sflag:$0x3], $0x80, s29, s20, $0xb8;
	[tilespmem:$0x1E800] =	vst v63  }
0x3b: {  	_ =	swait.ge [sflag:s18], $0x4000  }
0x3c: {  	[sflag:s18] =	ssyncset.done $0x0  }
0x3d: {  	s29 =	simm.s32 $0x100;
	[sflag:s18] =	ssyncadd.s32 $0xFFFFC000  }
0x3e: {  	[tilespmem:s17], [sflag:$0x1] =	stream.indirect.gather [hbm4b:s4+s20], $0x80, s29, s20, $0xb8;
	[tilespmem:$0x1E800] =	vst v63  }
0x3f: {  	_ =	swait.ge [sflag:s23], $0x4000  }
0x40: {  	[sflag:s23] =	ssyncset.done $0x0  }
0x41: {  	s29 =	simm.s32 $0x1480;
	[sflag:s23] =	ssyncadd.s32 $0xFFFFC000  }
0x42: {  	[spmem:s1] =	stream.indirect.scatter.add.f32 [tilespmem:s21], [sflag:$0x3], $0x80, s29, s20, $0xb8;
	[tilespmem:$0x1E800] =	vst v63  }
0x43: {  	_ =	swait.ge [sflag:s18], $0x4000  }
0x44: {  	s30 =	simm.s32 $0x800;
	s29 =	simm.s32 $0x100;
	[sflag:s18] =	ssyncset.done $0x0  }
.LBB2_2:
0x45: {  	s31 =	sadd.s32 $0x80, s29  }
0x46: {  	[sflag:s18] =	ssyncadd.s32 $0xFFFFC000;
	s0 =	smov.u32 s30;
	s2 =	sadd.s32 $0x400, s30  }
0x47: {  	[tilespmem:s21], [sflag:$0x2] =	stream.indirect.gather [hbm4b:s4+s20], $0x80, s31, s20, $0xb8;
	[tilespmem:$0x1E800] =	vst v63  }
0x48: {  	p0 =	sne.s32 s30, $0x4800;
	_ =	swait.ge [sflag:s22], $0x4000  }
0x49: {  	[sflag:s22] =	ssyncset.done $0x0  }
0x4a: {  	s30 =	sadd.s32 $0x1400, s29;
	[sflag:s22] =	ssyncadd.s32 $0xFFFFC000  }
0x4b: {  	[spmem:s1] =	stream.indirect.scatter.add.f32 [tilespmem:s17], [sflag:$0x3], $0x80, s30, s20, $0xb8;
	[tilespmem:$0x1E800] =	vst v63  }
0x4c: {  	_ =	swait.ge [sflag:s18], $0x4000  }
0x4d: {  	[sflag:s18] =	ssyncset.done $0x0  }
0x4e: {  	s30 =	sadd.s32 $0x100, s29;
	[sflag:s18] =	ssyncadd.s32 $0xFFFFC000  }
0x4f: {  	[tilespmem:s17], [sflag:$0x1] =	stream.indirect.gather [hbm4b:s4+s20], $0x80, s30, s20, $0xb8;
	[tilespmem:$0x1E800] =	vst v63  }
0x50: {  	_ =	swait.ge [sflag:s23], $0x4000  }
.Ltmp0:
0x51: {  	[sflag:s23] =	ssyncset.done $0x0;
	(pc) =	sbr.rel @p0 .LBB2_2-.Ltmp0, $4  }
0x52: {  	s29 =	sadd.s32 $0x1480, s29;
	[sflag:s23] =	ssyncadd.s32 $0xFFFFC000  }
0x53: {  	[spmem:s1] =	stream.indirect.scatter.add.f32 [tilespmem:s21], [sflag:$0x3], $0x80, s29, s20, $0xb8;
	[tilespmem:$0x1E800] =	vst v63  }
0x54: {  	_ =	swait.ge [sflag:s18], $0x4000  }
0x55: {  	s30 =	smov.u32 s2;
	s29 =	sshra.s32 s0, $0x2;
	[sflag:s18] =	ssyncset.done $0x0  }
0x56: {  	s0 =	sadd.s32 $0x80, s29;
	[sflag:s18] =	ssyncadd.s32 $0xFFFFC000  }
0x57: {  	[tilespmem:s21], [sflag:$0x2] =	stream.indirect.gather [hbm4b:s4+s20], $0x80, s0, s20, $0xb8;
	[tilespmem:$0x1E800] =	vst v63  }
0x58: {  	_ =	swait.ge [sflag:s22], $0x4000  }
0x59: {  	[sflag:s22] =	ssyncset.done $0x0  }
0x5a: {  	s2 =	sadd.s32 $0x1400, s29;
	[sflag:s22] =	ssyncadd.s32 $0xFFFFC000  }
0x5b: {  	[spmem:s1] =	stream.indirect.scatter.add.f32 [tilespmem:s17], [sflag:$0x3], $0x80, s2, s20, $0xb8;
	[tilespmem:$0x1E800] =	vst v63  }
0x5c: {  	_ =	swait.ge [sflag:s18], $0x4000  }
0x5d: {  	[sflag:s18] =	ssyncset.done $0x0  }
0x5e: {  	s31 =	sadd.s32 $0x100, s29;
	[sflag:s18] =	ssyncadd.s32 $0xFFFFC000  }
0x5f: {  	[tilespmem:s17], [sflag:$0x1] =	stream.indirect.gather [hbm4b:s4+s20], $0x80, s31, s20, $0xb8;
	[tilespmem:$0x1E800] =	vst v63  }
0x60: {  	_ =	swait.ge [sflag:s23], $0x4000  }
0x61: {  	[sflag:s23] =	ssyncset.done $0x0  }
0x62: {  	s2 =	sadd.s32 $0x1480, s29;
	[sflag:s23] =	ssyncadd.s32 $0xFFFFC000  }
0x63: {  	[spmem:s1] =	stream.indirect.scatter.add.f32 [tilespmem:s21], [sflag:$0x3], $0x80, s2, s20, $0xb8;
	[tilespmem:$0x1E800] =	vst v63  }
0x64: {  	_ =	swait.ge [sflag:s18], $0x4000  }
0x65: {  	[sflag:s18] =	ssyncset.done $0x0  }
0x66: {  	[sflag:s18] =	ssyncadd.s32 $0xFFFFC000  }
0x67: {  	[tilespmem:s21], [sflag:$0x2] =	stream.indirect.gather [hbm4b:s4+s20], $0x80, s24, s20, $0xb8;
	[tilespmem:$0x1E800] =	vst v63  }
0x68: {  	_ =	swait.ge [sflag:s22], $0x4000  }
0x69: {  	[sflag:s22] =	ssyncset.done $0x0  }
0x6a: {  	[sflag:s22] =	ssyncadd.s32 $0xFFFFC000  }
0x6b: {  	[spmem:s1] =	stream.indirect.scatter.add.f32 [tilespmem:s17], [sflag:$0x3], $0x80, s25, s20, $0xb8;
	[tilespmem:$0x1E800] =	vst v63  }
0x6c: {  	_ =	swait.ge [sflag:s18], $0x4000  }
0x6d: {  	[sflag:s18] =	ssyncset.done $0x0  }
0x6e: {  	[sflag:s18] =	ssyncadd.s32 $0xFFFFC000  }
0x6f: {  	_ =	swait.ge [sflag:s23], $0x4000  }
0x70: {  	[sflag:s23] =	ssyncset.done $0x0  }
0x71: {  	[sflag:s23] =	ssyncadd.s32 $0xFFFFC000  }
0x72: {  	[spmem:s1] =	stream.indirect.scatter.add.f32 [tilespmem:s21], [sflag:$0x3], $0x80, s26, s20, $0xb8;
	[tilespmem:$0x1E800] =	vst v63  }
0x73: {  	_ =	swait.ge [sflag:s18], $0x4000  }
0x74: {  	[sflag:s18] =	ssyncset.done $0x0  }
0x75: {  	s31 =	simm.s32 $0x0;
	[sflag:s18] =	ssyncadd.s32 $0xFFFFC000  }
0x76: {  	[tilespmem:s31], [sflag:$0x3] =	stream.linear.gather [hbm4b:s13+s31], $0x1400, $0x38;
	[tilespmem:$0x1E800] =	vst v63  }
0x77: {  	_ =	swait.ge [sflag:s18], $0x1400  }
0x78: {  	[sflag:s18] =	ssyncset.done $0x0  }
0x79: {  	[sflag:s18] =	ssyncadd.s32 $0xFFFFEC00  }
0x7a: {  	[tilespmem:s19], [sflag:$0x3] =	stream.linear.gather [hbm4b:s14+s31], $0x1400, $0x38;
	[tilespmem:$0x1E800] =	vst v63  }
0x7b: {  	_ =	swait.ge [sflag:s18], $0x1400  }
0x7c: {  	[sflag:s18] =	ssyncset.done $0x0  }
0x7d: {  	[sflag:s18] =	ssyncadd.s32 $0xFFFFEC00  }
0x7e: {  	[tilespmem:s17], [sflag:$0x1] =	stream.indirect.gather [hbm4b:s4+s20], $0x80, s31, s20, $0xb8;
	[tilespmem:$0x1E800] =	vst v63  }
0x7f: {  	s2 =	simm.s32 $0x80  }
0x80: {  	[tilespmem:s21], [sflag:$0x2] =	stream.indirect.gather [hbm4b:s4+s20], $0x80, s2, s20, $0xb8;
	[tilespmem:$0x1E800] =	vst v63  }
0x81: {  	_ =	swait.ge [sflag:s22], $0x4000  }
0x82: {  	[sflag:s22] =	ssyncset.done $0x0  }
0x83: {  	s31 =	simm.s32 $0x1400;
	[sflag:s22] =	ssyncadd.s32 $0xFFFFC000  }
0x84: {  	[spmem:s1] =	stream.indirect.scatter.add.f32 [tilespmem:s17], [sflag:$0x3], $0x80, s31, s20, $0xb8;
	[tilespmem:$0x1E800] =	vst v63  }
0x85: {  	_ =	swait.ge [sflag:s18], $0x4000  }
0x86: {  	[sflag:s18] =	ssyncset.done $0x0  }
0x87: {  	s2 =	simm.s32 $0x100;
	[sflag:s18] =	ssyncadd.s32 $0xFFFFC000  }
0x88: {  	[tilespmem:s17], [sflag:$0x1] =	stream.indirect.gather [hbm4b:s4+s20], $0x80, s2, s20, $0xb8;
	[tilespmem:$0x1E800] =	vst v63  }
0x89: {  	_ =	swait.ge [sflag:s23], $0x4000  }
0x8a: {  	[sflag:s23] =	ssyncset.done $0x0  }
0x8b: {  	s31 =	simm.s32 $0x1480;
	[sflag:s23] =	ssyncadd.s32 $0xFFFFC000  }
0x8c: {  	[spmem:s1] =	stream.indirect.scatter.add.f32 [tilespmem:s21], [sflag:$0x3], $0x80, s31, s20, $0xb8;
	[tilespmem:$0x1E800] =	vst v63  }
0x8d: {  	_ =	swait.ge [sflag:s18], $0x4000  }
0x8e: {  	s30 =	simm.s32 $0x800;
	s29 =	simm.s32 $0x100;
	[sflag:s18] =	ssyncset.done $0x0  }
.LBB2_4:
0x8f: {  	s0 =	sadd.s32 $0x80, s29  }
0x90: {  	[sflag:s18] =	ssyncadd.s32 $0xFFFFC000;
	s2 =	smov.u32 s30;
	s31 =	sadd.s32 $0x400, s30  }
0x91: {  	[tilespmem:s21], [sflag:$0x2] =	stream.indirect.gather [hbm4b:s4+s20], $0x80, s0, s20, $0xb8;
	[tilespmem:$0x1E800] =	vst v63  }
0x92: {  	p0 =	sne.s32 s30, $0x4800;
	_ =	swait.ge [sflag:s22], $0x4000  }
0x93: {  	[sflag:s22] =	ssyncset.done $0x0  }
0x94: {  	s0 =	sadd.s32 $0x1400, s29;
	[sflag:s22] =	ssyncadd.s32 $0xFFFFC000  }
0x95: {  	[spmem:s1] =	stream.indirect.scatter.add.f32 [tilespmem:s17], [sflag:$0x3], $0x80, s0, s20, $0xb8;
	[tilespmem:$0x1E800] =	vst v63  }
0x96: {  	_ =	swait.ge [sflag:s18], $0x4000  }
0x97: {  	[sflag:s18] =	ssyncset.done $0x0  }
0x98: {  	s0 =	sadd.s32 $0x100, s29;
	[sflag:s18] =	ssyncadd.s32 $0xFFFFC000  }
0x99: {  	[tilespmem:s17], [sflag:$0x1] =	stream.indirect.gather [hbm4b:s4+s20], $0x80, s0, s20, $0xb8;
	[tilespmem:$0x1E800] =	vst v63  }
0x9a: {  	_ =	swait.ge [sflag:s23], $0x4000  }
.Ltmp1:
0x9b: {  	[sflag:s23] =	ssyncset.done $0x0;
	(pc) =	sbr.rel @p0 .LBB2_4-.Ltmp1, $4  }
0x9c: {  	s0 =	sadd.s32 $0x1480, s29;
	[sflag:s23] =	ssyncadd.s32 $0xFFFFC000  }
0x9d: {  	[spmem:s1] =	stream.indirect.scatter.add.f32 [tilespmem:s21], [sflag:$0x3], $0x80, s0, s20, $0xb8;
	[tilespmem:$0x1E800] =	vst v63  }
0x9e: {  	_ =	swait.ge [sflag:s18], $0x4000  }
0x9f: {  	s30 =	smov.u32 s31;
	s29 =	sshra.s32 s2, $0x2;
	[sflag:s18] =	ssyncset.done $0x0  }
0xa0: {  	s0 =	sadd.s32 $0x80, s29;
	[sflag:s18] =	ssyncadd.s32 $0xFFFFC000  }
0xa1: {  	[tilespmem:s21], [sflag:$0x2] =	stream.indirect.gather [hbm4b:s4+s20], $0x80, s0, s20, $0xb8;
	[tilespmem:$0x1E800] =	vst v63  }
0xa2: {  	_ =	swait.ge [sflag:s22], $0x4000  }
0xa3: {  	[sflag:s22] =	ssyncset.done $0x0  }
0xa4: {  	s31 =	sadd.s32 $0x1400, s29;
	[sflag:s22] =	ssyncadd.s32 $0xFFFFC000  }
0xa5: {  	[spmem:s1] =	stream.indirect.scatter.add.f32 [tilespmem:s17], [sflag:$0x3], $0x80, s31, s20, $0xb8;
	[tilespmem:$0x1E800] =	vst v63  }
0xa6: {  	_ =	swait.ge [sflag:s18], $0x4000  }
0xa7: {  	[sflag:s18] =	ssyncset.done $0x0  }
0xa8: {  	s2 =	sadd.s32 $0x100, s29;
	[sflag:s18] =	ssyncadd.s32 $0xFFFFC000  }
0xa9: {  	[tilespmem:s17], [sflag:$0x1] =	stream.indirect.gather [hbm4b:s4+s20], $0x80, s2, s20, $0xb8;
	[tilespmem:$0x1E800] =	vst v63  }
0xaa: {  	_ =	swait.ge [sflag:s23], $0x4000  }
0xab: {  	[sflag:s23] =	ssyncset.done $0x0  }
0xac: {  	s30 =	sadd.s32 $0x1480, s29;
	[sflag:s23] =	ssyncadd.s32 $0xFFFFC000  }
0xad: {  	[spmem:s1] =	stream.indirect.scatter.add.f32 [tilespmem:s21], [sflag:$0x3], $0x80, s30, s20, $0xb8;
	[tilespmem:$0x1E800] =	vst v63  }
0xae: {  	_ =	swait.ge [sflag:s18], $0x4000  }
0xaf: {  	[sflag:s18] =	ssyncset.done $0x0  }
0xb0: {  	[sflag:s18] =	ssyncadd.s32 $0xFFFFC000  }
0xb1: {  	[tilespmem:s21], [sflag:$0x2] =	stream.indirect.gather [hbm4b:s4+s20], $0x80, s24, s20, $0xb8;
	[tilespmem:$0x1E800] =	vst v63  }
0xb2: {  	_ =	swait.ge [sflag:s22], $0x4000  }
0xb3: {  	[sflag:s22] =	ssyncset.done $0x0  }
0xb4: {  	[sflag:s22] =	ssyncadd.s32 $0xFFFFC000  }
0xb5: {  	[spmem:s1] =	stream.indirect.scatter.add.f32 [tilespmem:s17], [sflag:$0x3], $0x80, s25, s20, $0xb8;
	[tilespmem:$0x1E800] =	vst v63  }
0xb6: {  	_ =	swait.ge [sflag:s18], $0x4000  }
0xb7: {  	[sflag:s18] =	ssyncset.done $0x0  }
0xb8: {  	[sflag:s18] =	ssyncadd.s32 $0xFFFFC000  }
0xb9: {  	_ =	swait.ge [sflag:s23], $0x4000  }
0xba: {  	[sflag:s23] =	ssyncset.done $0x0  }
0xbb: {  	[sflag:s23] =	ssyncadd.s32 $0xFFFFC000  }
0xbc: {  	[spmem:s1] =	stream.indirect.scatter.add.f32 [tilespmem:s21], [sflag:$0x3], $0x80, s26, s20, $0xb8;
	[tilespmem:$0x1E800] =	vst v63  }
0xbd: {  	s31 =	stileid.u32;
	_ =	swait.ge [sflag:s18], $0x4000  }
0xbe: {  	s28 =	sadd.s32 $0x1, s28;
	s0 =	sshll.u32 s31, $0x6;
	[sflag:s18] =	ssyncset.done $0x0  }
0xbf: {  	p0 =	sne.s32 s28, s16;
	s0 =	sor.u32 $0x1C03, s0;
	[sflag:s18] =	ssyncadd.s32 $0xFFFFC000  }
.Ltmp2:
0xc0: {  	s2 =	sshrl.u32 s6, $0x3;
	[bflag:$0x0] =	sbarrier.arrive $0xFFFF;
	(pc) =	sbr.rel @p0 .LBB2_1-.Ltmp2, $4  }
0xc1: {  	[hbm:s15], [sflag:s0] =	dma.local [spmem:s2], $0x2800  }
0xc2: {  	_ =	swait.ge [sflag:s18], $0x2800  }
0xc3: {  	[sflag:s18] =	ssyncset.done $0x0  }
0xc4: {  	[sflag:s18] =	ssyncadd.s32 $0xFFFFD800  }
0xc5: {  	_ =	sfence.sel $0x180000  }
0xc6: {  	[bflag:$0x0] =	sbarrier.arrive $0xFFFF  }
0xc7: {  	_ =	strace $0x9000004A  }
0xc8: {  	s0 =	stileid.u32;
	[bflag:$0x2] =	sbarrier.arrive $0xFFFF  }
0xc9: {  	p0 =	sne.s32 s0, $0x0;
	s0 =	rddreg [dreg:$0x2]  }
0xca: {  	s0 =	sadd.s32 @!p0 $0x100000, s0  }
0xcb: {  	[sflag:s0] =	ssyncadd.tile.s32 @!p0 $0x1;
	_ =	shalt  }
.Lfunc_end2:
_tile_overlayer_lowered:
.L_overlay_start_2:
0xcc: {  	(tag) =	ssettag $0x2  }
0xcd: {  	s0 =	rddreg [dreg:$0x0];
	s2 =	stileid.u32  }
0xce: {  	s1 =	rddreg [dreg:$0x1];
	p0 =	sne.s32 s2, $0x0  }
0xcf: {  	s3 =	rddreg [dreg:$0x2];
	[bflag:$0x3] =	sbarrier.arrive $0xFFFF;
	s2 =	simm.s32 @!p0 $0x1C03  }
0xd0: {  	[timem:s3], [sflag:s2] =	dma.local @!p0 [hbm:s0], s1  }
0xd1: {  	s0 =	simm.s32 @!p0 $0x3  }
0xd2: {  	_ =	swait.ge @!p0 [sflag:s0], s1  }
0xd3: {  	s1 =	ssub.s32 @!p0 $0x0, s1;
	[sflag:s0] =	ssyncset.done @!p0 $0x0  }
0xd4: {  	[sflag:s0] =	ssyncadd.s32 @!p0 s1  }
0xd5: {  	[bflag:$0x3] =	sbarrier.arrive $0xFFFF  }
0xd6: {  	_ =	shalt  }

// kernel: kernel.17.cloned.1.call-start
scs
__scs_entry_jumppad:
0x0: {  	(pc) =	sbr.rel $0x88, $3  }
0x1: {  	(tag) =	ssettag $0x0;
	lr =	simm.s32 $0x1  }
0x2: {  	[smem:$0x3F94] =	sst lr;
	_ =	strace $0xD0000000  }
0x3: {  	_ = 	snop  }
0x4: {  	_ = 	snop  }
0x5: {  	_ = 	snop  }
0x6: {  	_ = 	snop  }
0x7: {  	_ = 	snop  }
__scs_overlays_trampoline_lowered:
0x8: {  	[smem:$0x3FA3] =	sst s0  }
0x9: {  	[smem:$0x3FA4] =	sst s1  }
0xa: {  	[smem:$0x3FA5] =	sst s2  }
0xb: {  	[smem:$0x3FA6] =	sst s3  }
0xc: {  	[smem:$0x3FA7] =	sst s4  }
0xd: {  	[smem:$0x3FA8] =	sst s5  }
0xe: {  	[smem:$0x3FA9] =	sst s6  }
0xf: {  	[smem:$0x3FAA] =	sst s7  }
0x10: {  	[smem:$0x3FAB] =	sst s8  }
0x11: {  	[smem:$0x3FAC] =	sst s9;
	s0 =	simm.s32 @!p0 $0x0  }
0x12: {  	s1 =	sld [smem:$0x3F92];
	s0 =	simm.s32 @p0 $0x1  }
0x13: {  	[smem:$0x3FAD] =	sst s0;
	s0 =	simm.s32 @!p1 $0x0  }
0x14: {  	s2 =	sld [smem:$0x3F91];
	s0 =	simm.s32 @p1 $0x1  }
0x15: {  	[smem:$0x3FAE] =	sst s0;
	s0 =	simm.s32 @!p2 $0x0  }
0x16: {  	s3 =	sld [smem:$0x3FDB];
	s0 =	simm.s32 @p2 $0x1  }
0x17: {  	s4 =	simm.s32 $0x1BF5;
	[smem:$0x3FB0] =	sst s0  }
0x18: {  	s0 =	sld [smem:$0x3F93];
	_ =	swait.ge [sflag:s4], $0x0  }
0x19: {  	s7 =	sld [smem:$0x3F94]  }
0x1a: {  	s8 =	sadd.s32 $0xFFFFE003, lr  }
0x1b: {  	s9 =	sadd.s32 $0xFFFFFEF7, lr;
	s5 =	simm.s32 $0xFFFFFFFF;
	p2 =	slt.u32 s8, $0xFFFFF086  }
0x1c: {  	p1 =	slt.u32 s9, $0xF7A;
	s5 =	simm.s32 @!p2 $0x0  }
0x1d: {  	s5 =	simm.s32 @p1 $0x1;
	p0 =	seq.s32 s7, s2  }
0x1e: {  	s7 =	smul.u32 @!p0 $0xF7A, s2;
	p2 =	seq.s32 @!p0 s5, $0x0  }
0x1f: {  	s9 =	smul.u32 $0xF7A, s1;
	s8 =	simm.s32 @!p0 $0x1BF5;
	p2 =	por !p2, p0  }
0x20: {  	[sflag:s8] =	ssyncset.s32 @!p0 $0xFFFFF086;
	s6 =	sadd.s32 @!p0 s3, s7;
	s7 =	simm.s32 @!p0 $0x108  }
0x21: {  	s3 =	sadd.s32 s3, s9;
	s6 =	sadd.s32 @!p0 $0x88, s6;
	s7 =	simm.s32 @p2 $0x1082  }
0x22: {  	[simem:s7], [sflag:s8] =	dma.local @!p0 [hbm:s6], $0xF7A  }
0x23: {  	s9 =	sor.u32 $0xD0000000, s2;
	s6 =	simm.s32 $0x108;
	_ =	swait.ge @!p0 [sflag:s8], $0x0  }
0x24: {  	s3 =	sadd.s32 $0x88, s3;
	s6 =	simm.s32 @!p1 $0x1082;
	[sflag:s4] =	ssyncset.s32 $0xFFFFF086  }
0x25: {  	[simem:s6], [sflag:s4] =	dma.local [hbm:s3], $0xF7A  }
0x26: {  	[smem:$0x3F94] =	sst s1;
	(tag) =	ssettag s2;
	_ =	strace s9  }
0x27: {  	s1 =	sld [smem:$0x3FA4]  }
0x28: {  	s2 =	sld [smem:$0x3FA5]  }
0x29: {  	s4 =	sld [smem:$0x3FA7]  }
0x2a: {  	p0 =	seq.s32 s5, $0x0;
	s5 =	sld [smem:$0x3FA8]  }
0x2b: {  	s6 =	sld [smem:$0x3FA9]  }
0x2c: {  	s7 =	sld [smem:$0x3FAA]  }
0x2d: {  	s3 =	simm.s32 $0x108;
	s8 =	sld [smem:$0x3FAB]  }
0x2e: {  	s3 =	simm.s32 @!p0 $0x1082;
	s9 =	sld [smem:$0x3FAC]  }
0x2f: {  	lr =	sadd.s32 s0, s3;
	s0 =	sld [smem:$0x3FA3]  }
0x30: {  	s3 =	sld [smem:$0x3FA6]  }
0x31: {  	[smem:$0x3FAF] =	sst s10  }
0x32: {  	s10 =	sld [smem:$0x3FAD];
	_ =	sdelay $0x3  }
0x33: {  	p0 =	seq.s32 s10, $0x1;
	s10 =	sld [smem:$0x3FAF];
	_ =	sdelay $0x3  }
0x34: {  	[smem:$0x3FAF] =	sst s10  }
0x35: {  	s10 =	sld [smem:$0x3FAE];
	_ =	sdelay $0x3  }
0x36: {  	p1 =	seq.s32 s10, $0x1;
	s10 =	sld [smem:$0x3FAF];
	_ =	sdelay $0x3  }
0x37: {  	[smem:$0x3FAF] =	sst s10  }
0x38: {  	s10 =	sld [smem:$0x3FB0]  }
0x39: {  	_ = 	snop;
	(pc) =	sbr.ind lr, $3  }
0x3a: {  	_ = 	snop  }
0x3b: {  	_ = 	snop  }
0x3c: {  	p2 =	seq.s32 s10, $0x1;
	s10 =	sld [smem:$0x3FAF]  }
0x3d: {  	_ =	shalt  }
0x3e: {  	_ =	shalt  }
0x3f: {  	_ =	shalt  }
0x40: {  	_ =	shalt  }
0x41: {  	_ =	shalt  }
0x42: {  	_ =	shalt  }
0x43: {  	_ =	shalt  }
0x44: {  	_ =	shalt  }
0x45: {  	_ =	shalt  }
0x46: {  	_ =	shalt  }
0x47: {  	_ =	shalt  }
0x48: {  	_ =	shalt  }
0x49: {  	_ =	shalt  }
0x4a: {  	_ =	shalt  }
0x4b: {  	_ =	shalt  }
0x4c: {  	_ =	shalt  }
0x4d: {  	_ =	shalt  }
0x4e: {  	_ =	shalt  }
0x4f: {  	_ =	shalt  }
0x50: {  	_ =	shalt  }
0x51: {  	_ =	shalt  }
0x52: {  	_ =	shalt  }
0x53: {  	_ =	shalt  }
0x54: {  	_ =	shalt  }
0x55: {  	_ =	shalt  }
0x56: {  	_ =	shalt  }
0x57: {  	_ =	shalt  }
0x58: {  	_ =	shalt  }
0x59: {  	_ =	shalt  }
0x5a: {  	_ =	shalt  }
0x5b: {  	_ =	shalt  }
0x5c: {  	_ =	shalt  }
0x5d: {  	_ =	shalt  }
0x5e: {  	_ =	shalt  }
0x5f: {  	_ =	shalt  }
0x60: {  	_ =	shalt  }
0x61: {  	_ =	shalt  }
0x62: {  	_ =	shalt  }
0x63: {  	_ =	shalt  }
0x64: {  	_ =	shalt  }
0x65: {  	_ =	shalt  }
0x66: {  	_ =	shalt  }
0x67: {  	_ =	shalt  }
0x68: {  	_ =	shalt  }
0x69: {  	_ =	shalt  }
0x6a: {  	_ =	shalt  }
0x6b: {  	_ =	shalt  }
0x6c: {  	_ =	shalt  }
0x6d: {  	_ =	shalt  }
0x6e: {  	_ =	shalt  }
0x6f: {  	_ =	shalt  }
0x70: {  	_ =	shalt  }
0x71: {  	_ =	shalt  }
0x72: {  	_ =	shalt  }
0x73: {  	_ =	shalt  }
0x74: {  	_ =	shalt  }
0x75: {  	_ =	shalt  }
0x76: {  	_ =	shalt  }
0x77: {  	_ =	shalt  }
0x78: {  	_ =	shalt  }
0x79: {  	_ =	shalt  }
0x7a: {  	_ =	shalt  }
0x7b: {  	_ =	shalt  }
0x7c: {  	_ =	shalt  }
0x7d: {  	_ =	shalt  }
0x7e: {  	_ =	shalt  }
0x7f: {  	_ =	shalt  }
0x80: {  	_ =	shalt  }
0x81: {  	_ =	shalt  }
0x82: {  	_ =	shalt  }
0x83: {  	_ =	shalt  }
0x84: {  	_ =	shalt  }
0x85: {  	_ =	shalt  }
0x86: {  	_ =	shalt  }
0x87: {  	_ =	shalt  }
.Lfunc_end0:
.L_simem_size_0:
called_computation.2_lowered:
.L_overlay_start_0:
0x88: {  	s2 =	sld [smem:$0x3FD9]  }
0x89: {  	s3 =	sld [smem:$0x3FFE];
	_ =	sdelay $0x1  }
0x8a: {  	s1 =	srdreg.scid  }
0x8b: {  	s0 =	sand.u32 $0x1, s1  }
0x8c: {  	s16 =	sshll.u32 s0, $0xA;
	s2 =	sadd.s32 s3, s2  }
0x8d: {  	s2 =	sadd.s32 s2, s16  }
0x8e: {  	[smem:$0x3FBB] =	sst s2  }
0x8f: {  	_ = 	snop  }
0x90: {  	(tm) =	ssettm $0x1  }
0x91: {  	s17 =	sld [smem:$0x3FFB];
	_ =	sdelay $0x3  }
0x92: {  	_ =	strace s17  }
0x93: {  	s2 =	sld [smem:$0x3FFC];
	_ =	sdelay $0x3  }
0x94: {  	_ =	strace s2  }
0x95: {  	s2 =	sld [smem:$0x3FFD];
	_ =	sdelay $0x3  }
0x96: {  	_ =	strace s2  }
0x97: {  	_ =	strace $0x8FFFFFFF  }
0x98: {  	s18 =	sld [smem:$0x3FDB];
	_ =	sdelay $0x1  }
0x99: {  	s19 =	simm.s32 $_scs_section_size  }
0x9a: {  	s4 =	simm.s32 $_size__tile_overlayer_lowered;
	s5 =	simm.s32 $_tile_overlayer_lowered  }
0x9b: {  	s22 =	simm.s32 $0x1BFF;
	s21 =	sshll.u32 s5, $0x1;
	s2 =	sadd.s32 s19, s18  }
0x9c: {  	s6 =	simm.s32 $0x0;
	s20 =	sshll.u32 s4, $0x1;
	s4 =	sadd.s32 s21, s2  }
0x9d: {  	[timem:s6], [sflag:s22] =	dma.local [hbm:s4], s20  }
0x9e: {  	_ =	swait.ge [sflag:s22], s20  }
0x9f: {  	s3 =	ssub.s32 $0x0, s20;
	[sflag:s22] =	ssyncset.done $0x0  }
0xa0: {  	[sflag:s22] =	ssyncadd.s32 s3;
	_ =	sdelay $0x1  }
0xa1: {  	s23 =	simm.s32 $0x1B8B  }
0xa2: {  	_ =	swait.ge [sflag:s23], $0x1  }
0xa3: {  	[sflag:s23] =	ssyncset.done $0x0  }
0xa4: {  	s25 =	simm.s32 $0x1B8E;
	s24 =	sld [smem:$0x3FFE];
	[sflag:s23] =	ssyncadd.s32 $0xFFFFFFFF  }
0xa5: {  	s26 =	simm.s32 $execute0_lowered;
	[smem:$0x3FD2] =	sst s25  }
0xa6: {  	s4 =	sshll.u32 s26, $0x1;
	_ =	strace $0x8000004C;
	[dreg:$0x1] =	wrdreg $0xFFFFFFFF  }
0xa7: {  	s28 =	simm.s32 $_size_execute0_lowered;
	s2 =	sadd.s32 s2, s4;
	[dreg:$0x0] =	wrdreg $0x0  }
0xa8: {  	s4 =	sshll.u32 s28, $0x1;
	[dreg:$0x2] =	wrdreg s2  }
0xa9: {  	[dreg:$0x3] =	wrdreg s4  }
0xaa: {  	[dreg:$0x4] =	wrdreg $0xC0  }
0xab: {  	_ =	task [dreg:s6], $0x5FFFF  }
0xac: {  	[dreg:$0x1] =	wrdreg $0xFFFFFFFF  }
0xad: {  	[dreg:$0x0] =	wrdreg $0x60  }
0xae: {  	[dreg:$0x2] =	wrdreg s24  }
0xaf: {  	[dreg:$0x3] =	wrdreg $0xA8000  }
0xb0: {  	[dreg:$0x4] =	wrdreg $0x9  }
0xb1: {  	_ =	task.clear_ibuf [dreg:s6], $0x5FFFF;
	_ =	strace $0x9000004C  }
0xb2: {  	s29 =	simm.s32 $0x9;
	_ =	strace $0x8000004E  }
0xb3: {  	_ =	swait.ge [sflag:s29], $0x1  }
0xb4: {  	[sflag:s29] =	ssyncadd.s32 $0xFFFFFFFF  }
0xb5: {  	_ =	strace $0x9000004E  }
0xb6: {  	_ =	sfence  }
0xb7: {  	s30 =	sld [smem:$0x0];
	_ =	sdelay $0x2  }
0xb8: {  	s31 =	sshll.u32 s1, $0xD;
	s1 =	sshrl.u32 s1, $0x2  }
0xb9: {  	s3 =	sand.u32 $0x4000, s31;
	s1 =	sadd.s32 s1, s30  }
0xba: {  	s0 =	sor.u32 s3, s0;
	s1 =	sshll.u32 s1, $0x11  }
0xbb: {  	s0 =	sor.u32 s1, s0  }
0xbc: {  	s0 =	sadd.s32 $0x8F2B, s0  }
0xbd: {  	[sflag:s0] =	ssyncadd.remote.s32 $0x1  }
0xbe: {  	_ =	sfence.sel $0xFFFF  }
0xbf: {  	[dreg:$0x0] =	wrdreg $0xFFFFFFFF;
	(pc) =	sbr.abs _section_cstart, $3  }
0xc0: {  	[dreg:$0x1] =	wrdreg $0xFFFFFFFF  }
0xc1: {  	_ =	task.clear_ibuf [dreg:s6], $0x2FFFF;
	_ =	strace $0x9FFFFFFF  }
0xc2: {  	(tm) =	ssettm $0x7FFFFFFF  }
0xc3: {  	_ =	shalt  }
tec
execute0_lowered:
.L_overlay_start_1:
0x0: {  	(tag) =	ssettag $0x1  }
0x1: {  	s6 =	rddreg [dreg:$0x0]  }
0x2: {  	s1 =	rddreg [dreg:$0x1]  }
0x3: {  	s2 =	srdreg.scid;
	s3 =	simm.s32 $0x0;
	s0 =	stileid.u32  }
0x4: {  	s18 =	simm.s32 $0x3;
	s19 =	simm.s32 $0x1400;
	s20 =	simm.s32 $0x80  }
0x5: {  	s21 =	simm.s32 $0x6800;
	s22 =	simm.s32 $0x1;
	s23 =	simm.s32 $0x2  }
0x6: {  	s24 =	simm.s32 $0x1380;
	s25 =	simm.s32 $0x2700;
	s26 =	simm.s32 $0x2780  }
0x7: {  	s28 =	simm.s32 $0x0;
	s7 =	sand.u32 $0x1, s2;
	s8 =	smul.u32 $0x14000, s0  }
0x8: {  	[smem:$0x7FF] =	sst s3;
	s4 =	sadd.s32 $0x3E00, s6;
	s9 =	smul.u32 $0x50000, s0  }
0x9: {  	s13 =	sadd.s32 $0x35E00, s6;
	s14 =	sadd.s32 $0x2BE00, s6;
	s5 =	smul.u32 $0x140000, s7  }
0xa: {  	_ =	strace $0x8000004D;
	s29 =	ssub.s32 $0x2, s7;
	s7 =	sshll.u32 s7, $0x4  }
0xb: {  	s30 =	sshrl.u32 s29, $0x1;
	s10 =	sor.u32 s0, s7;
	s31 =	sshrl.u32 s9, $0x2  }
0xc: {  	s8 =	sadd.s32 s8, s5;
	s5 =	sadd.s32 $0x3FE00, s6;
	s11 =	smul.u32 $0x2800, s10  }
0xd: {  	s16 =	ssub.s32 s29, s30;
	s12 =	smul.u32 $0x500, s10;
	s8 =	sshrl.u32 s8, $0x3  }
0xe: {  	s16 =	smax.u32 s16, $0x1;
	s15 =	sadd.s32 s8, s6;
	s6 =	sadd.s32 s31, s1  }
0xf: {  	s17 =	sshrl.u32 s11, $0x3;
	s11 =	sadd.s32 s13, s12;
	s12 =	sadd.s32 s14, s12  }
0x10: {  	s7 =	sadd.s32 $0x4000, s6;
	s8 =	sadd.s32 $0x8000, s6;
	s9 =	sadd.s32 $0xC000, s6  }
0x11: {  	s10 =	sadd.s32 $0x10000, s6;
	s17 =	sadd.s32 $0x280, s17;
	s15 =	sadd.s32 $0x40600, s15  }
0x12: {  	s13 =	sadd.s32 s13, s17;
	s14 =	sadd.s32 s14, s17;
	s17 =	simm.s32 $0x2800  }
.LBB2_1:
0x13: {  	[tilespmem:s17], [sflag:$0x3] =	stream.linear.gather [hbm4b:s5+s3], $0x4000, $0x38;
	[tilespmem:$0x1E800] =	vst v63  }
0x14: {  	_ =	swait.ge [sflag:s18], $0x4000  }
0x15: {  	[sflag:s18] =	ssyncset.done $0x0  }
0x16: {  	[sflag:s18] =	ssyncadd.s32 $0xFFFFC000  }
0x17: {  	[spmem:s6] =	stream.linear.scatter [tilespmem:s17], [sflag:$0x3], $0x4000, $0x38;
	[tilespmem:$0x1E800] =	vst v63  }
0x18: {  	_ =	swait.ge [sflag:s18], $0x4000  }
0x19: {  	[sflag:s18] =	ssyncset.done $0x0  }
0x1a: {  	[sflag:s18] =	ssyncadd.s32 $0xFFFFC000  }
0x1b: {  	[spmem:s7] =	stream.linear.scatter [tilespmem:s17], [sflag:$0x3], $0x4000, $0x38;
	[tilespmem:$0x1E800] =	vst v63  }
0x1c: {  	_ =	swait.ge [sflag:s18], $0x4000  }
0x1d: {  	[sflag:s18] =	ssyncset.done $0x0  }
0x1e: {  	[sflag:s18] =	ssyncadd.s32 $0xFFFFC000  }
0x1f: {  	[spmem:s8] =	stream.linear.scatter [tilespmem:s17], [sflag:$0x3], $0x4000, $0x38;
	[tilespmem:$0x1E800] =	vst v63  }
0x20: {  	_ =	swait.ge [sflag:s18], $0x4000  }
0x21: {  	[sflag:s18] =	ssyncset.done $0x0  }
0x22: {  	[sflag:s18] =	ssyncadd.s32 $0xFFFFC000  }
0x23: {  	[spmem:s9] =	stream.linear.scatter [tilespmem:s17], [sflag:$0x3], $0x4000, $0x38;
	[tilespmem:$0x1E800] =	vst v63  }
0x24: {  	_ =	swait.ge [sflag:s18], $0x4000  }
0x25: {  	[sflag:s18] =	ssyncset.done $0x0  }
0x26: {  	[sflag:s18] =	ssyncadd.s32 $0xFFFFC000  }
0x27: {  	[spmem:s10] =	stream.linear.scatter [tilespmem:s17], [sflag:$0x3], $0x4000, $0x38;
	[tilespmem:$0x1E800] =	vst v63  }
0x28: {  	_ =	swait.ge [sflag:s18], $0x4000  }
0x29: {  	[sflag:s18] =	ssyncset.done $0x0  }
0x2a: {  	[sflag:s18] =	ssyncadd.s32 $0xFFFFC000  }
0x2b: {  	[bflag:$0x0] =	sbarrier.arrive $0xFFFF  }
0x2c: {  	[tilespmem:s3], [sflag:$0x3] =	stream.linear.gather [hbm4b:s11+s3], $0x1400, $0x38;
	[tilespmem:$0x1E800] =	vst v63  }
0x2d: {  	_ =	swait.ge [sflag:s18], $0x1400  }
0x2e: {  	[sflag:s18] =	ssyncset.done $0x0  }
0x2f: {  	[sflag:s18] =	ssyncadd.s32 $0xFFFFEC00  }
0x30: {  	[tilespmem:s19], [sflag:$0x3] =	stream.linear.gather [hbm4b:s12+s3], $0x1400, $0x38;
	[tilespmem:$0x1E800] =	vst v63  }
0x31: {  	_ =	swait.ge [sflag:s18], $0x1400  }
0x32: {  	[sflag:s18] =	ssyncset.done $0x0  }
0x33: {  	[sflag:s18] =	ssyncadd.s32 $0xFFFFEC00  }
0x34: {  	[tilespmem:s17], [sflag:$0x1] =	stream.indirect.gather [hbm4b:s4+s20], $0x80, s3, s20, $0xb8;
	[tilespmem:$0x1E800] =	vst v63  }
0x35: {  	s29 =	simm.s32 $0x80  }
0x36: {  	[tilespmem:s21], [sflag:$0x2] =	stream.indirect.gather [hbm4b:s4+s20], $0x80, s29, s20, $0xb8;
	[tilespmem:$0x1E800] =	vst v63  }
0x37: {  	_ =	swait.ge [sflag:s22], $0x4000  }
0x38: {  	[sflag:s22] =	ssyncset.done $0x0  }
0x39: {  	s29 =	simm.s32 $0x1400;
	[sflag:s22] =	ssyncadd.s32 $0xFFFFC000  }
0x3a: {  	[spmem:s1] =	stream.indirect.scatter.add.f32 [tilespmem:s17], [sflag:$0x3], $0x80, s29, s20, $0xb8;
	[tilespmem:$0x1E800] =	vst v63  }
0x3b: {  	_ =	swait.ge [sflag:s18], $0x4000  }
0x3c: {  	[sflag:s18] =	ssyncset.done $0x0  }
0x3d: {  	s29 =	simm.s32 $0x100;
	[sflag:s18] =	ssyncadd.s32 $0xFFFFC000  }
0x3e: {  	[tilespmem:s17], [sflag:$0x1] =	stream.indirect.gather [hbm4b:s4+s20], $0x80, s29, s20, $0xb8;
	[tilespmem:$0x1E800] =	vst v63  }
0x3f: {  	_ =	swait.ge [sflag:s23], $0x4000  }
0x40: {  	[sflag:s23] =	ssyncset.done $0x0  }
0x41: {  	s29 =	simm.s32 $0x1480;
	[sflag:s23] =	ssyncadd.s32 $0xFFFFC000  }
0x42: {  	[spmem:s1] =	stream.indirect.scatter.add.f32 [tilespmem:s21], [sflag:$0x3], $0x80, s29, s20, $0xb8;
	[tilespmem:$0x1E800] =	vst v63  }
0x43: {  	_ =	swait.ge [sflag:s18], $0x4000  }
0x44: {  	s30 =	simm.s32 $0x800;
	s29 =	simm.s32 $0x100;
	[sflag:s18] =	ssyncset.done $0x0  }
.LBB2_2:
0x45: {  	s31 =	sadd.s32 $0x80, s29  }
0x46: {  	[sflag:s18] =	ssyncadd.s32 $0xFFFFC000;
	s0 =	smov.u32 s30;
	s2 =	sadd.s32 $0x400, s30  }
0x47: {  	[tilespmem:s21], [sflag:$0x2] =	stream.indirect.gather [hbm4b:s4+s20], $0x80, s31, s20, $0xb8;
	[tilespmem:$0x1E800] =	vst v63  }
0x48: {  	p0 =	sne.s32 s30, $0x4800;
	_ =	swait.ge [sflag:s22], $0x4000  }
0x49: {  	[sflag:s22] =	ssyncset.done $0x0  }
0x4a: {  	s30 =	sadd.s32 $0x1400, s29;
	[sflag:s22] =	ssyncadd.s32 $0xFFFFC000  }
0x4b: {  	[spmem:s1] =	stream.indirect.scatter.add.f32 [tilespmem:s17], [sflag:$0x3], $0x80, s30, s20, $0xb8;
	[tilespmem:$0x1E800] =	vst v63  }
0x4c: {  	_ =	swait.ge [sflag:s18], $0x4000  }
0x4d: {  	[sflag:s18] =	ssyncset.done $0x0  }
0x4e: {  	s30 =	sadd.s32 $0x100, s29;
	[sflag:s18] =	ssyncadd.s32 $0xFFFFC000  }
0x4f: {  	[tilespmem:s17], [sflag:$0x1] =	stream.indirect.gather [hbm4b:s4+s20], $0x80, s30, s20, $0xb8;
	[tilespmem:$0x1E800] =	vst v63  }
0x50: {  	_ =	swait.ge [sflag:s23], $0x4000  }
.Ltmp0:
0x51: {  	[sflag:s23] =	ssyncset.done $0x0;
	(pc) =	sbr.rel @p0 .LBB2_2-.Ltmp0, $4  }
0x52: {  	s29 =	sadd.s32 $0x1480, s29;
	[sflag:s23] =	ssyncadd.s32 $0xFFFFC000  }
0x53: {  	[spmem:s1] =	stream.indirect.scatter.add.f32 [tilespmem:s21], [sflag:$0x3], $0x80, s29, s20, $0xb8;
	[tilespmem:$0x1E800] =	vst v63  }
0x54: {  	_ =	swait.ge [sflag:s18], $0x4000  }
0x55: {  	s30 =	smov.u32 s2;
	s29 =	sshra.s32 s0, $0x2;
	[sflag:s18] =	ssyncset.done $0x0  }
0x56: {  	s0 =	sadd.s32 $0x80, s29;
	[sflag:s18] =	ssyncadd.s32 $0xFFFFC000  }
0x57: {  	[tilespmem:s21], [sflag:$0x2] =	stream.indirect.gather [hbm4b:s4+s20], $0x80, s0, s20, $0xb8;
	[tilespmem:$0x1E800] =	vst v63  }
0x58: {  	_ =	swait.ge [sflag:s22], $0x4000  }
0x59: {  	[sflag:s22] =	ssyncset.done $0x0  }
0x5a: {  	s2 =	sadd.s32 $0x1400, s29;
	[sflag:s22] =	ssyncadd.s32 $0xFFFFC000  }
0x5b: {  	[spmem:s1] =	stream.indirect.scatter.add.f32 [tilespmem:s17], [sflag:$0x3], $0x80, s2, s20, $0xb8;
	[tilespmem:$0x1E800] =	vst v63  }
0x5c: {  	_ =	swait.ge [sflag:s18], $0x4000  }
0x5d: {  	[sflag:s18] =	ssyncset.done $0x0  }
0x5e: {  	s31 =	sadd.s32 $0x100, s29;
	[sflag:s18] =	ssyncadd.s32 $0xFFFFC000  }
0x5f: {  	[tilespmem:s17], [sflag:$0x1] =	stream.indirect.gather [hbm4b:s4+s20], $0x80, s31, s20, $0xb8;
	[tilespmem:$0x1E800] =	vst v63  }
0x60: {  	_ =	swait.ge [sflag:s23], $0x4000  }
0x61: {  	[sflag:s23] =	ssyncset.done $0x0  }
0x62: {  	s2 =	sadd.s32 $0x1480, s29;
	[sflag:s23] =	ssyncadd.s32 $0xFFFFC000  }
0x63: {  	[spmem:s1] =	stream.indirect.scatter.add.f32 [tilespmem:s21], [sflag:$0x3], $0x80, s2, s20, $0xb8;
	[tilespmem:$0x1E800] =	vst v63  }
0x64: {  	_ =	swait.ge [sflag:s18], $0x4000  }
0x65: {  	[sflag:s18] =	ssyncset.done $0x0  }
0x66: {  	[sflag:s18] =	ssyncadd.s32 $0xFFFFC000  }
0x67: {  	[tilespmem:s21], [sflag:$0x2] =	stream.indirect.gather [hbm4b:s4+s20], $0x80, s24, s20, $0xb8;
	[tilespmem:$0x1E800] =	vst v63  }
0x68: {  	_ =	swait.ge [sflag:s22], $0x4000  }
0x69: {  	[sflag:s22] =	ssyncset.done $0x0  }
0x6a: {  	[sflag:s22] =	ssyncadd.s32 $0xFFFFC000  }
0x6b: {  	[spmem:s1] =	stream.indirect.scatter.add.f32 [tilespmem:s17], [sflag:$0x3], $0x80, s25, s20, $0xb8;
	[tilespmem:$0x1E800] =	vst v63  }
0x6c: {  	_ =	swait.ge [sflag:s18], $0x4000  }
0x6d: {  	[sflag:s18] =	ssyncset.done $0x0  }
0x6e: {  	[sflag:s18] =	ssyncadd.s32 $0xFFFFC000  }
0x6f: {  	_ =	swait.ge [sflag:s23], $0x4000  }
0x70: {  	[sflag:s23] =	ssyncset.done $0x0  }
0x71: {  	[sflag:s23] =	ssyncadd.s32 $0xFFFFC000  }
0x72: {  	[spmem:s1] =	stream.indirect.scatter.add.f32 [tilespmem:s21], [sflag:$0x3], $0x80, s26, s20, $0xb8;
	[tilespmem:$0x1E800] =	vst v63  }
0x73: {  	_ =	swait.ge [sflag:s18], $0x4000  }
0x74: {  	[sflag:s18] =	ssyncset.done $0x0  }
0x75: {  	s31 =	simm.s32 $0x0;
	[sflag:s18] =	ssyncadd.s32 $0xFFFFC000  }
0x76: {  	[tilespmem:s31], [sflag:$0x3] =	stream.linear.gather [hbm4b:s13+s31], $0x1400, $0x38;
	[tilespmem:$0x1E800] =	vst v63  }
0x77: {  	_ =	swait.ge [sflag:s18], $0x1400  }
0x78: {  	[sflag:s18] =	ssyncset.done $0x0  }
0x79: {  	[sflag:s18] =	ssyncadd.s32 $0xFFFFEC00  }
0x7a: {  	[tilespmem:s19], [sflag:$0x3] =	stream.linear.gather [hbm4b:s14+s31], $0x1400, $0x38;
	[tilespmem:$0x1E800] =	vst v63  }
0x7b: {  	_ =	swait.ge [sflag:s18], $0x1400  }
0x7c: {  	[sflag:s18] =	ssyncset.done $0x0  }
0x7d: {  	[sflag:s18] =	ssyncadd.s32 $0xFFFFEC00  }
0x7e: {  	[tilespmem:s17], [sflag:$0x1] =	stream.indirect.gather [hbm4b:s4+s20], $0x80, s31, s20, $0xb8;
	[tilespmem:$0x1E800] =	vst v63  }
0x7f: {  	s2 =	simm.s32 $0x80  }
0x80: {  	[tilespmem:s21], [sflag:$0x2] =	stream.indirect.gather [hbm4b:s4+s20], $0x80, s2, s20, $0xb8;
	[tilespmem:$0x1E800] =	vst v63  }
0x81: {  	_ =	swait.ge [sflag:s22], $0x4000  }
0x82: {  	[sflag:s22] =	ssyncset.done $0x0  }
0x83: {  	s31 =	simm.s32 $0x1400;
	[sflag:s22] =	ssyncadd.s32 $0xFFFFC000  }
0x84: {  	[spmem:s1] =	stream.indirect.scatter.add.f32 [tilespmem:s17], [sflag:$0x3], $0x80, s31, s20, $0xb8;
	[tilespmem:$0x1E800] =	vst v63  }
0x85: {  	_ =	swait.ge [sflag:s18], $0x4000  }
0x86: {  	[sflag:s18] =	ssyncset.done $0x0  }
0x87: {  	s2 =	simm.s32 $0x100;
	[sflag:s18] =	ssyncadd.s32 $0xFFFFC000  }
0x88: {  	[tilespmem:s17], [sflag:$0x1] =	stream.indirect.gather [hbm4b:s4+s20], $0x80, s2, s20, $0xb8;
	[tilespmem:$0x1E800] =	vst v63  }
0x89: {  	_ =	swait.ge [sflag:s23], $0x4000  }
0x8a: {  	[sflag:s23] =	ssyncset.done $0x0  }
0x8b: {  	s31 =	simm.s32 $0x1480;
	[sflag:s23] =	ssyncadd.s32 $0xFFFFC000  }
0x8c: {  	[spmem:s1] =	stream.indirect.scatter.add.f32 [tilespmem:s21], [sflag:$0x3], $0x80, s31, s20, $0xb8;
	[tilespmem:$0x1E800] =	vst v63  }
0x8d: {  	_ =	swait.ge [sflag:s18], $0x4000  }
0x8e: {  	s30 =	simm.s32 $0x800;
	s29 =	simm.s32 $0x100;
	[sflag:s18] =	ssyncset.done $0x0  }
.LBB2_4:
0x8f: {  	s0 =	sadd.s32 $0x80, s29  }
0x90: {  	[sflag:s18] =	ssyncadd.s32 $0xFFFFC000;
	s2 =	smov.u32 s30;
	s31 =	sadd.s32 $0x400, s30  }
0x91: {  	[tilespmem:s21], [sflag:$0x2] =	stream.indirect.gather [hbm4b:s4+s20], $0x80, s0, s20, $0xb8;
	[tilespmem:$0x1E800] =	vst v63  }
0x92: {  	p0 =	sne.s32 s30, $0x4800;
	_ =	swait.ge [sflag:s22], $0x4000  }
0x93: {  	[sflag:s22] =	ssyncset.done $0x0  }
0x94: {  	s0 =	sadd.s32 $0x1400, s29;
	[sflag:s22] =	ssyncadd.s32 $0xFFFFC000  }
0x95: {  	[spmem:s1] =	stream.indirect.scatter.add.f32 [tilespmem:s17], [sflag:$0x3], $0x80, s0, s20, $0xb8;
	[tilespmem:$0x1E800] =	vst v63  }
0x96: {  	_ =	swait.ge [sflag:s18], $0x4000  }
0x97: {  	[sflag:s18] =	ssyncset.done $0x0  }
0x98: {  	s0 =	sadd.s32 $0x100, s29;
	[sflag:s18] =	ssyncadd.s32 $0xFFFFC000  }
0x99: {  	[tilespmem:s17], [sflag:$0x1] =	stream.indirect.gather [hbm4b:s4+s20], $0x80, s0, s20, $0xb8;
	[tilespmem:$0x1E800] =	vst v63  }
0x9a: {  	_ =	swait.ge [sflag:s23], $0x4000  }
.Ltmp1:
0x9b: {  	[sflag:s23] =	ssyncset.done $0x0;
	(pc) =	sbr.rel @p0 .LBB2_4-.Ltmp1, $4  }
0x9c: {  	s0 =	sadd.s32 $0x1480, s29;
	[sflag:s23] =	ssyncadd.s32 $0xFFFFC000  }
0x9d: {  	[spmem:s1] =	stream.indirect.scatter.add.f32 [tilespmem:s21], [sflag:$0x3], $0x80, s0, s20, $0xb8;
	[tilespmem:$0x1E800] =	vst v63  }
0x9e: {  	_ =	swait.ge [sflag:s18], $0x4000  }
0x9f: {  	s30 =	smov.u32 s31;
	s29 =	sshra.s32 s2, $0x2;
	[sflag:s18] =	ssyncset.done $0x0  }
0xa0: {  	s0 =	sadd.s32 $0x80, s29;
	[sflag:s18] =	ssyncadd.s32 $0xFFFFC000  }
0xa1: {  	[tilespmem:s21], [sflag:$0x2] =	stream.indirect.gather [hbm4b:s4+s20], $0x80, s0, s20, $0xb8;
	[tilespmem:$0x1E800] =	vst v63  }
0xa2: {  	_ =	swait.ge [sflag:s22], $0x4000  }
0xa3: {  	[sflag:s22] =	ssyncset.done $0x0  }
0xa4: {  	s31 =	sadd.s32 $0x1400, s29;
	[sflag:s22] =	ssyncadd.s32 $0xFFFFC000  }
0xa5: {  	[spmem:s1] =	stream.indirect.scatter.add.f32 [tilespmem:s17], [sflag:$0x3], $0x80, s31, s20, $0xb8;
	[tilespmem:$0x1E800] =	vst v63  }
0xa6: {  	_ =	swait.ge [sflag:s18], $0x4000  }
0xa7: {  	[sflag:s18] =	ssyncset.done $0x0  }
0xa8: {  	s2 =	sadd.s32 $0x100, s29;
	[sflag:s18] =	ssyncadd.s32 $0xFFFFC000  }
0xa9: {  	[tilespmem:s17], [sflag:$0x1] =	stream.indirect.gather [hbm4b:s4+s20], $0x80, s2, s20, $0xb8;
	[tilespmem:$0x1E800] =	vst v63  }
0xaa: {  	_ =	swait.ge [sflag:s23], $0x4000  }
0xab: {  	[sflag:s23] =	ssyncset.done $0x0  }
0xac: {  	s30 =	sadd.s32 $0x1480, s29;
	[sflag:s23] =	ssyncadd.s32 $0xFFFFC000  }
0xad: {  	[spmem:s1] =	stream.indirect.scatter.add.f32 [tilespmem:s21], [sflag:$0x3], $0x80, s30, s20, $0xb8;
	[tilespmem:$0x1E800] =	vst v63  }
0xae: {  	_ =	swait.ge [sflag:s18], $0x4000  }
0xaf: {  	[sflag:s18] =	ssyncset.done $0x0  }
0xb0: {  	[sflag:s18] =	ssyncadd.s32 $0xFFFFC000  }
0xb1: {  	[tilespmem:s21], [sflag:$0x2] =	stream.indirect.gather [hbm4b:s4+s20], $0x80, s24, s20, $0xb8;
	[tilespmem:$0x1E800] =	vst v63  }
0xb2: {  	_ =	swait.ge [sflag:s22], $0x4000  }
0xb3: {  	[sflag:s22] =	ssyncset.done $0x0  }
0xb4: {  	[sflag:s22] =	ssyncadd.s32 $0xFFFFC000  }
0xb5: {  	[spmem:s1] =	stream.indirect.scatter.add.f32 [tilespmem:s17], [sflag:$0x3], $0x80, s25, s20, $0xb8;
	[tilespmem:$0x1E800] =	vst v63  }
0xb6: {  	_ =	swait.ge [sflag:s18], $0x4000  }
0xb7: {  	[sflag:s18] =	ssyncset.done $0x0  }
0xb8: {  	[sflag:s18] =	ssyncadd.s32 $0xFFFFC000  }
0xb9: {  	_ =	swait.ge [sflag:s23], $0x4000  }
0xba: {  	[sflag:s23] =	ssyncset.done $0x0  }
0xbb: {  	[sflag:s23] =	ssyncadd.s32 $0xFFFFC000  }
0xbc: {  	[spmem:s1] =	stream.indirect.scatter.add.f32 [tilespmem:s21], [sflag:$0x3], $0x80, s26, s20, $0xb8;
	[tilespmem:$0x1E800] =	vst v63  }
0xbd: {  	s31 =	stileid.u32;
	_ =	swait.ge [sflag:s18], $0x4000  }
0xbe: {  	s28 =	sadd.s32 $0x1, s28;
	s0 =	sshll.u32 s31, $0x6;
	[sflag:s18] =	ssyncset.done $0x0  }
0xbf: {  	p0 =	sne.s32 s28, s16;
	s0 =	sor.u32 $0x1C03, s0;
	[sflag:s18] =	ssyncadd.s32 $0xFFFFC000  }
.Ltmp2:
0xc0: {  	s2 =	sshrl.u32 s6, $0x3;
	[bflag:$0x0] =	sbarrier.arrive $0xFFFF;
	(pc) =	sbr.rel @p0 .LBB2_1-.Ltmp2, $4  }
0xc1: {  	[hbm:s15], [sflag:s0] =	dma.local [spmem:s2], $0x2800  }
0xc2: {  	_ =	swait.ge [sflag:s18], $0x2800  }
0xc3: {  	[sflag:s18] =	ssyncset.done $0x0  }
0xc4: {  	[sflag:s18] =	ssyncadd.s32 $0xFFFFD800  }
0xc5: {  	_ =	sfence.sel $0x180000  }
0xc6: {  	[bflag:$0x0] =	sbarrier.arrive $0xFFFF  }
0xc7: {  	_ =	strace $0x9000004D  }
0xc8: {  	s0 =	stileid.u32;
	[bflag:$0x2] =	sbarrier.arrive $0xFFFF  }
0xc9: {  	p0 =	sne.s32 s0, $0x0;
	s0 =	rddreg [dreg:$0x2]  }
0xca: {  	s0 =	sadd.s32 @!p0 $0x100000, s0  }
0xcb: {  	[sflag:s0] =	ssyncadd.tile.s32 @!p0 $0x1;
	_ =	shalt  }
.Lfunc_end2:
_tile_overlayer_lowered:
.L_overlay_start_2:
0xcc: {  	(tag) =	ssettag $0x2  }
0xcd: {  	s0 =	rddreg [dreg:$0x0];
	s2 =	stileid.u32  }
0xce: {  	s1 =	rddreg [dreg:$0x1];
	p0 =	sne.s32 s2, $0x0  }
0xcf: {  	s3 =	rddreg [dreg:$0x2];
	[bflag:$0x3] =	sbarrier.arrive $0xFFFF;
	s2 =	simm.s32 @!p0 $0x1C03  }
0xd0: {  	[timem:s3], [sflag:s2] =	dma.local @!p0 [hbm:s0], s1  }
0xd1: {  	s0 =	simm.s32 @!p0 $0x3  }
0xd2: {  	_ =	swait.ge @!p0 [sflag:s0], s1  }
0xd3: {  	s1 =	ssub.s32 @!p0 $0x0, s1;
	[sflag:s0] =	ssyncset.done @!p0 $0x0  }
0xd4: {  	[sflag:s0] =	ssyncadd.s32 @!p0 s1  }
0xd5: {  	[bflag:$0x3] =	sbarrier.arrive $0xFFFF  }
0xd6: {  	_ =	shalt  }

</sc_bundles>
